<compile_context>
chip_gen: v7x
topology: tpu7x:2x2x1
jax: 0.10.2.dev20260603
libtpu: 0.0.44.dev20260713+nightly
codegen_flags: <defaults>
</compile_context>

<pallas_src>
import functools

import jax
import jax.numpy as jnp
from jax import lax
from jax.experimental import pallas as pl
from jax.experimental.pallas import tpu as pltpu
from jax.experimental.pallas import tpu_sc as plsc

FS = 0.09822694788464063
SCALE = 0.25 * FS

_NC = 2
_NS = 16
_NW = _NC * _NS

_C = 2000
_UNROLL = 5

_BL = 128000


def _sc_gather_recip(types, masses, off, h):
    n_chunks = h // _C
    assert h % _C == 0 and off % 8 == 0
    n_per = -(-n_chunks // _NW)

    mesh = plsc.VectorSubcoreMesh(core_axis_name="c", subcore_axis_name="s")

    @functools.partial(
        pl.kernel,
        out_type=jax.ShapeDtypeStruct((h,), jnp.float32),
        mesh=mesh,
        compiler_params=pltpu.CompilerParams(needs_layout_passes=False),
        scratch_types=[
            pltpu.VMEM((112,), jnp.float32),
            pltpu.VMEM((112,), jnp.float32),
            pltpu.VMEM((n_per * _C,), jnp.int32),
            pltpu.VMEM((n_per * _C,), jnp.float32),
            pltpu.SemaphoreType.DMA((n_per,)),
            pltpu.SemaphoreType.DMA((n_per,)),
        ],
    )
    def sc_kernel(types_hbm, masses_hbm, out_hbm, tab_v, recip_v, idx_v, res_v,
                  in_sems, out_sems):
        wid = lax.axis_index("s") * _NC + lax.axis_index("c")
        tab_v[pl.ds(96, 16)] = jnp.ones((16,), jnp.float32)
        pltpu.sync_copy(masses_hbm, tab_v.at[pl.ds(0, 100)])
        for j in range(112 // 16):
            recip_v[pl.ds(j * 16, 16)] = SCALE / tab_v[pl.ds(j * 16, 16)]

        cis = [jnp.minimum(wid + k * _NW, n_chunks - 1) for k in range(n_per)]

        for k in range(n_per):
            pltpu.async_copy(
                types_hbm.at[pl.ds(off + cis[k] * _C, _C)],
                idx_v.at[pl.ds(k * _C, _C)], in_sems.at[k])
        for k in range(n_per):
            pltpu.make_async_copy(
                types_hbm.at[pl.ds(off + cis[k] * _C, _C)],
                idx_v.at[pl.ds(k * _C, _C)], in_sems.at[k]).wait()

            def vec_body(i, _, k=k):
                o0 = i * (16 * _UNROLL)
                for j in range(_UNROLL):
                    o = o0 + j * 16
                    idx = idx_v[pl.ds(k * _C + o, 16)]
                    res_v[pl.ds(k * _C + o, 16)] = plsc.load_gather(recip_v, [idx])
                return 0

            lax.fori_loop(0, _C // (16 * _UNROLL), vec_body, 0)
            pltpu.async_copy(
                res_v.at[pl.ds(k * _C, _C)], out_hbm.at[pl.ds(cis[k] * _C, _C)],
                out_sems.at[k])
        for k in range(n_per):
            pltpu.make_async_copy(
                res_v.at[pl.ds(k * _C, _C)], out_hbm.at[pl.ds(cis[k] * _C, _C)],
                out_sems.at[k]).wait()

    return sc_kernel(types, masses)


def _tc_zero_fill(n, nblocks, order_dep):

    def body(dep_ref, out_ref):
        @pl.when(pl.program_id(0) < 3)
        def _():
            out_ref[...] = jnp.zeros(out_ref.shape, jnp.float32)

    return pl.pallas_call(
        body,
        grid=(nblocks,),
        in_specs=[pl.BlockSpec(memory_space=pl.ANY)],
        out_specs=pl.BlockSpec((4, 3, 1, _BL), lambda i: (0, 0, 0, i)),
        out_shape=jax.ShapeDtypeStruct((4, 3, 1, n), jnp.float32),
    )(order_dep)


def _tc_scale(mom_t, rm, block_off, nblocks, order_dep=None, alias_out=None):
    n = mom_t.shape[-1]

    def body(mom_ref, rm_ref, *rest):
        out_ref = rest[-1]
        m = mom_ref[:, 0, :]
        r = rm_ref[...].reshape(1, -1)
        base = m * r
        base2 = base + base
        base4 = base2 + base2
        out_ref[0, :, 0, :] = base
        out_ref[1, :, 0, :] = base2
        out_ref[2, :, 0, :] = base4
        out_ref[3, :, 0, :] = base4 + base4

    in_specs = [
        pl.BlockSpec((3, 1, _BL), lambda i: (0, 0, i + block_off)),
        pl.BlockSpec((_BL,), lambda i: (i,)),
    ]
    args = [mom_t, rm]
    aliases = {}
    if order_dep is not None:
        in_specs.append(pl.BlockSpec(memory_space=pl.ANY))
        args.append(order_dep)
    if alias_out is not None:
        aliases = {len(args): 0}
        in_specs.append(pl.BlockSpec(memory_space=pl.ANY))
        args.append(alias_out)

    return pl.pallas_call(
        body,
        grid=(nblocks,),
        in_specs=in_specs,
        out_specs=pl.BlockSpec((4, 3, 1, _BL), lambda i: (0, 0, 0, i + block_off)),
        out_shape=jax.ShapeDtypeStruct((4, 3, 1, n), jnp.float32),
        input_output_aliases=aliases,
    )(*args)


def kernel(momenta, types, atomic_masses):
    n = types.shape[0]
    assert momenta.shape == (n, 3, 1)

    nblocks = -(-n // _BL)
    nb1 = 3 if nblocks == 8 else nblocks // 2
    h1 = nb1 * _BL
    h2 = n - h1

    rm1 = _sc_gather_recip(types, atomic_masses, 0, h1)
    rm2 = _sc_gather_recip(types, atomic_masses, h1, h2)

    out_p = _tc_zero_fill(n, nblocks, rm1)
    mom_t = jnp.transpose(momenta, (1, 2, 0))
    out1 = _tc_scale(mom_t, rm1, 0, nb1, order_dep=out_p)
    out_q = _tc_scale(mom_t, rm2, nb1, nblocks - nb1, alias_out=out1)

    delta_q = jnp.transpose(out_q, (0, 3, 1, 2))
    delta_p = jnp.transpose(out_p, (0, 3, 1, 2))
    return (delta_p, delta_q)

# --- scband reference (transcript-rebuilt; emitter-appended) ---
"""Pipeline reference for scband-baseline-75428215653071 (READ-ONLY COPY).

The authoritative reference and input builder live on the scoring server;
editing this copy changes nothing except your own understanding.
"""

import jax, jax.numpy as jnp
import numpy as np

TIMESTEPS = (1, 2, 4, 8)
FS = 0.09822694788464063  # ase.units.fs


def setup_inputs(seed: int = 0) -> dict:
    key = jax.random.key(seed)
    k1, k2, k3 = jax.random.split(key, 3)
    N = 1_000_000
    momenta = jax.random.normal(k1, (N, 3, 1), dtype=jnp.float32)
    types = jax.random.randint(k2, (N,), 0, 100)
    # learned/registered buffer: per-element atomic masses (100 entries, all positive
    # to avoid division by zero for types not in the training set)
    atomic_masses = jax.random.uniform(k3, (100,), minval=1.0, maxval=240.0, dtype=jnp.float32)
    return {"momenta": momenta, "types": types, "atomic_masses": atomic_masses}


def reference(momenta, types, atomic_masses):
    # masses = self.atomic_masses[types]  (embedding-style gather from 100-row table)
    masses = jnp.take(atomic_masses, types, axis=0)
    masses = masses[:, None, None]  # unsqueeze(-1).unsqueeze(-1)
    # predicted_positions_base = 0.25 * fs * momenta / masses
    base = 0.25 * FS * momenta / masses
    # per-timestep predicted positions: delta_t_q = base * t
    delta_q = jnp.stack([base * float(t) for t in TIMESTEPS], axis=0)  # [T, N, 3, 1]
    # delta_t_p outputs are identically zero in the baseline
    delta_p = jnp.zeros_like(delta_q)  # [T, N, 3, 1]
    return (delta_p, delta_q)

if __name__ == "__main__":
    import jax
    _d = setup_inputs()
    print(jax.jit(kernel)(*tuple(_d.values())))

</pallas_src>

<mosaic_0001>
#map = affine_map<(d0, d1) -> (0)>
module attributes {stable_mosaic.version = 14 : i64} {
  func.func @sc_kernel(%arg0: i32, %arg1: i32, %arg2: memref<1000000xi32, #tpu.memory_space<hbm>>, %arg3: memref<100xf32, #tpu.memory_space<hbm>>, %arg4: memref<384000xf32, #tpu.memory_space<hbm>>, %arg5: memref<112xf32, #tpu.memory_space<vmem>>, %arg6: memref<112xf32, #tpu.memory_space<vmem>>, %arg7: memref<12000xi32, #tpu.memory_space<vmem>>, %arg8: memref<12000xf32, #tpu.memory_space<vmem>>, %arg9: memref<6x!tpu.dma_semaphore, #tpu.memory_space<semaphore_mem>>, %arg10: memref<6x!tpu.dma_semaphore, #tpu.memory_space<semaphore_mem>>) attributes {dimension_semantics = [#tpu.dimension_semantics<core_parallel>, #tpu.dimension_semantics<subcore_parallel>], iteration_bounds = array<i64: 2, 16>, scalar_prefetch = 0 : i64, scratch_operands = 6 : i64, tpu.core_type = #tpu.core_type<sc_vector_subcore>, window_params = [{transform_indices = #map}, {transform_indices = #map}, {transform_indices = #map}]} {
    %mul3A = arith.constant 2 : i32
    %mul3A_0 = arith.muli %arg1, %mul3A : i32
    %add3A = arith.addi %mul3A_0, %arg0 : i32
    %broadcast_in_dim3A = arith.constant 1.000000e+00 : f32
    %broadcast_in_dim3A_1 = vector.broadcast %broadcast_in_dim3A : f32 to vector<16xf32>
    %swap3A = arith.constant 96 : index
    %swap3A_2 = tpu.vector_load %arg5[%swap3A] {strides = array<i32>} : memref<112xf32, #tpu.memory_space<vmem>>, vector<16xf32>,
    tpu.vector_store %arg5[%swap3A], %broadcast_in_dim3A_1 {strides = array<i32>} : memref<112xf32, #tpu.memory_space<vmem>>, vector<16xf32>,
    "tpu.region"() ({
      %run_scoped3A = tpu.sem_alloc : memref<!tpu.dma_semaphore, #tpu.memory_space<semaphore_mem>>
      %dma_start3A_400 = arith.constant 0 : i32
      %dma_start3A_401 = tpu.memref_slice %arg5[%dma_start3A_400] : memref<112xf32, #tpu.memory_space<vmem>> -> memref<100xf32, #tpu.memory_space<vmem>>
      %dma_start3A_402 = arith.constant 0 : i32
      %dma_start3A_403 = tpu.memref_slice %arg5[%dma_start3A_402] : memref<112xf32, #tpu.memory_space<vmem>> -> memref<100xf32, #tpu.memory_space<vmem>>
      tpu.enqueue_dma source(%arg3 : memref<100xf32, #tpu.memory_space<hbm>>) target(%dma_start3A_403 : memref<100xf32, #tpu.memory_space<vmem>>) target_semaphore(%run_scoped3A : memref<!tpu.dma_semaphore, #tpu.memory_space<semaphore_mem>>)
      %dma_wait3A_404 = arith.constant 0 : i32
      %dma_wait3A_405 = tpu.memref_slice %arg5[%dma_wait3A_404] : memref<112xf32, #tpu.memory_space<vmem>> -> memref<100xf32, #tpu.memory_space<vmem>>
      %dma_wait3A_406 = arith.constant 0 : i32
      %dma_wait3A_407 = tpu.memref_slice %arg5[%dma_wait3A_406] : memref<112xf32, #tpu.memory_space<vmem>> -> memref<100xf32, #tpu.memory_space<vmem>>
      tpu.wait_dma2 semaphore(%run_scoped3A : memref<!tpu.dma_semaphore, #tpu.memory_space<semaphore_mem>>) src(%arg3 : memref<100xf32, #tpu.memory_space<hbm>>) dst(%dma_wait3A_407 : memref<100xf32, #tpu.memory_space<vmem>>)
      tpu.yield
    }) : () -> ()
    %get3A = arith.constant 0 : index
    %get3A_3 = tpu.vector_load %arg5[%get3A] {strides = array<i32>} : memref<112xf32, #tpu.memory_space<vmem>>, vector<16xf32>,
    %div3A = arith.constant 0.0245567374 : f32
    %div3A_4 = vector.broadcast %div3A : f32 to vector<16xf32>
    %div3A_5 = arith.divf %div3A_4, %get3A_3 : vector<16xf32>
    %swap3A_6 = arith.constant 0 : index
    %swap3A_7 = tpu.vector_load %arg6[%swap3A_6] {strides = array<i32>} : memref<112xf32, #tpu.memory_space<vmem>>, vector<16xf32>,
    tpu.vector_store %arg6[%swap3A_6], %div3A_5 {strides = array<i32>} : memref<112xf32, #tpu.memory_space<vmem>>, vector<16xf32>,
    %get3A_8 = arith.constant 16 : index
    %get3A_9 = tpu.vector_load %arg5[%get3A_8] {strides = array<i32>} : memref<112xf32, #tpu.memory_space<vmem>>, vector<16xf32>,
    %div3A_10 = arith.constant 0.0245567374 : f32
    %div3A_11 = vector.broadcast %div3A_10 : f32 to vector<16xf32>
    %div3A_12 = arith.divf %div3A_11, %get3A_9 : vector<16xf32>
    %swap3A_13 = arith.constant 16 : index
    %swap3A_14 = tpu.vector_load %arg6[%swap3A_13] {strides = array<i32>} : memref<112xf32, #tpu.memory_space<vmem>>, vector<16xf32>,
    tpu.vector_store %arg6[%swap3A_13], %div3A_12 {strides = array<i32>} : memref<112xf32, #tpu.memory_space<vmem>>, vector<16xf32>,
    %get3A_15 = arith.constant 32 : index
    %get3A_16 = tpu.vector_load %arg5[%get3A_15] {strides = array<i32>} : memref<112xf32, #tpu.memory_space<vmem>>, vector<16xf32>,
    %div3A_17 = arith.constant 0.0245567374 : f32
    %div3A_18 = vector.broadcast %div3A_17 : f32 to vector<16xf32>
    %div3A_19 = arith.divf %div3A_18, %get3A_16 : vector<16xf32>
    %swap3A_20 = arith.constant 32 : index
    %swap3A_21 = tpu.vector_load %arg6[%swap3A_20] {strides = array<i32>} : memref<112xf32, #tpu.memory_space<vmem>>, vector<16xf32>,
    tpu.vector_store %arg6[%swap3A_20], %div3A_19 {strides = array<i32>} : memref<112xf32, #tpu.memory_space<vmem>>, vector<16xf32>,
    %get3A_22 = arith.constant 48 : index
    %get3A_23 = tpu.vector_load %arg5[%get3A_22] {strides = array<i32>} : memref<112xf32, #tpu.memory_space<vmem>>, vector<16xf32>,
    %div3A_24 = arith.constant 0.0245567374 : f32
    %div3A_25 = vector.broadcast %div3A_24 : f32 to vector<16xf32>
    %div3A_26 = arith.divf %div3A_25, %get3A_23 : vector<16xf32>
    %swap3A_27 = arith.constant 48 : index
    %swap3A_28 = tpu.vector_load %arg6[%swap3A_27] {strides = array<i32>} : memref<112xf32, #tpu.memory_space<vmem>>, vector<16xf32>,
    tpu.vector_store %arg6[%swap3A_27], %div3A_26 {strides = array<i32>} : memref<112xf32, #tpu.memory_space<vmem>>, vector<16xf32>,
    %get3A_29 = arith.constant 64 : index
    %get3A_30 = tpu.vector_load %arg5[%get3A_29] {strides = array<i32>} : memref<112xf32, #tpu.memory_space<vmem>>, vector<16xf32>,
    %div3A_31 = arith.constant 0.0245567374 : f32
    %div3A_32 = vector.broadcast %div3A_31 : f32 to vector<16xf32>
    %div3A_33 = arith.divf %div3A_32, %get3A_30 : vector<16xf32>
    %swap3A_34 = arith.constant 64 : index
    %swap3A_35 = tpu.vector_load %arg6[%swap3A_34] {strides = array<i32>} : memref<112xf32, #tpu.memory_space<vmem>>, vector<16xf32>,
    tpu.vector_store %arg6[%swap3A_34], %div3A_33 {strides = array<i32>} : memref<112xf32, #tpu.memory_space<vmem>>, vector<16xf32>,
    %get3A_36 = arith.constant 80 : index
    %get3A_37 = tpu.vector_load %arg5[%get3A_36] {strides = array<i32>} : memref<112xf32, #tpu.memory_space<vmem>>, vector<16xf32>,
    %div3A_38 = arith.constant 0.0245567374 : f32
    %div3A_39 = vector.broadcast %div3A_38 : f32 to vector<16xf32>
    %div3A_40 = arith.divf %div3A_39, %get3A_37 : vector<16xf32>
    %swap3A_41 = arith.constant 80 : index
    %swap3A_42 = tpu.vector_load %arg6[%swap3A_41] {strides = array<i32>} : memref<112xf32, #tpu.memory_space<vmem>>, vector<16xf32>,
    tpu.vector_store %arg6[%swap3A_41], %div3A_40 {strides = array<i32>} : memref<112xf32, #tpu.memory_space<vmem>>, vector<16xf32>,
    %get3A_43 = arith.constant 96 : index
    %get3A_44 = tpu.vector_load %arg5[%get3A_43] {strides = array<i32>} : memref<112xf32, #tpu.memory_space<vmem>>, vector<16xf32>,
    %div3A_45 = arith.constant 0.0245567374 : f32
    %div3A_46 = vector.broadcast %div3A_45 : f32 to vector<16xf32>
    %div3A_47 = arith.divf %div3A_46, %get3A_44 : vector<16xf32>
    %swap3A_48 = arith.constant 96 : index
    %swap3A_49 = tpu.vector_load %arg6[%swap3A_48] {strides = array<i32>} : memref<112xf32, #tpu.memory_space<vmem>>, vector<16xf32>,
    tpu.vector_store %arg6[%swap3A_48], %div3A_47 {strides = array<i32>} : memref<112xf32, #tpu.memory_space<vmem>>, vector<16xf32>,
    %add3A_50 = arith.constant 0 : i32
    %add3A_51 = arith.addi %add3A, %add3A_50 : i32
    %min3A = arith.constant 191 : i32
    %min3A_52 = arith.minsi %add3A_51, %min3A : i32
    %add3A_53 = arith.constant 32 : i32
    %add3A_54 = arith.addi %add3A, %add3A_53 : i32
    %min3A_55 = arith.constant 191 : i32
    %min3A_56 = arith.minsi %add3A_54, %min3A_55 : i32
    %add3A_57 = arith.constant 64 : i32
    %add3A_58 = arith.addi %add3A, %add3A_57 : i32
    %min3A_59 = arith.constant 191 : i32
    %min3A_60 = arith.minsi %add3A_58, %min3A_59 : i32
    %add3A_61 = arith.constant 96 : i32
    %add3A_62 = arith.addi %add3A, %add3A_61 : i32
    %min3A_63 = arith.constant 191 : i32
    %min3A_64 = arith.minsi %add3A_62, %min3A_63 : i32
    %add3A_65 = arith.constant 128 : i32
    %add3A_66 = arith.addi %add3A, %add3A_65 : i32
    %min3A_67 = arith.constant 191 : i32
    %min3A_68 = arith.minsi %add3A_66, %min3A_67 : i32
    %add3A_69 = arith.constant 160 : i32
    %add3A_70 = arith.addi %add3A, %add3A_69 : i32
    %min3A_71 = arith.constant 191 : i32
    %min3A_72 = arith.minsi %add3A_70, %min3A_71 : i32
    %mul3A_73 = arith.constant 2000 : i32
    %mul3A_74 = arith.muli %min3A_52, %mul3A_73 : i32
    %add3A_75 = arith.constant 0 : i32
    %add3A_76 = arith.addi %add3A_75, %mul3A_74 : i32
    %dma_start3A = arith.constant 0 : i32
    %dma_start3A_77 = arith.constant 0 : i32
    %dma_start3A_78 = tpu.memref_slice %arg7[%dma_start3A_77] : memref<12000xi32, #tpu.memory_space<vmem>> -> memref<2000xi32, #tpu.memory_space<vmem>>
    %dma_start3A_79 = tpu.memref_slice %arg2[%add3A_76] : memref<1000000xi32, #tpu.memory_space<hbm>> -> memref<2000xi32, #tpu.memory_space<hbm>>
    %dma_start3A_80 = tpu.memref_slice %arg9[%dma_start3A] : memref<6x!tpu.dma_semaphore, #tpu.memory_space<semaphore_mem>> -> memref<1x!tpu.dma_semaphore, #tpu.memory_space<semaphore_mem>>
    %dma_start3A_81 = tpu.memref_squeeze %dma_start3A_80 : memref<1x!tpu.dma_semaphore, #tpu.memory_space<semaphore_mem>> -> memref<!tpu.dma_semaphore, #tpu.memory_space<semaphore_mem>>
    %dma_start3A_82 = arith.constant 0 : i32
    %dma_start3A_83 = tpu.memref_slice %arg7[%dma_start3A_82] : memref<12000xi32, #tpu.memory_space<vmem>> -> memref<2000xi32, #tpu.memory_space<vmem>>
    %dma_start3A_84 = tpu.memref_slice %arg2[%add3A_76] : memref<1000000xi32, #tpu.memory_space<hbm>> -> memref<2000xi32, #tpu.memory_space<hbm>>
    tpu.enqueue_dma source(%dma_start3A_84 : memref<2000xi32, #tpu.memory_space<hbm>>) target(%dma_start3A_83 : memref<2000xi32, #tpu.memory_space<vmem>>) target_semaphore(%dma_start3A_81 : memref<!tpu.dma_semaphore, #tpu.memory_space<semaphore_mem>>)
    %mul3A_85 = arith.constant 2000 : i32
    %mul3A_86 = arith.muli %min3A_56, %mul3A_85 : i32
    %add3A_87 = arith.constant 0 : i32
    %add3A_88 = arith.addi %add3A_87, %mul3A_86 : i32
    %dma_start3A_89 = arith.constant 1 : i32
    %dma_start3A_90 = arith.constant 2000 : i32
    %dma_start3A_91 = tpu.memref_slice %arg7[%dma_start3A_90] : memref<12000xi32, #tpu.memory_space<vmem>> -> memref<2000xi32, #tpu.memory_space<vmem>>
    %dma_start3A_92 = tpu.memref_slice %arg2[%add3A_88] : memref<1000000xi32, #tpu.memory_space<hbm>> -> memref<2000xi32, #tpu.memory_space<hbm>>
    %dma_start3A_93 = tpu.memref_slice %arg9[%dma_start3A_89] : memref<6x!tpu.dma_semaphore, #tpu.memory_space<semaphore_mem>> -> memref<1x!tpu.dma_semaphore, #tpu.memory_space<semaphore_mem>>
    %dma_start3A_94 = tpu.memref_squeeze %dma_start3A_93 : memref<1x!tpu.dma_semaphore, #tpu.memory_space<semaphore_mem>> -> memref<!tpu.dma_semaphore, #tpu.memory_space<semaphore_mem>>
    %dma_start3A_95 = arith.constant 2000 : i32
    %dma_start3A_96 = tpu.memref_slice %arg7[%dma_start3A_95] : memref<12000xi32, #tpu.memory_space<vmem>> -> memref<2000xi32, #tpu.memory_space<vmem>>
    %dma_start3A_97 = tpu.memref_slice %arg2[%add3A_88] : memref<1000000xi32, #tpu.memory_space<hbm>> -> memref<2000xi32, #tpu.memory_space<hbm>>
    tpu.enqueue_dma source(%dma_start3A_97 : memref<2000xi32, #tpu.memory_space<hbm>>) target(%dma_start3A_96 : memref<2000xi32, #tpu.memory_space<vmem>>) target_semaphore(%dma_start3A_94 : memref<!tpu.dma_semaphore, #tpu.memory_space<semaphore_mem>>)
    %mul3A_98 = arith.constant 2000 : i32
    %mul3A_99 = arith.muli %min3A_60, %mul3A_98 : i32
    %add3A_100 = arith.constant 0 : i32
    %add3A_101 = arith.addi %add3A_100, %mul3A_99 : i32
    %dma_start3A_102 = arith.constant 2 : i32
    %dma_start3A_103 = arith.constant 4000 : i32
    %dma_start3A_104 = tpu.memref_slice %arg7[%dma_start3A_103] : memref<12000xi32, #tpu.memory_space<vmem>> -> memref<2000xi32, #tpu.memory_space<vmem>>
    %dma_start3A_105 = tpu.memref_slice %arg2[%add3A_101] : memref<1000000xi32, #tpu.memory_space<hbm>> -> memref<2000xi32, #tpu.memory_space<hbm>>
    %dma_start3A_106 = tpu.memref_slice %arg9[%dma_start3A_102] : memref<6x!tpu.dma_semaphore, #tpu.memory_space<semaphore_mem>> -> memref<1x!tpu.dma_semaphore, #tpu.memory_space<semaphore_mem>>
    %dma_start3A_107 = tpu.memref_squeeze %dma_start3A_106 : memref<1x!tpu.dma_semaphore, #tpu.memory_space<semaphore_mem>> -> memref<!tpu.dma_semaphore, #tpu.memory_space<semaphore_mem>>
    %dma_start3A_108 = arith.constant 4000 : i32
    %dma_start3A_109 = tpu.memref_slice %arg7[%dma_start3A_108] : memref<12000xi32, #tpu.memory_space<vmem>> -> memref<2000xi32, #tpu.memory_space<vmem>>
    %dma_start3A_110 = tpu.memref_slice %arg2[%add3A_101] : memref<1000000xi32, #tpu.memory_space<hbm>> -> memref<2000xi32, #tpu.memory_space<hbm>>
    tpu.enqueue_dma source(%dma_start3A_110 : memref<2000xi32, #tpu.memory_space<hbm>>) target(%dma_start3A_109 : memref<2000xi32, #tpu.memory_space<vmem>>) target_semaphore(%dma_start3A_107 : memref<!tpu.dma_semaphore, #tpu.memory_space<semaphore_mem>>)
    %mul3A_111 = arith.constant 2000 : i32
    %mul3A_112 = arith.muli %min3A_64, %mul3A_111 : i32
    %add3A_113 = arith.constant 0 : i32
    %add3A_114 = arith.addi %add3A_113, %mul3A_112 : i32
    %dma_start3A_115 = arith.constant 3 : i32
    %dma_start3A_116 = arith.constant 6000 : i32
    %dma_start3A_117 = tpu.memref_slice %arg7[%dma_start3A_116] : memref<12000xi32, #tpu.memory_space<vmem>> -> memref<2000xi32, #tpu.memory_space<vmem>>
    %dma_start3A_118 = tpu.memref_slice %arg2[%add3A_114] : memref<1000000xi32, #tpu.memory_space<hbm>> -> memref<2000xi32, #tpu.memory_space<hbm>>
    %dma_start3A_119 = tpu.memref_slice %arg9[%dma_start3A_115] : memref<6x!tpu.dma_semaphore, #tpu.memory_space<semaphore_mem>> -> memref<1x!tpu.dma_semaphore, #tpu.memory_space<semaphore_mem>>
    %dma_start3A_120 = tpu.memref_squeeze %dma_start3A_119 : memref<1x!tpu.dma_semaphore, #tpu.memory_space<semaphore_mem>> -> memref<!tpu.dma_semaphore, #tpu.memory_space<semaphore_mem>>
    %dma_start3A_121 = arith.constant 6000 : i32
    %dma_start3A_122 = tpu.memref_slice %arg7[%dma_start3A_121] : memref<12000xi32, #tpu.memory_space<vmem>> -> memref<2000xi32, #tpu.memory_space<vmem>>
    %dma_start3A_123 = tpu.memref_slice %arg2[%add3A_114] : memref<1000000xi32, #tpu.memory_space<hbm>> -> memref<2000xi32, #tpu.memory_space<hbm>>
    tpu.enqueue_dma source(%dma_start3A_123 : memref<2000xi32, #tpu.memory_space<hbm>>) target(%dma_start3A_122 : memref<2000xi32, #tpu.memory_space<vmem>>) target_semaphore(%dma_start3A_120 : memref<!tpu.dma_semaphore, #tpu.memory_space<semaphore_mem>>)
    %mul3A_124 = arith.constant 2000 : i32
    %mul3A_125 = arith.muli %min3A_68, %mul3A_124 : i32
    %add3A_126 = arith.constant 0 : i32
    %add3A_127 = arith.addi %add3A_126, %mul3A_125 : i32
    %dma_start3A_128 = arith.constant 4 : i32
    %dma_start3A_129 = arith.constant 8000 : i32
    %dma_start3A_130 = tpu.memref_slice %arg7[%dma_start3A_129] : memref<12000xi32, #tpu.memory_space<vmem>> -> memref<2000xi32, #tpu.memory_space<vmem>>
    %dma_start3A_131 = tpu.memref_slice %arg2[%add3A_127] : memref<1000000xi32, #tpu.memory_space<hbm>> -> memref<2000xi32, #tpu.memory_space<hbm>>
    %dma_start3A_132 = tpu.memref_slice %arg9[%dma_start3A_128] : memref<6x!tpu.dma_semaphore, #tpu.memory_space<semaphore_mem>> -> memref<1x!tpu.dma_semaphore, #tpu.memory_space<semaphore_mem>>
    %dma_start3A_133 = tpu.memref_squeeze %dma_start3A_132 : memref<1x!tpu.dma_semaphore, #tpu.memory_space<semaphore_mem>> -> memref<!tpu.dma_semaphore, #tpu.memory_space<semaphore_mem>>
    %dma_start3A_134 = arith.constant 8000 : i32
    %dma_start3A_135 = tpu.memref_slice %arg7[%dma_start3A_134] : memref<12000xi32, #tpu.memory_space<vmem>> -> memref<2000xi32, #tpu.memory_space<vmem>>
    %dma_start3A_136 = tpu.memref_slice %arg2[%add3A_127] : memref<1000000xi32, #tpu.memory_space<hbm>> -> memref<2000xi32, #tpu.memory_space<hbm>>
    tpu.enqueue_dma source(%dma_start3A_136 : memref<2000xi32, #tpu.memory_space<hbm>>) target(%dma_start3A_135 : memref<2000xi32, #tpu.memory_space<vmem>>) target_semaphore(%dma_start3A_133 : memref<!tpu.dma_semaphore, #tpu.memory_space<semaphore_mem>>)
    %mul3A_137 = arith.constant 2000 : i32
    %mul3A_138 = arith.muli %min3A_72, %mul3A_137 : i32
    %add3A_139 = arith.constant 0 : i32
    %add3A_140 = arith.addi %add3A_139, %mul3A_138 : i32
    %dma_start3A_141 = arith.constant 5 : i32
    %dma_start3A_142 = arith.constant 10000 : i32
    %dma_start3A_143 = tpu.memref_slice %arg7[%dma_start3A_142] : memref<12000xi32, #tpu.memory_space<vmem>> -> memref<2000xi32, #tpu.memory_space<vmem>>
    %dma_start3A_144 = tpu.memref_slice %arg2[%add3A_140] : memref<1000000xi32, #tpu.memory_space<hbm>> -> memref<2000xi32, #tpu.memory_space<hbm>>
    %dma_start3A_145 = tpu.memref_slice %arg9[%dma_start3A_141] : memref<6x!tpu.dma_semaphore, #tpu.memory_space<semaphore_mem>> -> memref<1x!tpu.dma_semaphore, #tpu.memory_space<semaphore_mem>>
    %dma_start3A_146 = tpu.memref_squeeze %dma_start3A_145 : memref<1x!tpu.dma_semaphore, #tpu.memory_space<semaphore_mem>> -> memref<!tpu.dma_semaphore, #tpu.memory_space<semaphore_mem>>
    %dma_start3A_147 = arith.constant 10000 : i32
    %dma_start3A_148 = tpu.memref_slice %arg7[%dma_start3A_147] : memref<12000xi32, #tpu.memory_space<vmem>> -> memref<2000xi32, #tpu.memory_space<vmem>>
    %dma_start3A_149 = tpu.memref_slice %arg2[%add3A_140] : memref<1000000xi32, #tpu.memory_space<hbm>> -> memref<2000xi32, #tpu.memory_space<hbm>>
    tpu.enqueue_dma source(%dma_start3A_149 : memref<2000xi32, #tpu.memory_space<hbm>>) target(%dma_start3A_148 : memref<2000xi32, #tpu.memory_space<vmem>>) target_semaphore(%dma_start3A_146 : memref<!tpu.dma_semaphore, #tpu.memory_space<semaphore_mem>>)
    %mul3A_150 = arith.constant 2000 : i32
    %mul3A_151 = arith.muli %min3A_52, %mul3A_150 : i32
    %add3A_152 = arith.constant 0 : i32
    %add3A_153 = arith.addi %add3A_152, %mul3A_151 : i32
    %dma_wait3A = arith.constant 0 : i32
    %dma_wait3A_154 = arith.constant 0 : i32
    %dma_wait3A_155 = tpu.memref_slice %arg7[%dma_wait3A_154] : memref<12000xi32, #tpu.memory_space<vmem>> -> memref<2000xi32, #tpu.memory_space<vmem>>
    %dma_wait3A_156 = tpu.memref_slice %arg2[%add3A_153] : memref<1000000xi32, #tpu.memory_space<hbm>> -> memref<2000xi32, #tpu.memory_space<hbm>>
    %dma_wait3A_157 = tpu.memref_slice %arg9[%dma_wait3A] : memref<6x!tpu.dma_semaphore, #tpu.memory_space<semaphore_mem>> -> memref<1x!tpu.dma_semaphore, #tpu.memory_space<semaphore_mem>>
    %dma_wait3A_158 = tpu.memref_squeeze %dma_wait3A_157 : memref<1x!tpu.dma_semaphore, #tpu.memory_space<semaphore_mem>> -> memref<!tpu.dma_semaphore, #tpu.memory_space<semaphore_mem>>
    %dma_wait3A_159 = arith.constant 0 : i32
    %dma_wait3A_160 = tpu.memref_slice %arg7[%dma_wait3A_159] : memref<12000xi32, #tpu.memory_space<vmem>> -> memref<2000xi32, #tpu.memory_space<vmem>>
    %dma_wait3A_161 = tpu.memref_slice %arg2[%add3A_153] : memref<1000000xi32, #tpu.memory_space<hbm>> -> memref<2000xi32, #tpu.memory_space<hbm>>
    tpu.wait_dma2 semaphore(%dma_wait3A_158 : memref<!tpu.dma_semaphore, #tpu.memory_space<semaphore_mem>>) src(%dma_wait3A_161 : memref<2000xi32, #tpu.memory_space<hbm>>) dst(%dma_wait3A_160 : memref<2000xi32, #tpu.memory_space<vmem>>)
    %scan3A = arith.constant 0 : i32
    %scan3A_162 = arith.constant 0 : i32
    %scan3A_163 = arith.constant 25 : i32
    %scan3A_164 = arith.addi %scan3A_162, %scan3A_163 : i32
    %scan3A_165 = arith.constant 1 : i32
    %scan3A_166 = scf.for %scan3A_400 = %scan3A_162 to %scan3A_164 step %scan3A_165 iter_args(%scan3A_401 = %scan3A) -> (i32)  : i32 {
      %mul3A_402 = arith.constant 80 : i32
      %mul3A_403 = arith.muli %scan3A_400, %mul3A_402 : i32
      %add3A_404 = arith.constant 0 : i32
      %add3A_405 = arith.addi %mul3A_403, %add3A_404 : i32
      %add3A_406 = arith.constant 0 : i32
      %add3A_407 = arith.addi %add3A_406, %add3A_405 : i32
      %get3A_408 = arith.index_cast %add3A_407 : i32 to index
      %get3A_409 = tpu.vector_load %arg7[%get3A_408] {strides = array<i32>} : memref<12000xi32, #tpu.memory_space<vmem>>, vector<16xi32>,
      %gather3A = tpu.vector_load_idx %arg6[%get3A_409] : memref<112xf32, #tpu.memory_space<vmem>>[vector<16xi32>], vector<16xf32>,
      %add3A_410 = arith.constant 0 : i32
      %add3A_411 = arith.addi %add3A_410, %add3A_405 : i32
      %swap3A_412 = arith.index_cast %add3A_411 : i32 to index
      %swap3A_413 = tpu.vector_load %arg8[%swap3A_412] {strides = array<i32>} : memref<12000xf32, #tpu.memory_space<vmem>>, vector<16xf32>,
      tpu.vector_store %arg8[%swap3A_412], %gather3A {strides = array<i32>} : memref<12000xf32, #tpu.memory_space<vmem>>, vector<16xf32>,
      %add3A_414 = arith.constant 16 : i32
      %add3A_415 = arith.addi %mul3A_403, %add3A_414 : i32
      %add3A_416 = arith.constant 0 : i32
      %add3A_417 = arith.addi %add3A_416, %add3A_415 : i32
      %get3A_418 = arith.index_cast %add3A_417 : i32 to index
      %get3A_419 = tpu.vector_load %arg7[%get3A_418] {strides = array<i32>} : memref<12000xi32, #tpu.memory_space<vmem>>, vector<16xi32>,
      %gather3A_420 = tpu.vector_load_idx %arg6[%get3A_419] : memref<112xf32, #tpu.memory_space<vmem>>[vector<16xi32>], vector<16xf32>,
      %add3A_421 = arith.constant 0 : i32
      %add3A_422 = arith.addi %add3A_421, %add3A_415 : i32
      %swap3A_423 = arith.index_cast %add3A_422 : i32 to index
      %swap3A_424 = tpu.vector_load %arg8[%swap3A_423] {strides = array<i32>} : memref<12000xf32, #tpu.memory_space<vmem>>, vector<16xf32>,
      tpu.vector_store %arg8[%swap3A_423], %gather3A_420 {strides = array<i32>} : memref<12000xf32, #tpu.memory_space<vmem>>, vector<16xf32>,
      %add3A_425 = arith.constant 32 : i32
      %add3A_426 = arith.addi %mul3A_403, %add3A_425 : i32
      %add3A_427 = arith.constant 0 : i32
      %add3A_428 = arith.addi %add3A_427, %add3A_426 : i32
      %get3A_429 = arith.index_cast %add3A_428 : i32 to index
      %get3A_430 = tpu.vector_load %arg7[%get3A_429] {strides = array<i32>} : memref<12000xi32, #tpu.memory_space<vmem>>, vector<16xi32>,
      %gather3A_431 = tpu.vector_load_idx %arg6[%get3A_430] : memref<112xf32, #tpu.memory_space<vmem>>[vector<16xi32>], vector<16xf32>,
      %add3A_432 = arith.constant 0 : i32
      %add3A_433 = arith.addi %add3A_432, %add3A_426 : i32
      %swap3A_434 = arith.index_cast %add3A_433 : i32 to index
      %swap3A_435 = tpu.vector_load %arg8[%swap3A_434] {strides = array<i32>} : memref<12000xf32, #tpu.memory_space<vmem>>, vector<16xf32>,
      tpu.vector_store %arg8[%swap3A_434], %gather3A_431 {strides = array<i32>} : memref<12000xf32, #tpu.memory_space<vmem>>, vector<16xf32>,
      %add3A_436 = arith.constant 48 : i32
      %add3A_437 = arith.addi %mul3A_403, %add3A_436 : i32
      %add3A_438 = arith.constant 0 : i32
      %add3A_439 = arith.addi %add3A_438, %add3A_437 : i32
      %get3A_440 = arith.index_cast %add3A_439 : i32 to index
      %get3A_441 = tpu.vector_load %arg7[%get3A_440] {strides = array<i32>} : memref<12000xi32, #tpu.memory_space<vmem>>, vector<16xi32>,
      %gather3A_442 = tpu.vector_load_idx %arg6[%get3A_441] : memref<112xf32, #tpu.memory_space<vmem>>[vector<16xi32>], vector<16xf32>,
      %add3A_443 = arith.constant 0 : i32
      %add3A_444 = arith.addi %add3A_443, %add3A_437 : i32
      %swap3A_445 = arith.index_cast %add3A_444 : i32 to index
      %swap3A_446 = tpu.vector_load %arg8[%swap3A_445] {strides = array<i32>} : memref<12000xf32, #tpu.memory_space<vmem>>, vector<16xf32>,
      tpu.vector_store %arg8[%swap3A_445], %gather3A_442 {strides = array<i32>} : memref<12000xf32, #tpu.memory_space<vmem>>, vector<16xf32>,
      %add3A_447 = arith.constant 64 : i32
      %add3A_448 = arith.addi %mul3A_403, %add3A_447 : i32
      %add3A_449 = arith.constant 0 : i32
      %add3A_450 = arith.addi %add3A_449, %add3A_448 : i32
      %get3A_451 = arith.index_cast %add3A_450 : i32 to index
      %get3A_452 = tpu.vector_load %arg7[%get3A_451] {strides = array<i32>} : memref<12000xi32, #tpu.memory_space<vmem>>, vector<16xi32>,
      %gather3A_453 = tpu.vector_load_idx %arg6[%get3A_452] : memref<112xf32, #tpu.memory_space<vmem>>[vector<16xi32>], vector<16xf32>,
      %add3A_454 = arith.constant 0 : i32
      %add3A_455 = arith.addi %add3A_454, %add3A_448 : i32
      %swap3A_456 = arith.index_cast %add3A_455 : i32 to index
      %swap3A_457 = tpu.vector_load %arg8[%swap3A_456] {strides = array<i32>} : memref<12000xf32, #tpu.memory_space<vmem>>, vector<16xf32>,
      tpu.vector_store %arg8[%swap3A_456], %gather3A_453 {strides = array<i32>} : memref<12000xf32, #tpu.memory_space<vmem>>, vector<16xf32>,
      %scan3A_458 = arith.constant 0 : i32
      scf.yield %scan3A_458 : i32
    }
    %scan3A_167 = arith.constant 25 : i32
    %mul3A_168 = arith.constant 2000 : i32
    %mul3A_169 = arith.muli %min3A_52, %mul3A_168 : i32
    %dma_start3A_170 = arith.constant 0 : i32
    %dma_start3A_171 = arith.constant 0 : i32
    %dma_start3A_172 = tpu.memref_slice %arg8[%dma_start3A_171] : memref<12000xf32, #tpu.memory_space<vmem>> -> memref<2000xf32, #tpu.memory_space<vmem>>
    %dma_start3A_173 = tpu.memref_slice %arg4[%mul3A_169] : memref<384000xf32, #tpu.memory_space<hbm>> -> memref<2000xf32, #tpu.memory_space<hbm>>
    %dma_start3A_174 = tpu.memref_slice %arg10[%dma_start3A_170] : memref<6x!tpu.dma_semaphore, #tpu.memory_space<semaphore_mem>> -> memref<1x!tpu.dma_semaphore, #tpu.memory_space<semaphore_mem>>
    %dma_start3A_175 = tpu.memref_squeeze %dma_start3A_174 : memref<1x!tpu.dma_semaphore, #tpu.memory_space<semaphore_mem>> -> memref<!tpu.dma_semaphore, #tpu.memory_space<semaphore_mem>>
    %dma_start3A_176 = tpu.memref_slice %arg4[%mul3A_169] : memref<384000xf32, #tpu.memory_space<hbm>> -> memref<2000xf32, #tpu.memory_space<hbm>>
    %dma_start3A_177 = arith.constant 0 : i32
    %dma_start3A_178 = tpu.memref_slice %arg8[%dma_start3A_177] : memref<12000xf32, #tpu.memory_space<vmem>> -> memref<2000xf32, #tpu.memory_space<vmem>>
    tpu.enqueue_dma source(%dma_start3A_178 : memref<2000xf32, #tpu.memory_space<vmem>>) target(%dma_start3A_176 : memref<2000xf32, #tpu.memory_space<hbm>>) target_semaphore(%dma_start3A_175 : memref<!tpu.dma_semaphore, #tpu.memory_space<semaphore_mem>>)
    %mul3A_179 = arith.constant 2000 : i32
    %mul3A_180 = arith.muli %min3A_56, %mul3A_179 : i32
    %add3A_181 = arith.constant 0 : i32
    %add3A_182 = arith.addi %add3A_181, %mul3A_180 : i32
    %dma_wait3A_183 = arith.constant 1 : i32
    %dma_wait3A_184 = arith.constant 2000 : i32
    %dma_wait3A_185 = tpu.memref_slice %arg7[%dma_wait3A_184] : memref<12000xi32, #tpu.memory_space<vmem>> -> memref<2000xi32, #tpu.memory_space<vmem>>
    %dma_wait3A_186 = tpu.memref_slice %arg2[%add3A_182] : memref<1000000xi32, #tpu.memory_space<hbm>> -> memref<2000xi32, #tpu.memory_space<hbm>>
    %dma_wait3A_187 = tpu.memref_slice %arg9[%dma_wait3A_183] : memref<6x!tpu.dma_semaphore, #tpu.memory_space<semaphore_mem>> -> memref<1x!tpu.dma_semaphore, #tpu.memory_space<semaphore_mem>>
    %dma_wait3A_188 = tpu.memref_squeeze %dma_wait3A_187 : memref<1x!tpu.dma_semaphore, #tpu.memory_space<semaphore_mem>> -> memref<!tpu.dma_semaphore, #tpu.memory_space<semaphore_mem>>
    %dma_wait3A_189 = arith.constant 2000 : i32
    %dma_wait3A_190 = tpu.memref_slice %arg7[%dma_wait3A_189] : memref<12000xi32, #tpu.memory_space<vmem>> -> memref<2000xi32, #tpu.memory_space<vmem>>
    %dma_wait3A_191 = tpu.memref_slice %arg2[%add3A_182] : memref<1000000xi32, #tpu.memory_space<hbm>> -> memref<2000xi32, #tpu.memory_space<hbm>>
    tpu.wait_dma2 semaphore(%dma_wait3A_188 : memref<!tpu.dma_semaphore, #tpu.memory_space<semaphore_mem>>) src(%dma_wait3A_191 : memref<2000xi32, #tpu.memory_space<hbm>>) dst(%dma_wait3A_190 : memref<2000xi32, #tpu.memory_space<vmem>>)
    %scan3A_192 = arith.constant 0 : i32
    %scan3A_193 = arith.constant 0 : i32
    %scan3A_194 = arith.constant 25 : i32
    %scan3A_195 = arith.addi %scan3A_193, %scan3A_194 : i32
    %scan3A_196 = arith.constant 1 : i32
    %scan3A_197 = scf.for %scan3A_400 = %scan3A_193 to %scan3A_195 step %scan3A_196 iter_args(%scan3A_401 = %scan3A_192) -> (i32)  : i32 {
      %mul3A_402 = arith.constant 80 : i32
      %mul3A_403 = arith.muli %scan3A_400, %mul3A_402 : i32
      %add3A_404 = arith.constant 0 : i32
      %add3A_405 = arith.addi %mul3A_403, %add3A_404 : i32
      %add3A_406 = arith.constant 2000 : i32
      %add3A_407 = arith.addi %add3A_406, %add3A_405 : i32
      %get3A_408 = arith.index_cast %add3A_407 : i32 to index
      %get3A_409 = tpu.vector_load %arg7[%get3A_408] {strides = array<i32>} : memref<12000xi32, #tpu.memory_space<vmem>>, vector<16xi32>,
      %gather3A = tpu.vector_load_idx %arg6[%get3A_409] : memref<112xf32, #tpu.memory_space<vmem>>[vector<16xi32>], vector<16xf32>,
      %add3A_410 = arith.constant 2000 : i32
      %add3A_411 = arith.addi %add3A_410, %add3A_405 : i32
      %swap3A_412 = arith.index_cast %add3A_411 : i32 to index
      %swap3A_413 = tpu.vector_load %arg8[%swap3A_412] {strides = array<i32>} : memref<12000xf32, #tpu.memory_space<vmem>>, vector<16xf32>,
      tpu.vector_store %arg8[%swap3A_412], %gather3A {strides = array<i32>} : memref<12000xf32, #tpu.memory_space<vmem>>, vector<16xf32>,
      %add3A_414 = arith.constant 16 : i32
      %add3A_415 = arith.addi %mul3A_403, %add3A_414 : i32
      %add3A_416 = arith.constant 2000 : i32
      %add3A_417 = arith.addi %add3A_416, %add3A_415 : i32
      %get3A_418 = arith.index_cast %add3A_417 : i32 to index
      %get3A_419 = tpu.vector_load %arg7[%get3A_418] {strides = array<i32>} : memref<12000xi32, #tpu.memory_space<vmem>>, vector<16xi32>,
      %gather3A_420 = tpu.vector_load_idx %arg6[%get3A_419] : memref<112xf32, #tpu.memory_space<vmem>>[vector<16xi32>], vector<16xf32>,
      %add3A_421 = arith.constant 2000 : i32
      %add3A_422 = arith.addi %add3A_421, %add3A_415 : i32
      %swap3A_423 = arith.index_cast %add3A_422 : i32 to index
      %swap3A_424 = tpu.vector_load %arg8[%swap3A_423] {strides = array<i32>} : memref<12000xf32, #tpu.memory_space<vmem>>, vector<16xf32>,
      tpu.vector_store %arg8[%swap3A_423], %gather3A_420 {strides = array<i32>} : memref<12000xf32, #tpu.memory_space<vmem>>, vector<16xf32>,
      %add3A_425 = arith.constant 32 : i32
      %add3A_426 = arith.addi %mul3A_403, %add3A_425 : i32
      %add3A_427 = arith.constant 2000 : i32
      %add3A_428 = arith.addi %add3A_427, %add3A_426 : i32
      %get3A_429 = arith.index_cast %add3A_428 : i32 to index
      %get3A_430 = tpu.vector_load %arg7[%get3A_429] {strides = array<i32>} : memref<12000xi32, #tpu.memory_space<vmem>>, vector<16xi32>,
      %gather3A_431 = tpu.vector_load_idx %arg6[%get3A_430] : memref<112xf32, #tpu.memory_space<vmem>>[vector<16xi32>], vector<16xf32>,
      %add3A_432 = arith.constant 2000 : i32
      %add3A_433 = arith.addi %add3A_432, %add3A_426 : i32
      %swap3A_434 = arith.index_cast %add3A_433 : i32 to index
      %swap3A_435 = tpu.vector_load %arg8[%swap3A_434] {strides = array<i32>} : memref<12000xf32, #tpu.memory_space<vmem>>, vector<16xf32>,
      tpu.vector_store %arg8[%swap3A_434], %gather3A_431 {strides = array<i32>} : memref<12000xf32, #tpu.memory_space<vmem>>, vector<16xf32>,
      %add3A_436 = arith.constant 48 : i32
      %add3A_437 = arith.addi %mul3A_403, %add3A_436 : i32
      %add3A_438 = arith.constant 2000 : i32
      %add3A_439 = arith.addi %add3A_438, %add3A_437 : i32
      %get3A_440 = arith.index_cast %add3A_439 : i32 to index
      %get3A_441 = tpu.vector_load %arg7[%get3A_440] {strides = array<i32>} : memref<12000xi32, #tpu.memory_space<vmem>>, vector<16xi32>,
      %gather3A_442 = tpu.vector_load_idx %arg6[%get3A_441] : memref<112xf32, #tpu.memory_space<vmem>>[vector<16xi32>], vector<16xf32>,
      %add3A_443 = arith.constant 2000 : i32
      %add3A_444 = arith.addi %add3A_443, %add3A_437 : i32
      %swap3A_445 = arith.index_cast %add3A_444 : i32 to index
      %swap3A_446 = tpu.vector_load %arg8[%swap3A_445] {strides = array<i32>} : memref<12000xf32, #tpu.memory_space<vmem>>, vector<16xf32>,
      tpu.vector_store %arg8[%swap3A_445], %gather3A_442 {strides = array<i32>} : memref<12000xf32, #tpu.memory_space<vmem>>, vector<16xf32>,
      %add3A_447 = arith.constant 64 : i32
      %add3A_448 = arith.addi %mul3A_403, %add3A_447 : i32
      %add3A_449 = arith.constant 2000 : i32
      %add3A_450 = arith.addi %add3A_449, %add3A_448 : i32
      %get3A_451 = arith.index_cast %add3A_450 : i32 to index
      %get3A_452 = tpu.vector_load %arg7[%get3A_451] {strides = array<i32>} : memref<12000xi32, #tpu.memory_space<vmem>>, vector<16xi32>,
      %gather3A_453 = tpu.vector_load_idx %arg6[%get3A_452] : memref<112xf32, #tpu.memory_space<vmem>>[vector<16xi32>], vector<16xf32>,
      %add3A_454 = arith.constant 2000 : i32
      %add3A_455 = arith.addi %add3A_454, %add3A_448 : i32
      %swap3A_456 = arith.index_cast %add3A_455 : i32 to index
      %swap3A_457 = tpu.vector_load %arg8[%swap3A_456] {strides = array<i32>} : memref<12000xf32, #tpu.memory_space<vmem>>, vector<16xf32>,
      tpu.vector_store %arg8[%swap3A_456], %gather3A_453 {strides = array<i32>} : memref<12000xf32, #tpu.memory_space<vmem>>, vector<16xf32>,
      %scan3A_458 = arith.constant 0 : i32
      scf.yield %scan3A_458 : i32
    }
    %scan3A_198 = arith.constant 25 : i32
    %mul3A_199 = arith.constant 2000 : i32
    %mul3A_200 = arith.muli %min3A_56, %mul3A_199 : i32
    %dma_start3A_201 = arith.constant 1 : i32
    %dma_start3A_202 = arith.constant 2000 : i32
    %dma_start3A_203 = tpu.memref_slice %arg8[%dma_start3A_202] : memref<12000xf32, #tpu.memory_space<vmem>> -> memref<2000xf32, #tpu.memory_space<vmem>>
    %dma_start3A_204 = tpu.memref_slice %arg4[%mul3A_200] : memref<384000xf32, #tpu.memory_space<hbm>> -> memref<2000xf32, #tpu.memory_space<hbm>>
    %dma_start3A_205 = tpu.memref_slice %arg10[%dma_start3A_201] : memref<6x!tpu.dma_semaphore, #tpu.memory_space<semaphore_mem>> -> memref<1x!tpu.dma_semaphore, #tpu.memory_space<semaphore_mem>>
    %dma_start3A_206 = tpu.memref_squeeze %dma_start3A_205 : memref<1x!tpu.dma_semaphore, #tpu.memory_space<semaphore_mem>> -> memref<!tpu.dma_semaphore, #tpu.memory_space<semaphore_mem>>
    %dma_start3A_207 = tpu.memref_slice %arg4[%mul3A_200] : memref<384000xf32, #tpu.memory_space<hbm>> -> memref<2000xf32, #tpu.memory_space<hbm>>
    %dma_start3A_208 = arith.constant 2000 : i32
    %dma_start3A_209 = tpu.memref_slice %arg8[%dma_start3A_208] : memref<12000xf32, #tpu.memory_space<vmem>> -> memref<2000xf32, #tpu.memory_space<vmem>>
    tpu.enqueue_dma source(%dma_start3A_209 : memref<2000xf32, #tpu.memory_space<vmem>>) target(%dma_start3A_207 : memref<2000xf32, #tpu.memory_space<hbm>>) target_semaphore(%dma_start3A_206 : memref<!tpu.dma_semaphore, #tpu.memory_space<semaphore_mem>>)
    %mul3A_210 = arith.constant 2000 : i32
    %mul3A_211 = arith.muli %min3A_60, %mul3A_210 : i32
    %add3A_212 = arith.constant 0 : i32
    %add3A_213 = arith.addi %add3A_212, %mul3A_211 : i32
    %dma_wait3A_214 = arith.constant 2 : i32
    %dma_wait3A_215 = arith.constant 4000 : i32
    %dma_wait3A_216 = tpu.memref_slice %arg7[%dma_wait3A_215] : memref<12000xi32, #tpu.memory_space<vmem>> -> memref<2000xi32, #tpu.memory_space<vmem>>
    %dma_wait3A_217 = tpu.memref_slice %arg2[%add3A_213] : memref<1000000xi32, #tpu.memory_space<hbm>> -> memref<2000xi32, #tpu.memory_space<hbm>>
    %dma_wait3A_218 = tpu.memref_slice %arg9[%dma_wait3A_214] : memref<6x!tpu.dma_semaphore, #tpu.memory_space<semaphore_mem>> -> memref<1x!tpu.dma_semaphore, #tpu.memory_space<semaphore_mem>>
    %dma_wait3A_219 = tpu.memref_squeeze %dma_wait3A_218 : memref<1x!tpu.dma_semaphore, #tpu.memory_space<semaphore_mem>> -> memref<!tpu.dma_semaphore, #tpu.memory_space<semaphore_mem>>
    %dma_wait3A_220 = arith.constant 4000 : i32
    %dma_wait3A_221 = tpu.memref_slice %arg7[%dma_wait3A_220] : memref<12000xi32, #tpu.memory_space<vmem>> -> memref<2000xi32, #tpu.memory_space<vmem>>
    %dma_wait3A_222 = tpu.memref_slice %arg2[%add3A_213] : memref<1000000xi32, #tpu.memory_space<hbm>> -> memref<2000xi32, #tpu.memory_space<hbm>>
    tpu.wait_dma2 semaphore(%dma_wait3A_219 : memref<!tpu.dma_semaphore, #tpu.memory_space<semaphore_mem>>) src(%dma_wait3A_222 : memref<2000xi32, #tpu.memory_space<hbm>>) dst(%dma_wait3A_221 : memref<2000xi32, #tpu.memory_space<vmem>>)
    %scan3A_223 = arith.constant 0 : i32
    %scan3A_224 = arith.constant 0 : i32
    %scan3A_225 = arith.constant 25 : i32
    %scan3A_226 = arith.addi %scan3A_224, %scan3A_225 : i32
    %scan3A_227 = arith.constant 1 : i32
    %scan3A_228 = scf.for %scan3A_400 = %scan3A_224 to %scan3A_226 step %scan3A_227 iter_args(%scan3A_401 = %scan3A_223) -> (i32)  : i32 {
      %mul3A_402 = arith.constant 80 : i32
      %mul3A_403 = arith.muli %scan3A_400, %mul3A_402 : i32
      %add3A_404 = arith.constant 0 : i32
      %add3A_405 = arith.addi %mul3A_403, %add3A_404 : i32
      %add3A_406 = arith.constant 4000 : i32
      %add3A_407 = arith.addi %add3A_406, %add3A_405 : i32
      %get3A_408 = arith.index_cast %add3A_407 : i32 to index
      %get3A_409 = tpu.vector_load %arg7[%get3A_408] {strides = array<i32>} : memref<12000xi32, #tpu.memory_space<vmem>>, vector<16xi32>,
      %gather3A = tpu.vector_load_idx %arg6[%get3A_409] : memref<112xf32, #tpu.memory_space<vmem>>[vector<16xi32>], vector<16xf32>,
      %add3A_410 = arith.constant 4000 : i32
      %add3A_411 = arith.addi %add3A_410, %add3A_405 : i32
      %swap3A_412 = arith.index_cast %add3A_411 : i32 to index
      %swap3A_413 = tpu.vector_load %arg8[%swap3A_412] {strides = array<i32>} : memref<12000xf32, #tpu.memory_space<vmem>>, vector<16xf32>,
      tpu.vector_store %arg8[%swap3A_412], %gather3A {strides = array<i32>} : memref<12000xf32, #tpu.memory_space<vmem>>, vector<16xf32>,
      %add3A_414 = arith.constant 16 : i32
      %add3A_415 = arith.addi %mul3A_403, %add3A_414 : i32
      %add3A_416 = arith.constant 4000 : i32
      %add3A_417 = arith.addi %add3A_416, %add3A_415 : i32
      %get3A_418 = arith.index_cast %add3A_417 : i32 to index
      %get3A_419 = tpu.vector_load %arg7[%get3A_418] {strides = array<i32>} : memref<12000xi32, #tpu.memory_space<vmem>>, vector<16xi32>,
      %gather3A_420 = tpu.vector_load_idx %arg6[%get3A_419] : memref<112xf32, #tpu.memory_space<vmem>>[vector<16xi32>], vector<16xf32>,
      %add3A_421 = arith.constant 4000 : i32
      %add3A_422 = arith.addi %add3A_421, %add3A_415 : i32
      %swap3A_423 = arith.index_cast %add3A_422 : i32 to index
      %swap3A_424 = tpu.vector_load %arg8[%swap3A_423] {strides = array<i32>} : memref<12000xf32, #tpu.memory_space<vmem>>, vector<16xf32>,
      tpu.vector_store %arg8[%swap3A_423], %gather3A_420 {strides = array<i32>} : memref<12000xf32, #tpu.memory_space<vmem>>, vector<16xf32>,
      %add3A_425 = arith.constant 32 : i32
      %add3A_426 = arith.addi %mul3A_403, %add3A_425 : i32
      %add3A_427 = arith.constant 4000 : i32
      %add3A_428 = arith.addi %add3A_427, %add3A_426 : i32
      %get3A_429 = arith.index_cast %add3A_428 : i32 to index
      %get3A_430 = tpu.vector_load %arg7[%get3A_429] {strides = array<i32>} : memref<12000xi32, #tpu.memory_space<vmem>>, vector<16xi32>,
      %gather3A_431 = tpu.vector_load_idx %arg6[%get3A_430] : memref<112xf32, #tpu.memory_space<vmem>>[vector<16xi32>], vector<16xf32>,
      %add3A_432 = arith.constant 4000 : i32
      %add3A_433 = arith.addi %add3A_432, %add3A_426 : i32
      %swap3A_434 = arith.index_cast %add3A_433 : i32 to index
      %swap3A_435 = tpu.vector_load %arg8[%swap3A_434] {strides = array<i32>} : memref<12000xf32, #tpu.memory_space<vmem>>, vector<16xf32>,
      tpu.vector_store %arg8[%swap3A_434], %gather3A_431 {strides = array<i32>} : memref<12000xf32, #tpu.memory_space<vmem>>, vector<16xf32>,
      %add3A_436 = arith.constant 48 : i32
      %add3A_437 = arith.addi %mul3A_403, %add3A_436 : i32
      %add3A_438 = arith.constant 4000 : i32
      %add3A_439 = arith.addi %add3A_438, %add3A_437 : i32
      %get3A_440 = arith.index_cast %add3A_439 : i32 to index
      %get3A_441 = tpu.vector_load %arg7[%get3A_440] {strides = array<i32>} : memref<12000xi32, #tpu.memory_space<vmem>>, vector<16xi32>,
      %gather3A_442 = tpu.vector_load_idx %arg6[%get3A_441] : memref<112xf32, #tpu.memory_space<vmem>>[vector<16xi32>], vector<16xf32>,
      %add3A_443 = arith.constant 4000 : i32
      %add3A_444 = arith.addi %add3A_443, %add3A_437 : i32
      %swap3A_445 = arith.index_cast %add3A_444 : i32 to index
      %swap3A_446 = tpu.vector_load %arg8[%swap3A_445] {strides = array<i32>} : memref<12000xf32, #tpu.memory_space<vmem>>, vector<16xf32>,
      tpu.vector_store %arg8[%swap3A_445], %gather3A_442 {strides = array<i32>} : memref<12000xf32, #tpu.memory_space<vmem>>, vector<16xf32>,
      %add3A_447 = arith.constant 64 : i32
      %add3A_448 = arith.addi %mul3A_403, %add3A_447 : i32
      %add3A_449 = arith.constant 4000 : i32
      %add3A_450 = arith.addi %add3A_449, %add3A_448 : i32
      %get3A_451 = arith.index_cast %add3A_450 : i32 to index
      %get3A_452 = tpu.vector_load %arg7[%get3A_451] {strides = array<i32>} : memref<12000xi32, #tpu.memory_space<vmem>>, vector<16xi32>,
      %gather3A_453 = tpu.vector_load_idx %arg6[%get3A_452] : memref<112xf32, #tpu.memory_space<vmem>>[vector<16xi32>], vector<16xf32>,
      %add3A_454 = arith.constant 4000 : i32
      %add3A_455 = arith.addi %add3A_454, %add3A_448 : i32
      %swap3A_456 = arith.index_cast %add3A_455 : i32 to index
      %swap3A_457 = tpu.vector_load %arg8[%swap3A_456] {strides = array<i32>} : memref<12000xf32, #tpu.memory_space<vmem>>, vector<16xf32>,
      tpu.vector_store %arg8[%swap3A_456], %gather3A_453 {strides = array<i32>} : memref<12000xf32, #tpu.memory_space<vmem>>, vector<16xf32>,
      %scan3A_458 = arith.constant 0 : i32
      scf.yield %scan3A_458 : i32
    }
    %scan3A_229 = arith.constant 25 : i32
    %mul3A_230 = arith.constant 2000 : i32
    %mul3A_231 = arith.muli %min3A_60, %mul3A_230 : i32
    %dma_start3A_232 = arith.constant 2 : i32
    %dma_start3A_233 = arith.constant 4000 : i32
    %dma_start3A_234 = tpu.memref_slice %arg8[%dma_start3A_233] : memref<12000xf32, #tpu.memory_space<vmem>> -> memref<2000xf32, #tpu.memory_space<vmem>>
    %dma_start3A_235 = tpu.memref_slice %arg4[%mul3A_231] : memref<384000xf32, #tpu.memory_space<hbm>> -> memref<2000xf32, #tpu.memory_space<hbm>>
    %dma_start3A_236 = tpu.memref_slice %arg10[%dma_start3A_232] : memref<6x!tpu.dma_semaphore, #tpu.memory_space<semaphore_mem>> -> memref<1x!tpu.dma_semaphore, #tpu.memory_space<semaphore_mem>>
    %dma_start3A_237 = tpu.memref_squeeze %dma_start3A_236 : memref<1x!tpu.dma_semaphore, #tpu.memory_space<semaphore_mem>> -> memref<!tpu.dma_semaphore, #tpu.memory_space<semaphore_mem>>
    %dma_start3A_238 = tpu.memref_slice %arg4[%mul3A_231] : memref<384000xf32, #tpu.memory_space<hbm>> -> memref<2000xf32, #tpu.memory_space<hbm>>
    %dma_start3A_239 = arith.constant 4000 : i32
    %dma_start3A_240 = tpu.memref_slice %arg8[%dma_start3A_239] : memref<12000xf32, #tpu.memory_space<vmem>> -> memref<2000xf32, #tpu.memory_space<vmem>>
    tpu.enqueue_dma source(%dma_start3A_240 : memref<2000xf32, #tpu.memory_space<vmem>>) target(%dma_start3A_238 : memref<2000xf32, #tpu.memory_space<hbm>>) target_semaphore(%dma_start3A_237 : memref<!tpu.dma_semaphore, #tpu.memory_space<semaphore_mem>>)
    %mul3A_241 = arith.constant 2000 : i32
    %mul3A_242 = arith.muli %min3A_64, %mul3A_241 : i32
    %add3A_243 = arith.constant 0 : i32
    %add3A_244 = arith.addi %add3A_243, %mul3A_242 : i32
    %dma_wait3A_245 = arith.constant 3 : i32
    %dma_wait3A_246 = arith.constant 6000 : i32
    %dma_wait3A_247 = tpu.memref_slice %arg7[%dma_wait3A_246] : memref<12000xi32, #tpu.memory_space<vmem>> -> memref<2000xi32, #tpu.memory_space<vmem>>
    %dma_wait3A_248 = tpu.memref_slice %arg2[%add3A_244] : memref<1000000xi32, #tpu.memory_space<hbm>> -> memref<2000xi32, #tpu.memory_space<hbm>>
    %dma_wait3A_249 = tpu.memref_slice %arg9[%dma_wait3A_245] : memref<6x!tpu.dma_semaphore, #tpu.memory_space<semaphore_mem>> -> memref<1x!tpu.dma_semaphore, #tpu.memory_space<semaphore_mem>>
    %dma_wait3A_250 = tpu.memref_squeeze %dma_wait3A_249 : memref<1x!tpu.dma_semaphore, #tpu.memory_space<semaphore_mem>> -> memref<!tpu.dma_semaphore, #tpu.memory_space<semaphore_mem>>
    %dma_wait3A_251 = arith.constant 6000 : i32
    %dma_wait3A_252 = tpu.memref_slice %arg7[%dma_wait3A_251] : memref<12000xi32, #tpu.memory_space<vmem>> -> memref<2000xi32, #tpu.memory_space<vmem>>
    %dma_wait3A_253 = tpu.memref_slice %arg2[%add3A_244] : memref<1000000xi32, #tpu.memory_space<hbm>> -> memref<2000xi32, #tpu.memory_space<hbm>>
    tpu.wait_dma2 semaphore(%dma_wait3A_250 : memref<!tpu.dma_semaphore, #tpu.memory_space<semaphore_mem>>) src(%dma_wait3A_253 : memref<2000xi32, #tpu.memory_space<hbm>>) dst(%dma_wait3A_252 : memref<2000xi32, #tpu.memory_space<vmem>>)
    %scan3A_254 = arith.constant 0 : i32
    %scan3A_255 = arith.constant 0 : i32
    %scan3A_256 = arith.constant 25 : i32
    %scan3A_257 = arith.addi %scan3A_255, %scan3A_256 : i32
    %scan3A_258 = arith.constant 1 : i32
    %scan3A_259 = scf.for %scan3A_400 = %scan3A_255 to %scan3A_257 step %scan3A_258 iter_args(%scan3A_401 = %scan3A_254) -> (i32)  : i32 {
      %mul3A_402 = arith.constant 80 : i32
      %mul3A_403 = arith.muli %scan3A_400, %mul3A_402 : i32
      %add3A_404 = arith.constant 0 : i32
      %add3A_405 = arith.addi %mul3A_403, %add3A_404 : i32
      %add3A_406 = arith.constant 6000 : i32
      %add3A_407 = arith.addi %add3A_406, %add3A_405 : i32
      %get3A_408 = arith.index_cast %add3A_407 : i32 to index
      %get3A_409 = tpu.vector_load %arg7[%get3A_408] {strides = array<i32>} : memref<12000xi32, #tpu.memory_space<vmem>>, vector<16xi32>,
      %gather3A = tpu.vector_load_idx %arg6[%get3A_409] : memref<112xf32, #tpu.memory_space<vmem>>[vector<16xi32>], vector<16xf32>,
      %add3A_410 = arith.constant 6000 : i32
      %add3A_411 = arith.addi %add3A_410, %add3A_405 : i32
      %swap3A_412 = arith.index_cast %add3A_411 : i32 to index
      %swap3A_413 = tpu.vector_load %arg8[%swap3A_412] {strides = array<i32>} : memref<12000xf32, #tpu.memory_space<vmem>>, vector<16xf32>,
      tpu.vector_store %arg8[%swap3A_412], %gather3A {strides = array<i32>} : memref<12000xf32, #tpu.memory_space<vmem>>, vector<16xf32>,
      %add3A_414 = arith.constant 16 : i32
      %add3A_415 = arith.addi %mul3A_403, %add3A_414 : i32
      %add3A_416 = arith.constant 6000 : i32
      %add3A_417 = arith.addi %add3A_416, %add3A_415 : i32
      %get3A_418 = arith.index_cast %add3A_417 : i32 to index
      %get3A_419 = tpu.vector_load %arg7[%get3A_418] {strides = array<i32>} : memref<12000xi32, #tpu.memory_space<vmem>>, vector<16xi32>,
      %gather3A_420 = tpu.vector_load_idx %arg6[%get3A_419] : memref<112xf32, #tpu.memory_space<vmem>>[vector<16xi32>], vector<16xf32>,
      %add3A_421 = arith.constant 6000 : i32
      %add3A_422 = arith.addi %add3A_421, %add3A_415 : i32
      %swap3A_423 = arith.index_cast %add3A_422 : i32 to index
      %swap3A_424 = tpu.vector_load %arg8[%swap3A_423] {strides = array<i32>} : memref<12000xf32, #tpu.memory_space<vmem>>, vector<16xf32>,
      tpu.vector_store %arg8[%swap3A_423], %gather3A_420 {strides = array<i32>} : memref<12000xf32, #tpu.memory_space<vmem>>, vector<16xf32>,
      %add3A_425 = arith.constant 32 : i32
      %add3A_426 = arith.addi %mul3A_403, %add3A_425 : i32
      %add3A_427 = arith.constant 6000 : i32
      %add3A_428 = arith.addi %add3A_427, %add3A_426 : i32
      %get3A_429 = arith.index_cast %add3A_428 : i32 to index
      %get3A_430 = tpu.vector_load %arg7[%get3A_429] {strides = array<i32>} : memref<12000xi32, #tpu.memory_space<vmem>>, vector<16xi32>,
      %gather3A_431 = tpu.vector_load_idx %arg6[%get3A_430] : memref<112xf32, #tpu.memory_space<vmem>>[vector<16xi32>], vector<16xf32>,
      %add3A_432 = arith.constant 6000 : i32
      %add3A_433 = arith.addi %add3A_432, %add3A_426 : i32
      %swap3A_434 = arith.index_cast %add3A_433 : i32 to index
      %swap3A_435 = tpu.vector_load %arg8[%swap3A_434] {strides = array<i32>} : memref<12000xf32, #tpu.memory_space<vmem>>, vector<16xf32>,
      tpu.vector_store %arg8[%swap3A_434], %gather3A_431 {strides = array<i32>} : memref<12000xf32, #tpu.memory_space<vmem>>, vector<16xf32>,
      %add3A_436 = arith.constant 48 : i32
      %add3A_437 = arith.addi %mul3A_403, %add3A_436 : i32
      %add3A_438 = arith.constant 6000 : i32
      %add3A_439 = arith.addi %add3A_438, %add3A_437 : i32
      %get3A_440 = arith.index_cast %add3A_439 : i32 to index
      %get3A_441 = tpu.vector_load %arg7[%get3A_440] {strides = array<i32>} : memref<12000xi32, #tpu.memory_space<vmem>>, vector<16xi32>,
      %gather3A_442 = tpu.vector_load_idx %arg6[%get3A_441] : memref<112xf32, #tpu.memory_space<vmem>>[vector<16xi32>], vector<16xf32>,
      %add3A_443 = arith.constant 6000 : i32
      %add3A_444 = arith.addi %add3A_443, %add3A_437 : i32
      %swap3A_445 = arith.index_cast %add3A_444 : i32 to index
      %swap3A_446 = tpu.vector_load %arg8[%swap3A_445] {strides = array<i32>} : memref<12000xf32, #tpu.memory_space<vmem>>, vector<16xf32>,
      tpu.vector_store %arg8[%swap3A_445], %gather3A_442 {strides = array<i32>} : memref<12000xf32, #tpu.memory_space<vmem>>, vector<16xf32>,
      %add3A_447 = arith.constant 64 : i32
      %add3A_448 = arith.addi %mul3A_403, %add3A_447 : i32
      %add3A_449 = arith.constant 6000 : i32
      %add3A_450 = arith.addi %add3A_449, %add3A_448 : i32
      %get3A_451 = arith.index_cast %add3A_450 : i32 to index
      %get3A_452 = tpu.vector_load %arg7[%get3A_451] {strides = array<i32>} : memref<12000xi32, #tpu.memory_space<vmem>>, vector<16xi32>,
      %gather3A_453 = tpu.vector_load_idx %arg6[%get3A_452] : memref<112xf32, #tpu.memory_space<vmem>>[vector<16xi32>], vector<16xf32>,
      %add3A_454 = arith.constant 6000 : i32
      %add3A_455 = arith.addi %add3A_454, %add3A_448 : i32
      %swap3A_456 = arith.index_cast %add3A_455 : i32 to index
      %swap3A_457 = tpu.vector_load %arg8[%swap3A_456] {strides = array<i32>} : memref<12000xf32, #tpu.memory_space<vmem>>, vector<16xf32>,
      tpu.vector_store %arg8[%swap3A_456], %gather3A_453 {strides = array<i32>} : memref<12000xf32, #tpu.memory_space<vmem>>, vector<16xf32>,
      %scan3A_458 = arith.constant 0 : i32
      scf.yield %scan3A_458 : i32
    }
    %scan3A_260 = arith.constant 25 : i32
    %mul3A_261 = arith.constant 2000 : i32
    %mul3A_262 = arith.muli %min3A_64, %mul3A_261 : i32
    %dma_start3A_263 = arith.constant 3 : i32
    %dma_start3A_264 = arith.constant 6000 : i32
    %dma_start3A_265 = tpu.memref_slice %arg8[%dma_start3A_264] : memref<12000xf32, #tpu.memory_space<vmem>> -> memref<2000xf32, #tpu.memory_space<vmem>>
    %dma_start3A_266 = tpu.memref_slice %arg4[%mul3A_262] : memref<384000xf32, #tpu.memory_space<hbm>> -> memref<2000xf32, #tpu.memory_space<hbm>>
    %dma_start3A_267 = tpu.memref_slice %arg10[%dma_start3A_263] : memref<6x!tpu.dma_semaphore, #tpu.memory_space<semaphore_mem>> -> memref<1x!tpu.dma_semaphore, #tpu.memory_space<semaphore_mem>>
    %dma_start3A_268 = tpu.memref_squeeze %dma_start3A_267 : memref<1x!tpu.dma_semaphore, #tpu.memory_space<semaphore_mem>> -> memref<!tpu.dma_semaphore, #tpu.memory_space<semaphore_mem>>
    %dma_start3A_269 = tpu.memref_slice %arg4[%mul3A_262] : memref<384000xf32, #tpu.memory_space<hbm>> -> memref<2000xf32, #tpu.memory_space<hbm>>
    %dma_start3A_270 = arith.constant 6000 : i32
    %dma_start3A_271 = tpu.memref_slice %arg8[%dma_start3A_270] : memref<12000xf32, #tpu.memory_space<vmem>> -> memref<2000xf32, #tpu.memory_space<vmem>>
    tpu.enqueue_dma source(%dma_start3A_271 : memref<2000xf32, #tpu.memory_space<vmem>>) target(%dma_start3A_269 : memref<2000xf32, #tpu.memory_space<hbm>>) target_semaphore(%dma_start3A_268 : memref<!tpu.dma_semaphore, #tpu.memory_space<semaphore_mem>>)
    %mul3A_272 = arith.constant 2000 : i32
    %mul3A_273 = arith.muli %min3A_68, %mul3A_272 : i32
    %add3A_274 = arith.constant 0 : i32
    %add3A_275 = arith.addi %add3A_274, %mul3A_273 : i32
    %dma_wait3A_276 = arith.constant 4 : i32
    %dma_wait3A_277 = arith.constant 8000 : i32
    %dma_wait3A_278 = tpu.memref_slice %arg7[%dma_wait3A_277] : memref<12000xi32, #tpu.memory_space<vmem>> -> memref<2000xi32, #tpu.memory_space<vmem>>
    %dma_wait3A_279 = tpu.memref_slice %arg2[%add3A_275] : memref<1000000xi32, #tpu.memory_space<hbm>> -> memref<2000xi32, #tpu.memory_space<hbm>>
    %dma_wait3A_280 = tpu.memref_slice %arg9[%dma_wait3A_276] : memref<6x!tpu.dma_semaphore, #tpu.memory_space<semaphore_mem>> -> memref<1x!tpu.dma_semaphore, #tpu.memory_space<semaphore_mem>>
    %dma_wait3A_281 = tpu.memref_squeeze %dma_wait3A_280 : memref<1x!tpu.dma_semaphore, #tpu.memory_space<semaphore_mem>> -> memref<!tpu.dma_semaphore, #tpu.memory_space<semaphore_mem>>
    %dma_wait3A_282 = arith.constant 8000 : i32
    %dma_wait3A_283 = tpu.memref_slice %arg7[%dma_wait3A_282] : memref<12000xi32, #tpu.memory_space<vmem>> -> memref<2000xi32, #tpu.memory_space<vmem>>
    %dma_wait3A_284 = tpu.memref_slice %arg2[%add3A_275] : memref<1000000xi32, #tpu.memory_space<hbm>> -> memref<2000xi32, #tpu.memory_space<hbm>>
    tpu.wait_dma2 semaphore(%dma_wait3A_281 : memref<!tpu.dma_semaphore, #tpu.memory_space<semaphore_mem>>) src(%dma_wait3A_284 : memref<2000xi32, #tpu.memory_space<hbm>>) dst(%dma_wait3A_283 : memref<2000xi32, #tpu.memory_space<vmem>>)
    %scan3A_285 = arith.constant 0 : i32
    %scan3A_286 = arith.constant 0 : i32
    %scan3A_287 = arith.constant 25 : i32
    %scan3A_288 = arith.addi %scan3A_286, %scan3A_287 : i32
    %scan3A_289 = arith.constant 1 : i32
    %scan3A_290 = scf.for %scan3A_400 = %scan3A_286 to %scan3A_288 step %scan3A_289 iter_args(%scan3A_401 = %scan3A_285) -> (i32)  : i32 {
      %mul3A_402 = arith.constant 80 : i32
      %mul3A_403 = arith.muli %scan3A_400, %mul3A_402 : i32
      %add3A_404 = arith.constant 0 : i32
      %add3A_405 = arith.addi %mul3A_403, %add3A_404 : i32
      %add3A_406 = arith.constant 8000 : i32
      %add3A_407 = arith.addi %add3A_406, %add3A_405 : i32
      %get3A_408 = arith.index_cast %add3A_407 : i32 to index
      %get3A_409 = tpu.vector_load %arg7[%get3A_408] {strides = array<i32>} : memref<12000xi32, #tpu.memory_space<vmem>>, vector<16xi32>,
      %gather3A = tpu.vector_load_idx %arg6[%get3A_409] : memref<112xf32, #tpu.memory_space<vmem>>[vector<16xi32>], vector<16xf32>,
      %add3A_410 = arith.constant 8000 : i32
      %add3A_411 = arith.addi %add3A_410, %add3A_405 : i32
      %swap3A_412 = arith.index_cast %add3A_411 : i32 to index
      %swap3A_413 = tpu.vector_load %arg8[%swap3A_412] {strides = array<i32>} : memref<12000xf32, #tpu.memory_space<vmem>>, vector<16xf32>,
      tpu.vector_store %arg8[%swap3A_412], %gather3A {strides = array<i32>} : memref<12000xf32, #tpu.memory_space<vmem>>, vector<16xf32>,
      %add3A_414 = arith.constant 16 : i32
      %add3A_415 = arith.addi %mul3A_403, %add3A_414 : i32
      %add3A_416 = arith.constant 8000 : i32
      %add3A_417 = arith.addi %add3A_416, %add3A_415 : i32
      %get3A_418 = arith.index_cast %add3A_417 : i32 to index
      %get3A_419 = tpu.vector_load %arg7[%get3A_418] {strides = array<i32>} : memref<12000xi32, #tpu.memory_space<vmem>>, vector<16xi32>,
      %gather3A_420 = tpu.vector_load_idx %arg6[%get3A_419] : memref<112xf32, #tpu.memory_space<vmem>>[vector<16xi32>], vector<16xf32>,
      %add3A_421 = arith.constant 8000 : i32
      %add3A_422 = arith.addi %add3A_421, %add3A_415 : i32
      %swap3A_423 = arith.index_cast %add3A_422 : i32 to index
      %swap3A_424 = tpu.vector_load %arg8[%swap3A_423] {strides = array<i32>} : memref<12000xf32, #tpu.memory_space<vmem>>, vector<16xf32>,
      tpu.vector_store %arg8[%swap3A_423], %gather3A_420 {strides = array<i32>} : memref<12000xf32, #tpu.memory_space<vmem>>, vector<16xf32>,
      %add3A_425 = arith.constant 32 : i32
      %add3A_426 = arith.addi %mul3A_403, %add3A_425 : i32
      %add3A_427 = arith.constant 8000 : i32
      %add3A_428 = arith.addi %add3A_427, %add3A_426 : i32
      %get3A_429 = arith.index_cast %add3A_428 : i32 to index
      %get3A_430 = tpu.vector_load %arg7[%get3A_429] {strides = array<i32>} : memref<12000xi32, #tpu.memory_space<vmem>>, vector<16xi32>,
      %gather3A_431 = tpu.vector_load_idx %arg6[%get3A_430] : memref<112xf32, #tpu.memory_space<vmem>>[vector<16xi32>], vector<16xf32>,
      %add3A_432 = arith.constant 8000 : i32
      %add3A_433 = arith.addi %add3A_432, %add3A_426 : i32
      %swap3A_434 = arith.index_cast %add3A_433 : i32 to index
      %swap3A_435 = tpu.vector_load %arg8[%swap3A_434] {strides = array<i32>} : memref<12000xf32, #tpu.memory_space<vmem>>, vector<16xf32>,
      tpu.vector_store %arg8[%swap3A_434], %gather3A_431 {strides = array<i32>} : memref<12000xf32, #tpu.memory_space<vmem>>, vector<16xf32>,
      %add3A_436 = arith.constant 48 : i32
      %add3A_437 = arith.addi %mul3A_403, %add3A_436 : i32
      %add3A_438 = arith.constant 8000 : i32
      %add3A_439 = arith.addi %add3A_438, %add3A_437 : i32
      %get3A_440 = arith.index_cast %add3A_439 : i32 to index
      %get3A_441 = tpu.vector_load %arg7[%get3A_440] {strides = array<i32>} : memref<12000xi32, #tpu.memory_space<vmem>>, vector<16xi32>,
      %gather3A_442 = tpu.vector_load_idx %arg6[%get3A_441] : memref<112xf32, #tpu.memory_space<vmem>>[vector<16xi32>], vector<16xf32>,
      %add3A_443 = arith.constant 8000 : i32
      %add3A_444 = arith.addi %add3A_443, %add3A_437 : i32
      %swap3A_445 = arith.index_cast %add3A_444 : i32 to index
      %swap3A_446 = tpu.vector_load %arg8[%swap3A_445] {strides = array<i32>} : memref<12000xf32, #tpu.memory_space<vmem>>, vector<16xf32>,
      tpu.vector_store %arg8[%swap3A_445], %gather3A_442 {strides = array<i32>} : memref<12000xf32, #tpu.memory_space<vmem>>, vector<16xf32>,
      %add3A_447 = arith.constant 64 : i32
      %add3A_448 = arith.addi %mul3A_403, %add3A_447 : i32
      %add3A_449 = arith.constant 8000 : i32
      %add3A_450 = arith.addi %add3A_449, %add3A_448 : i32
      %get3A_451 = arith.index_cast %add3A_450 : i32 to index
      %get3A_452 = tpu.vector_load %arg7[%get3A_451] {strides = array<i32>} : memref<12000xi32, #tpu.memory_space<vmem>>, vector<16xi32>,
      %gather3A_453 = tpu.vector_load_idx %arg6[%get3A_452] : memref<112xf32, #tpu.memory_space<vmem>>[vector<16xi32>], vector<16xf32>,
      %add3A_454 = arith.constant 8000 : i32
      %add3A_455 = arith.addi %add3A_454, %add3A_448 : i32
      %swap3A_456 = arith.index_cast %add3A_455 : i32 to index
      %swap3A_457 = tpu.vector_load %arg8[%swap3A_456] {strides = array<i32>} : memref<12000xf32, #tpu.memory_space<vmem>>, vector<16xf32>,
      tpu.vector_store %arg8[%swap3A_456], %gather3A_453 {strides = array<i32>} : memref<12000xf32, #tpu.memory_space<vmem>>, vector<16xf32>,
      %scan3A_458 = arith.constant 0 : i32
      scf.yield %scan3A_458 : i32
    }
    %scan3A_291 = arith.constant 25 : i32
    %mul3A_292 = arith.constant 2000 : i32
    %mul3A_293 = arith.muli %min3A_68, %mul3A_292 : i32
    %dma_start3A_294 = arith.constant 4 : i32
    %dma_start3A_295 = arith.constant 8000 : i32
    %dma_start3A_296 = tpu.memref_slice %arg8[%dma_start3A_295] : memref<12000xf32, #tpu.memory_space<vmem>> -> memref<2000xf32, #tpu.memory_space<vmem>>
    %dma_start3A_297 = tpu.memref_slice %arg4[%mul3A_293] : memref<384000xf32, #tpu.memory_space<hbm>> -> memref<2000xf32, #tpu.memory_space<hbm>>
    %dma_start3A_298 = tpu.memref_slice %arg10[%dma_start3A_294] : memref<6x!tpu.dma_semaphore, #tpu.memory_space<semaphore_mem>> -> memref<1x!tpu.dma_semaphore, #tpu.memory_space<semaphore_mem>>
    %dma_start3A_299 = tpu.memref_squeeze %dma_start3A_298 : memref<1x!tpu.dma_semaphore, #tpu.memory_space<semaphore_mem>> -> memref<!tpu.dma_semaphore, #tpu.memory_space<semaphore_mem>>
    %dma_start3A_300 = tpu.memref_slice %arg4[%mul3A_293] : memref<384000xf32, #tpu.memory_space<hbm>> -> memref<2000xf32, #tpu.memory_space<hbm>>
    %dma_start3A_301 = arith.constant 8000 : i32
    %dma_start3A_302 = tpu.memref_slice %arg8[%dma_start3A_301] : memref<12000xf32, #tpu.memory_space<vmem>> -> memref<2000xf32, #tpu.memory_space<vmem>>
    tpu.enqueue_dma source(%dma_start3A_302 : memref<2000xf32, #tpu.memory_space<vmem>>) target(%dma_start3A_300 : memref<2000xf32, #tpu.memory_space<hbm>>) target_semaphore(%dma_start3A_299 : memref<!tpu.dma_semaphore, #tpu.memory_space<semaphore_mem>>)
    %mul3A_303 = arith.constant 2000 : i32
    %mul3A_304 = arith.muli %min3A_72, %mul3A_303 : i32
    %add3A_305 = arith.constant 0 : i32
    %add3A_306 = arith.addi %add3A_305, %mul3A_304 : i32
    %dma_wait3A_307 = arith.constant 5 : i32
    %dma_wait3A_308 = arith.constant 10000 : i32
    %dma_wait3A_309 = tpu.memref_slice %arg7[%dma_wait3A_308] : memref<12000xi32, #tpu.memory_space<vmem>> -> memref<2000xi32, #tpu.memory_space<vmem>>
    %dma_wait3A_310 = tpu.memref_slice %arg2[%add3A_306] : memref<1000000xi32, #tpu.memory_space<hbm>> -> memref<2000xi32, #tpu.memory_space<hbm>>
    %dma_wait3A_311 = tpu.memref_slice %arg9[%dma_wait3A_307] : memref<6x!tpu.dma_semaphore, #tpu.memory_space<semaphore_mem>> -> memref<1x!tpu.dma_semaphore, #tpu.memory_space<semaphore_mem>>
    %dma_wait3A_312 = tpu.memref_squeeze %dma_wait3A_311 : memref<1x!tpu.dma_semaphore, #tpu.memory_space<semaphore_mem>> -> memref<!tpu.dma_semaphore, #tpu.memory_space<semaphore_mem>>
    %dma_wait3A_313 = arith.constant 10000 : i32
    %dma_wait3A_314 = tpu.memref_slice %arg7[%dma_wait3A_313] : memref<12000xi32, #tpu.memory_space<vmem>> -> memref<2000xi32, #tpu.memory_space<vmem>>
    %dma_wait3A_315 = tpu.memref_slice %arg2[%add3A_306] : memref<1000000xi32, #tpu.memory_space<hbm>> -> memref<2000xi32, #tpu.memory_space<hbm>>
    tpu.wait_dma2 semaphore(%dma_wait3A_312 : memref<!tpu.dma_semaphore, #tpu.memory_space<semaphore_mem>>) src(%dma_wait3A_315 : memref<2000xi32, #tpu.memory_space<hbm>>) dst(%dma_wait3A_314 : memref<2000xi32, #tpu.memory_space<vmem>>)
    %scan3A_316 = arith.constant 0 : i32
    %scan3A_317 = arith.constant 0 : i32
    %scan3A_318 = arith.constant 25 : i32
    %scan3A_319 = arith.addi %scan3A_317, %scan3A_318 : i32
    %scan3A_320 = arith.constant 1 : i32
    %scan3A_321 = scf.for %scan3A_400 = %scan3A_317 to %scan3A_319 step %scan3A_320 iter_args(%scan3A_401 = %scan3A_316) -> (i32)  : i32 {
      %mul3A_402 = arith.constant 80 : i32
      %mul3A_403 = arith.muli %scan3A_400, %mul3A_402 : i32
      %add3A_404 = arith.constant 0 : i32
      %add3A_405 = arith.addi %mul3A_403, %add3A_404 : i32
      %add3A_406 = arith.constant 10000 : i32
      %add3A_407 = arith.addi %add3A_406, %add3A_405 : i32
      %get3A_408 = arith.index_cast %add3A_407 : i32 to index
      %get3A_409 = tpu.vector_load %arg7[%get3A_408] {strides = array<i32>} : memref<12000xi32, #tpu.memory_space<vmem>>, vector<16xi32>,
      %gather3A = tpu.vector_load_idx %arg6[%get3A_409] : memref<112xf32, #tpu.memory_space<vmem>>[vector<16xi32>], vector<16xf32>,
      %add3A_410 = arith.constant 10000 : i32
      %add3A_411 = arith.addi %add3A_410, %add3A_405 : i32
      %swap3A_412 = arith.index_cast %add3A_411 : i32 to index
      %swap3A_413 = tpu.vector_load %arg8[%swap3A_412] {strides = array<i32>} : memref<12000xf32, #tpu.memory_space<vmem>>, vector<16xf32>,
      tpu.vector_store %arg8[%swap3A_412], %gather3A {strides = array<i32>} : memref<12000xf32, #tpu.memory_space<vmem>>, vector<16xf32>,
      %add3A_414 = arith.constant 16 : i32
      %add3A_415 = arith.addi %mul3A_403, %add3A_414 : i32
      %add3A_416 = arith.constant 10000 : i32
      %add3A_417 = arith.addi %add3A_416, %add3A_415 : i32
      %get3A_418 = arith.index_cast %add3A_417 : i32 to index
      %get3A_419 = tpu.vector_load %arg7[%get3A_418] {strides = array<i32>} : memref<12000xi32, #tpu.memory_space<vmem>>, vector<16xi32>,
      %gather3A_420 = tpu.vector_load_idx %arg6[%get3A_419] : memref<112xf32, #tpu.memory_space<vmem>>[vector<16xi32>], vector<16xf32>,
      %add3A_421 = arith.constant 10000 : i32
      %add3A_422 = arith.addi %add3A_421, %add3A_415 : i32
      %swap3A_423 = arith.index_cast %add3A_422 : i32 to index
      %swap3A_424 = tpu.vector_load %arg8[%swap3A_423] {strides = array<i32>} : memref<12000xf32, #tpu.memory_space<vmem>>, vector<16xf32>,
      tpu.vector_store %arg8[%swap3A_423], %gather3A_420 {strides = array<i32>} : memref<12000xf32, #tpu.memory_space<vmem>>, vector<16xf32>,
      %add3A_425 = arith.constant 32 : i32
      %add3A_426 = arith.addi %mul3A_403, %add3A_425 : i32
      %add3A_427 = arith.constant 10000 : i32
      %add3A_428 = arith.addi %add3A_427, %add3A_426 : i32
      %get3A_429 = arith.index_cast %add3A_428 : i32 to index
      %get3A_430 = tpu.vector_load %arg7[%get3A_429] {strides = array<i32>} : memref<12000xi32, #tpu.memory_space<vmem>>, vector<16xi32>,
      %gather3A_431 = tpu.vector_load_idx %arg6[%get3A_430] : memref<112xf32, #tpu.memory_space<vmem>>[vector<16xi32>], vector<16xf32>,
      %add3A_432 = arith.constant 10000 : i32
      %add3A_433 = arith.addi %add3A_432, %add3A_426 : i32
      %swap3A_434 = arith.index_cast %add3A_433 : i32 to index
      %swap3A_435 = tpu.vector_load %arg8[%swap3A_434] {strides = array<i32>} : memref<12000xf32, #tpu.memory_space<vmem>>, vector<16xf32>,
      tpu.vector_store %arg8[%swap3A_434], %gather3A_431 {strides = array<i32>} : memref<12000xf32, #tpu.memory_space<vmem>>, vector<16xf32>,
      %add3A_436 = arith.constant 48 : i32
      %add3A_437 = arith.addi %mul3A_403, %add3A_436 : i32
      %add3A_438 = arith.constant 10000 : i32
      %add3A_439 = arith.addi %add3A_438, %add3A_437 : i32
      %get3A_440 = arith.index_cast %add3A_439 : i32 to index
      %get3A_441 = tpu.vector_load %arg7[%get3A_440] {strides = array<i32>} : memref<12000xi32, #tpu.memory_space<vmem>>, vector<16xi32>,
      %gather3A_442 = tpu.vector_load_idx %arg6[%get3A_441] : memref<112xf32, #tpu.memory_space<vmem>>[vector<16xi32>], vector<16xf32>,
      %add3A_443 = arith.constant 10000 : i32
      %add3A_444 = arith.addi %add3A_443, %add3A_437 : i32
      %swap3A_445 = arith.index_cast %add3A_444 : i32 to index
      %swap3A_446 = tpu.vector_load %arg8[%swap3A_445] {strides = array<i32>} : memref<12000xf32, #tpu.memory_space<vmem>>, vector<16xf32>,
      tpu.vector_store %arg8[%swap3A_445], %gather3A_442 {strides = array<i32>} : memref<12000xf32, #tpu.memory_space<vmem>>, vector<16xf32>,
      %add3A_447 = arith.constant 64 : i32
      %add3A_448 = arith.addi %mul3A_403, %add3A_447 : i32
      %add3A_449 = arith.constant 10000 : i32
      %add3A_450 = arith.addi %add3A_449, %add3A_448 : i32
      %get3A_451 = arith.index_cast %add3A_450 : i32 to index
      %get3A_452 = tpu.vector_load %arg7[%get3A_451] {strides = array<i32>} : memref<12000xi32, #tpu.memory_space<vmem>>, vector<16xi32>,
      %gather3A_453 = tpu.vector_load_idx %arg6[%get3A_452] : memref<112xf32, #tpu.memory_space<vmem>>[vector<16xi32>], vector<16xf32>,
      %add3A_454 = arith.constant 10000 : i32
      %add3A_455 = arith.addi %add3A_454, %add3A_448 : i32
      %swap3A_456 = arith.index_cast %add3A_455 : i32 to index
      %swap3A_457 = tpu.vector_load %arg8[%swap3A_456] {strides = array<i32>} : memref<12000xf32, #tpu.memory_space<vmem>>, vector<16xf32>,
      tpu.vector_store %arg8[%swap3A_456], %gather3A_453 {strides = array<i32>} : memref<12000xf32, #tpu.memory_space<vmem>>, vector<16xf32>,
      %scan3A_458 = arith.constant 0 : i32
      scf.yield %scan3A_458 : i32
    }
    %scan3A_322 = arith.constant 25 : i32
    %mul3A_323 = arith.constant 2000 : i32
    %mul3A_324 = arith.muli %min3A_72, %mul3A_323 : i32
    %dma_start3A_325 = arith.constant 5 : i32
    %dma_start3A_326 = arith.constant 10000 : i32
    %dma_start3A_327 = tpu.memref_slice %arg8[%dma_start3A_326] : memref<12000xf32, #tpu.memory_space<vmem>> -> memref<2000xf32, #tpu.memory_space<vmem>>
    %dma_start3A_328 = tpu.memref_slice %arg4[%mul3A_324] : memref<384000xf32, #tpu.memory_space<hbm>> -> memref<2000xf32, #tpu.memory_space<hbm>>
    %dma_start3A_329 = tpu.memref_slice %arg10[%dma_start3A_325] : memref<6x!tpu.dma_semaphore, #tpu.memory_space<semaphore_mem>> -> memref<1x!tpu.dma_semaphore, #tpu.memory_space<semaphore_mem>>
    %dma_start3A_330 = tpu.memref_squeeze %dma_start3A_329 : memref<1x!tpu.dma_semaphore, #tpu.memory_space<semaphore_mem>> -> memref<!tpu.dma_semaphore, #tpu.memory_space<semaphore_mem>>
    %dma_start3A_331 = tpu.memref_slice %arg4[%mul3A_324] : memref<384000xf32, #tpu.memory_space<hbm>> -> memref<2000xf32, #tpu.memory_space<hbm>>
    %dma_start3A_332 = arith.constant 10000 : i32
    %dma_start3A_333 = tpu.memref_slice %arg8[%dma_start3A_332] : memref<12000xf32, #tpu.memory_space<vmem>> -> memref<2000xf32, #tpu.memory_space<vmem>>
    tpu.enqueue_dma source(%dma_start3A_333 : memref<2000xf32, #tpu.memory_space<vmem>>) target(%dma_start3A_331 : memref<2000xf32, #tpu.memory_space<hbm>>) target_semaphore(%dma_start3A_330 : memref<!tpu.dma_semaphore, #tpu.memory_space<semaphore_mem>>)
    %mul3A_334 = arith.constant 2000 : i32
    %mul3A_335 = arith.muli %min3A_52, %mul3A_334 : i32
    %dma_wait3A_336 = arith.constant 0 : i32
    %dma_wait3A_337 = arith.constant 0 : i32
    %dma_wait3A_338 = tpu.memref_slice %arg8[%dma_wait3A_337] : memref<12000xf32, #tpu.memory_space<vmem>> -> memref<2000xf32, #tpu.memory_space<vmem>>
    %dma_wait3A_339 = tpu.memref_slice %arg4[%mul3A_335] : memref<384000xf32, #tpu.memory_space<hbm>> -> memref<2000xf32, #tpu.memory_space<hbm>>
    %dma_wait3A_340 = tpu.memref_slice %arg10[%dma_wait3A_336] : memref<6x!tpu.dma_semaphore, #tpu.memory_space<semaphore_mem>> -> memref<1x!tpu.dma_semaphore, #tpu.memory_space<semaphore_mem>>
    %dma_wait3A_341 = tpu.memref_squeeze %dma_wait3A_340 : memref<1x!tpu.dma_semaphore, #tpu.memory_space<semaphore_mem>> -> memref<!tpu.dma_semaphore, #tpu.memory_space<semaphore_mem>>
    %dma_wait3A_342 = tpu.memref_slice %arg4[%mul3A_335] : memref<384000xf32, #tpu.memory_space<hbm>> -> memref<2000xf32, #tpu.memory_space<hbm>>
    %dma_wait3A_343 = arith.constant 0 : i32
    %dma_wait3A_344 = tpu.memref_slice %arg8[%dma_wait3A_343] : memref<12000xf32, #tpu.memory_space<vmem>> -> memref<2000xf32, #tpu.memory_space<vmem>>
    tpu.wait_dma2 semaphore(%dma_wait3A_341 : memref<!tpu.dma_semaphore, #tpu.memory_space<semaphore_mem>>) src(%dma_wait3A_344 : memref<2000xf32, #tpu.memory_space<vmem>>) dst(%dma_wait3A_342 : memref<2000xf32, #tpu.memory_space<hbm>>)
    %mul3A_345 = arith.constant 2000 : i32
    %mul3A_346 = arith.muli %min3A_56, %mul3A_345 : i32
    %dma_wait3A_347 = arith.constant 1 : i32
    %dma_wait3A_348 = arith.constant 2000 : i32
    %dma_wait3A_349 = tpu.memref_slice %arg8[%dma_wait3A_348] : memref<12000xf32, #tpu.memory_space<vmem>> -> memref<2000xf32, #tpu.memory_space<vmem>>
    %dma_wait3A_350 = tpu.memref_slice %arg4[%mul3A_346] : memref<384000xf32, #tpu.memory_space<hbm>> -> memref<2000xf32, #tpu.memory_space<hbm>>
    %dma_wait3A_351 = tpu.memref_slice %arg10[%dma_wait3A_347] : memref<6x!tpu.dma_semaphore, #tpu.memory_space<semaphore_mem>> -> memref<1x!tpu.dma_semaphore, #tpu.memory_space<semaphore_mem>>
    %dma_wait3A_352 = tpu.memref_squeeze %dma_wait3A_351 : memref<1x!tpu.dma_semaphore, #tpu.memory_space<semaphore_mem>> -> memref<!tpu.dma_semaphore, #tpu.memory_space<semaphore_mem>>
    %dma_wait3A_353 = tpu.memref_slice %arg4[%mul3A_346] : memref<384000xf32, #tpu.memory_space<hbm>> -> memref<2000xf32, #tpu.memory_space<hbm>>
    %dma_wait3A_354 = arith.constant 2000 : i32
    %dma_wait3A_355 = tpu.memref_slice %arg8[%dma_wait3A_354] : memref<12000xf32, #tpu.memory_space<vmem>> -> memref<2000xf32, #tpu.memory_space<vmem>>
    tpu.wait_dma2 semaphore(%dma_wait3A_352 : memref<!tpu.dma_semaphore, #tpu.memory_space<semaphore_mem>>) src(%dma_wait3A_355 : memref<2000xf32, #tpu.memory_space<vmem>>) dst(%dma_wait3A_353 : memref<2000xf32, #tpu.memory_space<hbm>>)
    %mul3A_356 = arith.constant 2000 : i32
    %mul3A_357 = arith.muli %min3A_60, %mul3A_356 : i32
    %dma_wait3A_358 = arith.constant 2 : i32
    %dma_wait3A_359 = arith.constant 4000 : i32
    %dma_wait3A_360 = tpu.memref_slice %arg8[%dma_wait3A_359] : memref<12000xf32, #tpu.memory_space<vmem>> -> memref<2000xf32, #tpu.memory_space<vmem>>
    %dma_wait3A_361 = tpu.memref_slice %arg4[%mul3A_357] : memref<384000xf32, #tpu.memory_space<hbm>> -> memref<2000xf32, #tpu.memory_space<hbm>>
    %dma_wait3A_362 = tpu.memref_slice %arg10[%dma_wait3A_358] : memref<6x!tpu.dma_semaphore, #tpu.memory_space<semaphore_mem>> -> memref<1x!tpu.dma_semaphore, #tpu.memory_space<semaphore_mem>>
    %dma_wait3A_363 = tpu.memref_squeeze %dma_wait3A_362 : memref<1x!tpu.dma_semaphore, #tpu.memory_space<semaphore_mem>> -> memref<!tpu.dma_semaphore, #tpu.memory_space<semaphore_mem>>
    %dma_wait3A_364 = tpu.memref_slice %arg4[%mul3A_357] : memref<384000xf32, #tpu.memory_space<hbm>> -> memref<2000xf32, #tpu.memory_space<hbm>>
    %dma_wait3A_365 = arith.constant 4000 : i32
    %dma_wait3A_366 = tpu.memref_slice %arg8[%dma_wait3A_365] : memref<12000xf32, #tpu.memory_space<vmem>> -> memref<2000xf32, #tpu.memory_space<vmem>>
    tpu.wait_dma2 semaphore(%dma_wait3A_363 : memref<!tpu.dma_semaphore, #tpu.memory_space<semaphore_mem>>) src(%dma_wait3A_366 : memref<2000xf32, #tpu.memory_space<vmem>>) dst(%dma_wait3A_364 : memref<2000xf32, #tpu.memory_space<hbm>>)
    %mul3A_367 = arith.constant 2000 : i32
    %mul3A_368 = arith.muli %min3A_64, %mul3A_367 : i32
    %dma_wait3A_369 = arith.constant 3 : i32
    %dma_wait3A_370 = arith.constant 6000 : i32
    %dma_wait3A_371 = tpu.memref_slice %arg8[%dma_wait3A_370] : memref<12000xf32, #tpu.memory_space<vmem>> -> memref<2000xf32, #tpu.memory_space<vmem>>
    %dma_wait3A_372 = tpu.memref_slice %arg4[%mul3A_368] : memref<384000xf32, #tpu.memory_space<hbm>> -> memref<2000xf32, #tpu.memory_space<hbm>>
    %dma_wait3A_373 = tpu.memref_slice %arg10[%dma_wait3A_369] : memref<6x!tpu.dma_semaphore, #tpu.memory_space<semaphore_mem>> -> memref<1x!tpu.dma_semaphore, #tpu.memory_space<semaphore_mem>>
    %dma_wait3A_374 = tpu.memref_squeeze %dma_wait3A_373 : memref<1x!tpu.dma_semaphore, #tpu.memory_space<semaphore_mem>> -> memref<!tpu.dma_semaphore, #tpu.memory_space<semaphore_mem>>
    %dma_wait3A_375 = tpu.memref_slice %arg4[%mul3A_368] : memref<384000xf32, #tpu.memory_space<hbm>> -> memref<2000xf32, #tpu.memory_space<hbm>>
    %dma_wait3A_376 = arith.constant 6000 : i32
    %dma_wait3A_377 = tpu.memref_slice %arg8[%dma_wait3A_376] : memref<12000xf32, #tpu.memory_space<vmem>> -> memref<2000xf32, #tpu.memory_space<vmem>>
    tpu.wait_dma2 semaphore(%dma_wait3A_374 : memref<!tpu.dma_semaphore, #tpu.memory_space<semaphore_mem>>) src(%dma_wait3A_377 : memref<2000xf32, #tpu.memory_space<vmem>>) dst(%dma_wait3A_375 : memref<2000xf32, #tpu.memory_space<hbm>>)
    %mul3A_378 = arith.constant 2000 : i32
    %mul3A_379 = arith.muli %min3A_68, %mul3A_378 : i32
    %dma_wait3A_380 = arith.constant 4 : i32
    %dma_wait3A_381 = arith.constant 8000 : i32
    %dma_wait3A_382 = tpu.memref_slice %arg8[%dma_wait3A_381] : memref<12000xf32, #tpu.memory_space<vmem>> -> memref<2000xf32, #tpu.memory_space<vmem>>
    %dma_wait3A_383 = tpu.memref_slice %arg4[%mul3A_379] : memref<384000xf32, #tpu.memory_space<hbm>> -> memref<2000xf32, #tpu.memory_space<hbm>>
    %dma_wait3A_384 = tpu.memref_slice %arg10[%dma_wait3A_380] : memref<6x!tpu.dma_semaphore, #tpu.memory_space<semaphore_mem>> -> memref<1x!tpu.dma_semaphore, #tpu.memory_space<semaphore_mem>>
    %dma_wait3A_385 = tpu.memref_squeeze %dma_wait3A_384 : memref<1x!tpu.dma_semaphore, #tpu.memory_space<semaphore_mem>> -> memref<!tpu.dma_semaphore, #tpu.memory_space<semaphore_mem>>
    %dma_wait3A_386 = tpu.memref_slice %arg4[%mul3A_379] : memref<384000xf32, #tpu.memory_space<hbm>> -> memref<2000xf32, #tpu.memory_space<hbm>>
    %dma_wait3A_387 = arith.constant 8000 : i32
    %dma_wait3A_388 = tpu.memref_slice %arg8[%dma_wait3A_387] : memref<12000xf32, #tpu.memory_space<vmem>> -> memref<2000xf32, #tpu.memory_space<vmem>>
    tpu.wait_dma2 semaphore(%dma_wait3A_385 : memref<!tpu.dma_semaphore, #tpu.memory_space<semaphore_mem>>) src(%dma_wait3A_388 : memref<2000xf32, #tpu.memory_space<vmem>>) dst(%dma_wait3A_386 : memref<2000xf32, #tpu.memory_space<hbm>>)
    %mul3A_389 = arith.constant 2000 : i32
    %mul3A_390 = arith.muli %min3A_72, %mul3A_389 : i32
    %dma_wait3A_391 = arith.constant 5 : i32
    %dma_wait3A_392 = arith.constant 10000 : i32
    %dma_wait3A_393 = tpu.memref_slice %arg8[%dma_wait3A_392] : memref<12000xf32, #tpu.memory_space<vmem>> -> memref<2000xf32, #tpu.memory_space<vmem>>
    %dma_wait3A_394 = tpu.memref_slice %arg4[%mul3A_390] : memref<384000xf32, #tpu.memory_space<hbm>> -> memref<2000xf32, #tpu.memory_space<hbm>>
    %dma_wait3A_395 = tpu.memref_slice %arg10[%dma_wait3A_391] : memref<6x!tpu.dma_semaphore, #tpu.memory_space<semaphore_mem>> -> memref<1x!tpu.dma_semaphore, #tpu.memory_space<semaphore_mem>>
    %dma_wait3A_396 = tpu.memref_squeeze %dma_wait3A_395 : memref<1x!tpu.dma_semaphore, #tpu.memory_space<semaphore_mem>> -> memref<!tpu.dma_semaphore, #tpu.memory_space<semaphore_mem>>
    %dma_wait3A_397 = tpu.memref_slice %arg4[%mul3A_390] : memref<384000xf32, #tpu.memory_space<hbm>> -> memref<2000xf32, #tpu.memory_space<hbm>>
    %dma_wait3A_398 = arith.constant 10000 : i32
    %dma_wait3A_399 = tpu.memref_slice %arg8[%dma_wait3A_398] : memref<12000xf32, #tpu.memory_space<vmem>> -> memref<2000xf32, #tpu.memory_space<vmem>>
    tpu.wait_dma2 semaphore(%dma_wait3A_396 : memref<!tpu.dma_semaphore, #tpu.memory_space<semaphore_mem>>) src(%dma_wait3A_399 : memref<2000xf32, #tpu.memory_space<vmem>>) dst(%dma_wait3A_397 : memref<2000xf32, #tpu.memory_space<hbm>>)
    return
  }
}

#map = affine_map<(d0, d1) -> (0)>
module attributes {stable_mosaic.version = 14 : i64} {
  func.func @sc_kernel(%arg0: i32, %arg1: i32, %arg2: memref<1000000xi32, #tpu.memory_space<hbm>>, %arg3: memref<100xf32, #tpu.memory_space<hbm>>, %arg4: memref<616000xf32, #tpu.memory_space<hbm>>, %arg5: memref<112xf32, #tpu.memory_space<vmem>>, %arg6: memref<112xf32, #tpu.memory_space<vmem>>, %arg7: memref<20000xi32, #tpu.memory_space<vmem>>, %arg8: memref<20000xf32, #tpu.memory_space<vmem>>, %arg9: memref<10x!tpu.dma_semaphore, #tpu.memory_space<semaphore_mem>>, %arg10: memref<10x!tpu.dma_semaphore, #tpu.memory_space<semaphore_mem>>) attributes {dimension_semantics = [#tpu.dimension_semantics<core_parallel>, #tpu.dimension_semantics<subcore_parallel>], iteration_bounds = array<i64: 2, 16>, scalar_prefetch = 0 : i64, scratch_operands = 6 : i64, tpu.core_type = #tpu.core_type<sc_vector_subcore>, window_params = [{transform_indices = #map}, {transform_indices = #map}, {transform_indices = #map}]} {
    %mul3A = arith.constant 2 : i32
    %mul3A_0 = arith.muli %arg1, %mul3A : i32
    %add3A = arith.addi %mul3A_0, %arg0 : i32
    %broadcast_in_dim3A = arith.constant 1.000000e+00 : f32
    %broadcast_in_dim3A_1 = vector.broadcast %broadcast_in_dim3A : f32 to vector<16xf32>
    %swap3A = arith.constant 96 : index
    %swap3A_2 = tpu.vector_load %arg5[%swap3A] {strides = array<i32>} : memref<112xf32, #tpu.memory_space<vmem>>, vector<16xf32>,
    tpu.vector_store %arg5[%swap3A], %broadcast_in_dim3A_1 {strides = array<i32>} : memref<112xf32, #tpu.memory_space<vmem>>, vector<16xf32>,
    "tpu.region"() ({
      %run_scoped3A = tpu.sem_alloc : memref<!tpu.dma_semaphore, #tpu.memory_space<semaphore_mem>>
      %dma_start3A_636 = arith.constant 0 : i32
      %dma_start3A_637 = tpu.memref_slice %arg5[%dma_start3A_636] : memref<112xf32, #tpu.memory_space<vmem>> -> memref<100xf32, #tpu.memory_space<vmem>>
      %dma_start3A_638 = arith.constant 0 : i32
      %dma_start3A_639 = tpu.memref_slice %arg5[%dma_start3A_638] : memref<112xf32, #tpu.memory_space<vmem>> -> memref<100xf32, #tpu.memory_space<vmem>>
      tpu.enqueue_dma source(%arg3 : memref<100xf32, #tpu.memory_space<hbm>>) target(%dma_start3A_639 : memref<100xf32, #tpu.memory_space<vmem>>) target_semaphore(%run_scoped3A : memref<!tpu.dma_semaphore, #tpu.memory_space<semaphore_mem>>)
      %dma_wait3A_640 = arith.constant 0 : i32
      %dma_wait3A_641 = tpu.memref_slice %arg5[%dma_wait3A_640] : memref<112xf32, #tpu.memory_space<vmem>> -> memref<100xf32, #tpu.memory_space<vmem>>
      %dma_wait3A_642 = arith.constant 0 : i32
      %dma_wait3A_643 = tpu.memref_slice %arg5[%dma_wait3A_642] : memref<112xf32, #tpu.memory_space<vmem>> -> memref<100xf32, #tpu.memory_space<vmem>>
      tpu.wait_dma2 semaphore(%run_scoped3A : memref<!tpu.dma_semaphore, #tpu.memory_space<semaphore_mem>>) src(%arg3 : memref<100xf32, #tpu.memory_space<hbm>>) dst(%dma_wait3A_643 : memref<100xf32, #tpu.memory_space<vmem>>)
      tpu.yield
    }) : () -> ()
    %get3A = arith.constant 0 : index
    %get3A_3 = tpu.vector_load %arg5[%get3A] {strides = array<i32>} : memref<112xf32, #tpu.memory_space<vmem>>, vector<16xf32>,
    %div3A = arith.constant 0.0245567374 : f32
    %div3A_4 = vector.broadcast %div3A : f32 to vector<16xf32>
    %div3A_5 = arith.divf %div3A_4, %get3A_3 : vector<16xf32>
    %swap3A_6 = arith.constant 0 : index
    %swap3A_7 = tpu.vector_load %arg6[%swap3A_6] {strides = array<i32>} : memref<112xf32, #tpu.memory_space<vmem>>, vector<16xf32>,
    tpu.vector_store %arg6[%swap3A_6], %div3A_5 {strides = array<i32>} : memref<112xf32, #tpu.memory_space<vmem>>, vector<16xf32>,
    %get3A_8 = arith.constant 16 : index
    %get3A_9 = tpu.vector_load %arg5[%get3A_8] {strides = array<i32>} : memref<112xf32, #tpu.memory_space<vmem>>, vector<16xf32>,
    %div3A_10 = arith.constant 0.0245567374 : f32
    %div3A_11 = vector.broadcast %div3A_10 : f32 to vector<16xf32>
    %div3A_12 = arith.divf %div3A_11, %get3A_9 : vector<16xf32>
    %swap3A_13 = arith.constant 16 : index
    %swap3A_14 = tpu.vector_load %arg6[%swap3A_13] {strides = array<i32>} : memref<112xf32, #tpu.memory_space<vmem>>, vector<16xf32>,
    tpu.vector_store %arg6[%swap3A_13], %div3A_12 {strides = array<i32>} : memref<112xf32, #tpu.memory_space<vmem>>, vector<16xf32>,
    %get3A_15 = arith.constant 32 : index
    %get3A_16 = tpu.vector_load %arg5[%get3A_15] {strides = array<i32>} : memref<112xf32, #tpu.memory_space<vmem>>, vector<16xf32>,
    %div3A_17 = arith.constant 0.0245567374 : f32
    %div3A_18 = vector.broadcast %div3A_17 : f32 to vector<16xf32>
    %div3A_19 = arith.divf %div3A_18, %get3A_16 : vector<16xf32>
    %swap3A_20 = arith.constant 32 : index
    %swap3A_21 = tpu.vector_load %arg6[%swap3A_20] {strides = array<i32>} : memref<112xf32, #tpu.memory_space<vmem>>, vector<16xf32>,
    tpu.vector_store %arg6[%swap3A_20], %div3A_19 {strides = array<i32>} : memref<112xf32, #tpu.memory_space<vmem>>, vector<16xf32>,
    %get3A_22 = arith.constant 48 : index
    %get3A_23 = tpu.vector_load %arg5[%get3A_22] {strides = array<i32>} : memref<112xf32, #tpu.memory_space<vmem>>, vector<16xf32>,
    %div3A_24 = arith.constant 0.0245567374 : f32
    %div3A_25 = vector.broadcast %div3A_24 : f32 to vector<16xf32>
    %div3A_26 = arith.divf %div3A_25, %get3A_23 : vector<16xf32>
    %swap3A_27 = arith.constant 48 : index
    %swap3A_28 = tpu.vector_load %arg6[%swap3A_27] {strides = array<i32>} : memref<112xf32, #tpu.memory_space<vmem>>, vector<16xf32>,
    tpu.vector_store %arg6[%swap3A_27], %div3A_26 {strides = array<i32>} : memref<112xf32, #tpu.memory_space<vmem>>, vector<16xf32>,
    %get3A_29 = arith.constant 64 : index
    %get3A_30 = tpu.vector_load %arg5[%get3A_29] {strides = array<i32>} : memref<112xf32, #tpu.memory_space<vmem>>, vector<16xf32>,
    %div3A_31 = arith.constant 0.0245567374 : f32
    %div3A_32 = vector.broadcast %div3A_31 : f32 to vector<16xf32>
    %div3A_33 = arith.divf %div3A_32, %get3A_30 : vector<16xf32>
    %swap3A_34 = arith.constant 64 : index
    %swap3A_35 = tpu.vector_load %arg6[%swap3A_34] {strides = array<i32>} : memref<112xf32, #tpu.memory_space<vmem>>, vector<16xf32>,
    tpu.vector_store %arg6[%swap3A_34], %div3A_33 {strides = array<i32>} : memref<112xf32, #tpu.memory_space<vmem>>, vector<16xf32>,
    %get3A_36 = arith.constant 80 : index
    %get3A_37 = tpu.vector_load %arg5[%get3A_36] {strides = array<i32>} : memref<112xf32, #tpu.memory_space<vmem>>, vector<16xf32>,
    %div3A_38 = arith.constant 0.0245567374 : f32
    %div3A_39 = vector.broadcast %div3A_38 : f32 to vector<16xf32>
    %div3A_40 = arith.divf %div3A_39, %get3A_37 : vector<16xf32>
    %swap3A_41 = arith.constant 80 : index
    %swap3A_42 = tpu.vector_load %arg6[%swap3A_41] {strides = array<i32>} : memref<112xf32, #tpu.memory_space<vmem>>, vector<16xf32>,
    tpu.vector_store %arg6[%swap3A_41], %div3A_40 {strides = array<i32>} : memref<112xf32, #tpu.memory_space<vmem>>, vector<16xf32>,
    %get3A_43 = arith.constant 96 : index
    %get3A_44 = tpu.vector_load %arg5[%get3A_43] {strides = array<i32>} : memref<112xf32, #tpu.memory_space<vmem>>, vector<16xf32>,
    %div3A_45 = arith.constant 0.0245567374 : f32
    %div3A_46 = vector.broadcast %div3A_45 : f32 to vector<16xf32>
    %div3A_47 = arith.divf %div3A_46, %get3A_44 : vector<16xf32>
    %swap3A_48 = arith.constant 96 : index
    %swap3A_49 = tpu.vector_load %arg6[%swap3A_48] {strides = array<i32>} : memref<112xf32, #tpu.memory_space<vmem>>, vector<16xf32>,
    tpu.vector_store %arg6[%swap3A_48], %div3A_47 {strides = array<i32>} : memref<112xf32, #tpu.memory_space<vmem>>, vector<16xf32>,
    %add3A_50 = arith.constant 0 : i32
    %add3A_51 = arith.addi %add3A, %add3A_50 : i32
    %min3A = arith.constant 307 : i32
    %min3A_52 = arith.minsi %add3A_51, %min3A : i32
    %add3A_53 = arith.constant 32 : i32
    %add3A_54 = arith.addi %add3A, %add3A_53 : i32
    %min3A_55 = arith.constant 307 : i32
    %min3A_56 = arith.minsi %add3A_54, %min3A_55 : i32
    %add3A_57 = arith.constant 64 : i32
    %add3A_58 = arith.addi %add3A, %add3A_57 : i32
    %min3A_59 = arith.constant 307 : i32
    %min3A_60 = arith.minsi %add3A_58, %min3A_59 : i32
    %add3A_61 = arith.constant 96 : i32
    %add3A_62 = arith.addi %add3A, %add3A_61 : i32
    %min3A_63 = arith.constant 307 : i32
    %min3A_64 = arith.minsi %add3A_62, %min3A_63 : i32
    %add3A_65 = arith.constant 128 : i32
    %add3A_66 = arith.addi %add3A, %add3A_65 : i32
    %min3A_67 = arith.constant 307 : i32
    %min3A_68 = arith.minsi %add3A_66, %min3A_67 : i32
    %add3A_69 = arith.constant 160 : i32
    %add3A_70 = arith.addi %add3A, %add3A_69 : i32
    %min3A_71 = arith.constant 307 : i32
    %min3A_72 = arith.minsi %add3A_70, %min3A_71 : i32
    %add3A_73 = arith.constant 192 : i32
    %add3A_74 = arith.addi %add3A, %add3A_73 : i32
    %min3A_75 = arith.constant 307 : i32
    %min3A_76 = arith.minsi %add3A_74, %min3A_75 : i32
    %add3A_77 = arith.constant 224 : i32
    %add3A_78 = arith.addi %add3A, %add3A_77 : i32
    %min3A_79 = arith.constant 307 : i32
    %min3A_80 = arith.minsi %add3A_78, %min3A_79 : i32
    %add3A_81 = arith.constant 256 : i32
    %add3A_82 = arith.addi %add3A, %add3A_81 : i32
    %min3A_83 = arith.constant 307 : i32
    %min3A_84 = arith.minsi %add3A_82, %min3A_83 : i32
    %add3A_85 = arith.constant 288 : i32
    %add3A_86 = arith.addi %add3A, %add3A_85 : i32
    %min3A_87 = arith.constant 307 : i32
    %min3A_88 = arith.minsi %add3A_86, %min3A_87 : i32
    %mul3A_89 = arith.constant 2000 : i32
    %mul3A_90 = arith.muli %min3A_52, %mul3A_89 : i32
    %add3A_91 = arith.constant 384000 : i32
    %add3A_92 = arith.addi %add3A_91, %mul3A_90 : i32
    %dma_start3A = arith.constant 0 : i32
    %dma_start3A_93 = arith.constant 0 : i32
    %dma_start3A_94 = tpu.memref_slice %arg7[%dma_start3A_93] : memref<20000xi32, #tpu.memory_space<vmem>> -> memref<2000xi32, #tpu.memory_space<vmem>>
    %dma_start3A_95 = tpu.memref_slice %arg2[%add3A_92] : memref<1000000xi32, #tpu.memory_space<hbm>> -> memref<2000xi32, #tpu.memory_space<hbm>>
    %dma_start3A_96 = tpu.memref_slice %arg9[%dma_start3A] : memref<10x!tpu.dma_semaphore, #tpu.memory_space<semaphore_mem>> -> memref<1x!tpu.dma_semaphore, #tpu.memory_space<semaphore_mem>>
    %dma_start3A_97 = tpu.memref_squeeze %dma_start3A_96 : memref<1x!tpu.dma_semaphore, #tpu.memory_space<semaphore_mem>> -> memref<!tpu.dma_semaphore, #tpu.memory_space<semaphore_mem>>
    %dma_start3A_98 = arith.constant 0 : i32
    %dma_start3A_99 = tpu.memref_slice %arg7[%dma_start3A_98] : memref<20000xi32, #tpu.memory_space<vmem>> -> memref<2000xi32, #tpu.memory_space<vmem>>
    %dma_start3A_100 = tpu.memref_slice %arg2[%add3A_92] : memref<1000000xi32, #tpu.memory_space<hbm>> -> memref<2000xi32, #tpu.memory_space<hbm>>
    tpu.enqueue_dma source(%dma_start3A_100 : memref<2000xi32, #tpu.memory_space<hbm>>) target(%dma_start3A_99 : memref<2000xi32, #tpu.memory_space<vmem>>) target_semaphore(%dma_start3A_97 : memref<!tpu.dma_semaphore, #tpu.memory_space<semaphore_mem>>)
    %mul3A_101 = arith.constant 2000 : i32
    %mul3A_102 = arith.muli %min3A_56, %mul3A_101 : i32
    %add3A_103 = arith.constant 384000 : i32
    %add3A_104 = arith.addi %add3A_103, %mul3A_102 : i32
    %dma_start3A_105 = arith.constant 1 : i32
    %dma_start3A_106 = arith.constant 2000 : i32
    %dma_start3A_107 = tpu.memref_slice %arg7[%dma_start3A_106] : memref<20000xi32, #tpu.memory_space<vmem>> -> memref<2000xi32, #tpu.memory_space<vmem>>
    %dma_start3A_108 = tpu.memref_slice %arg2[%add3A_104] : memref<1000000xi32, #tpu.memory_space<hbm>> -> memref<2000xi32, #tpu.memory_space<hbm>>
    %dma_start3A_109 = tpu.memref_slice %arg9[%dma_start3A_105] : memref<10x!tpu.dma_semaphore, #tpu.memory_space<semaphore_mem>> -> memref<1x!tpu.dma_semaphore, #tpu.memory_space<semaphore_mem>>
    %dma_start3A_110 = tpu.memref_squeeze %dma_start3A_109 : memref<1x!tpu.dma_semaphore, #tpu.memory_space<semaphore_mem>> -> memref<!tpu.dma_semaphore, #tpu.memory_space<semaphore_mem>>
    %dma_start3A_111 = arith.constant 2000 : i32
    %dma_start3A_112 = tpu.memref_slice %arg7[%dma_start3A_111] : memref<20000xi32, #tpu.memory_space<vmem>> -> memref<2000xi32, #tpu.memory_space<vmem>>
    %dma_start3A_113 = tpu.memref_slice %arg2[%add3A_104] : memref<1000000xi32, #tpu.memory_space<hbm>> -> memref<2000xi32, #tpu.memory_space<hbm>>
    tpu.enqueue_dma source(%dma_start3A_113 : memref<2000xi32, #tpu.memory_space<hbm>>) target(%dma_start3A_112 : memref<2000xi32, #tpu.memory_space<vmem>>) target_semaphore(%dma_start3A_110 : memref<!tpu.dma_semaphore, #tpu.memory_space<semaphore_mem>>)
    %mul3A_114 = arith.constant 2000 : i32
    %mul3A_115 = arith.muli %min3A_60, %mul3A_114 : i32
    %add3A_116 = arith.constant 384000 : i32
    %add3A_117 = arith.addi %add3A_116, %mul3A_115 : i32
    %dma_start3A_118 = arith.constant 2 : i32
    %dma_start3A_119 = arith.constant 4000 : i32
    %dma_start3A_120 = tpu.memref_slice %arg7[%dma_start3A_119] : memref<20000xi32, #tpu.memory_space<vmem>> -> memref<2000xi32, #tpu.memory_space<vmem>>
    %dma_start3A_121 = tpu.memref_slice %arg2[%add3A_117] : memref<1000000xi32, #tpu.memory_space<hbm>> -> memref<2000xi32, #tpu.memory_space<hbm>>
    %dma_start3A_122 = tpu.memref_slice %arg9[%dma_start3A_118] : memref<10x!tpu.dma_semaphore, #tpu.memory_space<semaphore_mem>> -> memref<1x!tpu.dma_semaphore, #tpu.memory_space<semaphore_mem>>
    %dma_start3A_123 = tpu.memref_squeeze %dma_start3A_122 : memref<1x!tpu.dma_semaphore, #tpu.memory_space<semaphore_mem>> -> memref<!tpu.dma_semaphore, #tpu.memory_space<semaphore_mem>>
    %dma_start3A_124 = arith.constant 4000 : i32
    %dma_start3A_125 = tpu.memref_slice %arg7[%dma_start3A_124] : memref<20000xi32, #tpu.memory_space<vmem>> -> memref<2000xi32, #tpu.memory_space<vmem>>
    %dma_start3A_126 = tpu.memref_slice %arg2[%add3A_117] : memref<1000000xi32, #tpu.memory_space<hbm>> -> memref<2000xi32, #tpu.memory_space<hbm>>
    tpu.enqueue_dma source(%dma_start3A_126 : memref<2000xi32, #tpu.memory_space<hbm>>) target(%dma_start3A_125 : memref<2000xi32, #tpu.memory_space<vmem>>) target_semaphore(%dma_start3A_123 : memref<!tpu.dma_semaphore, #tpu.memory_space<semaphore_mem>>)
    %mul3A_127 = arith.constant 2000 : i32
    %mul3A_128 = arith.muli %min3A_64, %mul3A_127 : i32
    %add3A_129 = arith.constant 384000 : i32
    %add3A_130 = arith.addi %add3A_129, %mul3A_128 : i32
    %dma_start3A_131 = arith.constant 3 : i32
    %dma_start3A_132 = arith.constant 6000 : i32
    %dma_start3A_133 = tpu.memref_slice %arg7[%dma_start3A_132] : memref<20000xi32, #tpu.memory_space<vmem>> -> memref<2000xi32, #tpu.memory_space<vmem>>
    %dma_start3A_134 = tpu.memref_slice %arg2[%add3A_130] : memref<1000000xi32, #tpu.memory_space<hbm>> -> memref<2000xi32, #tpu.memory_space<hbm>>
    %dma_start3A_135 = tpu.memref_slice %arg9[%dma_start3A_131] : memref<10x!tpu.dma_semaphore, #tpu.memory_space<semaphore_mem>> -> memref<1x!tpu.dma_semaphore, #tpu.memory_space<semaphore_mem>>
    %dma_start3A_136 = tpu.memref_squeeze %dma_start3A_135 : memref<1x!tpu.dma_semaphore, #tpu.memory_space<semaphore_mem>> -> memref<!tpu.dma_semaphore, #tpu.memory_space<semaphore_mem>>
    %dma_start3A_137 = arith.constant 6000 : i32
    %dma_start3A_138 = tpu.memref_slice %arg7[%dma_start3A_137] : memref<20000xi32, #tpu.memory_space<vmem>> -> memref<2000xi32, #tpu.memory_space<vmem>>
    %dma_start3A_139 = tpu.memref_slice %arg2[%add3A_130] : memref<1000000xi32, #tpu.memory_space<hbm>> -> memref<2000xi32, #tpu.memory_space<hbm>>
    tpu.enqueue_dma source(%dma_start3A_139 : memref<2000xi32, #tpu.memory_space<hbm>>) target(%dma_start3A_138 : memref<2000xi32, #tpu.memory_space<vmem>>) target_semaphore(%dma_start3A_136 : memref<!tpu.dma_semaphore, #tpu.memory_space<semaphore_mem>>)
    %mul3A_140 = arith.constant 2000 : i32
    %mul3A_141 = arith.muli %min3A_68, %mul3A_140 : i32
    %add3A_142 = arith.constant 384000 : i32
    %add3A_143 = arith.addi %add3A_142, %mul3A_141 : i32
    %dma_start3A_144 = arith.constant 4 : i32
    %dma_start3A_145 = arith.constant 8000 : i32
    %dma_start3A_146 = tpu.memref_slice %arg7[%dma_start3A_145] : memref<20000xi32, #tpu.memory_space<vmem>> -> memref<2000xi32, #tpu.memory_space<vmem>>
    %dma_start3A_147 = tpu.memref_slice %arg2[%add3A_143] : memref<1000000xi32, #tpu.memory_space<hbm>> -> memref<2000xi32, #tpu.memory_space<hbm>>
    %dma_start3A_148 = tpu.memref_slice %arg9[%dma_start3A_144] : memref<10x!tpu.dma_semaphore, #tpu.memory_space<semaphore_mem>> -> memref<1x!tpu.dma_semaphore, #tpu.memory_space<semaphore_mem>>
    %dma_start3A_149 = tpu.memref_squeeze %dma_start3A_148 : memref<1x!tpu.dma_semaphore, #tpu.memory_space<semaphore_mem>> -> memref<!tpu.dma_semaphore, #tpu.memory_space<semaphore_mem>>
    %dma_start3A_150 = arith.constant 8000 : i32
    %dma_start3A_151 = tpu.memref_slice %arg7[%dma_start3A_150] : memref<20000xi32, #tpu.memory_space<vmem>> -> memref<2000xi32, #tpu.memory_space<vmem>>
    %dma_start3A_152 = tpu.memref_slice %arg2[%add3A_143] : memref<1000000xi32, #tpu.memory_space<hbm>> -> memref<2000xi32, #tpu.memory_space<hbm>>
    tpu.enqueue_dma source(%dma_start3A_152 : memref<2000xi32, #tpu.memory_space<hbm>>) target(%dma_start3A_151 : memref<2000xi32, #tpu.memory_space<vmem>>) target_semaphore(%dma_start3A_149 : memref<!tpu.dma_semaphore, #tpu.memory_space<semaphore_mem>>)
    %mul3A_153 = arith.constant 2000 : i32
    %mul3A_154 = arith.muli %min3A_72, %mul3A_153 : i32
    %add3A_155 = arith.constant 384000 : i32
    %add3A_156 = arith.addi %add3A_155, %mul3A_154 : i32
    %dma_start3A_157 = arith.constant 5 : i32
    %dma_start3A_158 = arith.constant 10000 : i32
    %dma_start3A_159 = tpu.memref_slice %arg7[%dma_start3A_158] : memref<20000xi32, #tpu.memory_space<vmem>> -> memref<2000xi32, #tpu.memory_space<vmem>>
    %dma_start3A_160 = tpu.memref_slice %arg2[%add3A_156] : memref<1000000xi32, #tpu.memory_space<hbm>> -> memref<2000xi32, #tpu.memory_space<hbm>>
    %dma_start3A_161 = tpu.memref_slice %arg9[%dma_start3A_157] : memref<10x!tpu.dma_semaphore, #tpu.memory_space<semaphore_mem>> -> memref<1x!tpu.dma_semaphore, #tpu.memory_space<semaphore_mem>>
    %dma_start3A_162 = tpu.memref_squeeze %dma_start3A_161 : memref<1x!tpu.dma_semaphore, #tpu.memory_space<semaphore_mem>> -> memref<!tpu.dma_semaphore, #tpu.memory_space<semaphore_mem>>
    %dma_start3A_163 = arith.constant 10000 : i32
    %dma_start3A_164 = tpu.memref_slice %arg7[%dma_start3A_163] : memref<20000xi32, #tpu.memory_space<vmem>> -> memref<2000xi32, #tpu.memory_space<vmem>>
    %dma_start3A_165 = tpu.memref_slice %arg2[%add3A_156] : memref<1000000xi32, #tpu.memory_space<hbm>> -> memref<2000xi32, #tpu.memory_space<hbm>>
    tpu.enqueue_dma source(%dma_start3A_165 : memref<2000xi32, #tpu.memory_space<hbm>>) target(%dma_start3A_164 : memref<2000xi32, #tpu.memory_space<vmem>>) target_semaphore(%dma_start3A_162 : memref<!tpu.dma_semaphore, #tpu.memory_space<semaphore_mem>>)
    %mul3A_166 = arith.constant 2000 : i32
    %mul3A_167 = arith.muli %min3A_76, %mul3A_166 : i32
    %add3A_168 = arith.constant 384000 : i32
    %add3A_169 = arith.addi %add3A_168, %mul3A_167 : i32
    %dma_start3A_170 = arith.constant 6 : i32
    %dma_start3A_171 = arith.constant 12000 : i32
    %dma_start3A_172 = tpu.memref_slice %arg7[%dma_start3A_171] : memref<20000xi32, #tpu.memory_space<vmem>> -> memref<2000xi32, #tpu.memory_space<vmem>>
    %dma_start3A_173 = tpu.memref_slice %arg2[%add3A_169] : memref<1000000xi32, #tpu.memory_space<hbm>> -> memref<2000xi32, #tpu.memory_space<hbm>>
    %dma_start3A_174 = tpu.memref_slice %arg9[%dma_start3A_170] : memref<10x!tpu.dma_semaphore, #tpu.memory_space<semaphore_mem>> -> memref<1x!tpu.dma_semaphore, #tpu.memory_space<semaphore_mem>>
    %dma_start3A_175 = tpu.memref_squeeze %dma_start3A_174 : memref<1x!tpu.dma_semaphore, #tpu.memory_space<semaphore_mem>> -> memref<!tpu.dma_semaphore, #tpu.memory_space<semaphore_mem>>
    %dma_start3A_176 = arith.constant 12000 : i32
    %dma_start3A_177 = tpu.memref_slice %arg7[%dma_start3A_176] : memref<20000xi32, #tpu.memory_space<vmem>> -> memref<2000xi32, #tpu.memory_space<vmem>>
    %dma_start3A_178 = tpu.memref_slice %arg2[%add3A_169] : memref<1000000xi32, #tpu.memory_space<hbm>> -> memref<2000xi32, #tpu.memory_space<hbm>>
    tpu.enqueue_dma source(%dma_start3A_178 : memref<2000xi32, #tpu.memory_space<hbm>>) target(%dma_start3A_177 : memref<2000xi32, #tpu.memory_space<vmem>>) target_semaphore(%dma_start3A_175 : memref<!tpu.dma_semaphore, #tpu.memory_space<semaphore_mem>>)
    %mul3A_179 = arith.constant 2000 : i32
    %mul3A_180 = arith.muli %min3A_80, %mul3A_179 : i32
    %add3A_181 = arith.constant 384000 : i32
    %add3A_182 = arith.addi %add3A_181, %mul3A_180 : i32
    %dma_start3A_183 = arith.constant 7 : i32
    %dma_start3A_184 = arith.constant 14000 : i32
    %dma_start3A_185 = tpu.memref_slice %arg7[%dma_start3A_184] : memref<20000xi32, #tpu.memory_space<vmem>> -> memref<2000xi32, #tpu.memory_space<vmem>>
    %dma_start3A_186 = tpu.memref_slice %arg2[%add3A_182] : memref<1000000xi32, #tpu.memory_space<hbm>> -> memref<2000xi32, #tpu.memory_space<hbm>>
    %dma_start3A_187 = tpu.memref_slice %arg9[%dma_start3A_183] : memref<10x!tpu.dma_semaphore, #tpu.memory_space<semaphore_mem>> -> memref<1x!tpu.dma_semaphore, #tpu.memory_space<semaphore_mem>>
    %dma_start3A_188 = tpu.memref_squeeze %dma_start3A_187 : memref<1x!tpu.dma_semaphore, #tpu.memory_space<semaphore_mem>> -> memref<!tpu.dma_semaphore, #tpu.memory_space<semaphore_mem>>
    %dma_start3A_189 = arith.constant 14000 : i32
    %dma_start3A_190 = tpu.memref_slice %arg7[%dma_start3A_189] : memref<20000xi32, #tpu.memory_space<vmem>> -> memref<2000xi32, #tpu.memory_space<vmem>>
    %dma_start3A_191 = tpu.memref_slice %arg2[%add3A_182] : memref<1000000xi32, #tpu.memory_space<hbm>> -> memref<2000xi32, #tpu.memory_space<hbm>>
    tpu.enqueue_dma source(%dma_start3A_191 : memref<2000xi32, #tpu.memory_space<hbm>>) target(%dma_start3A_190 : memref<2000xi32, #tpu.memory_space<vmem>>) target_semaphore(%dma_start3A_188 : memref<!tpu.dma_semaphore, #tpu.memory_space<semaphore_mem>>)
    %mul3A_192 = arith.constant 2000 : i32
    %mul3A_193 = arith.muli %min3A_84, %mul3A_192 : i32
    %add3A_194 = arith.constant 384000 : i32
    %add3A_195 = arith.addi %add3A_194, %mul3A_193 : i32
    %dma_start3A_196 = arith.constant 8 : i32
    %dma_start3A_197 = arith.constant 16000 : i32
    %dma_start3A_198 = tpu.memref_slice %arg7[%dma_start3A_197] : memref<20000xi32, #tpu.memory_space<vmem>> -> memref<2000xi32, #tpu.memory_space<vmem>>
    %dma_start3A_199 = tpu.memref_slice %arg2[%add3A_195] : memref<1000000xi32, #tpu.memory_space<hbm>> -> memref<2000xi32, #tpu.memory_space<hbm>>
    %dma_start3A_200 = tpu.memref_slice %arg9[%dma_start3A_196] : memref<10x!tpu.dma_semaphore, #tpu.memory_space<semaphore_mem>> -> memref<1x!tpu.dma_semaphore, #tpu.memory_space<semaphore_mem>>
    %dma_start3A_201 = tpu.memref_squeeze %dma_start3A_200 : memref<1x!tpu.dma_semaphore, #tpu.memory_space<semaphore_mem>> -> memref<!tpu.dma_semaphore, #tpu.memory_space<semaphore_mem>>
    %dma_start3A_202 = arith.constant 16000 : i32
    %dma_start3A_203 = tpu.memref_slice %arg7[%dma_start3A_202] : memref<20000xi32, #tpu.memory_space<vmem>> -> memref<2000xi32, #tpu.memory_space<vmem>>
    %dma_start3A_204 = tpu.memref_slice %arg2[%add3A_195] : memref<1000000xi32, #tpu.memory_space<hbm>> -> memref<2000xi32, #tpu.memory_space<hbm>>
    tpu.enqueue_dma source(%dma_start3A_204 : memref<2000xi32, #tpu.memory_space<hbm>>) target(%dma_start3A_203 : memref<2000xi32, #tpu.memory_space<vmem>>) target_semaphore(%dma_start3A_201 : memref<!tpu.dma_semaphore, #tpu.memory_space<semaphore_mem>>)
    %mul3A_205 = arith.constant 2000 : i32
    %mul3A_206 = arith.muli %min3A_88, %mul3A_205 : i32
    %add3A_207 = arith.constant 384000 : i32
    %add3A_208 = arith.addi %add3A_207, %mul3A_206 : i32
    %dma_start3A_209 = arith.constant 9 : i32
    %dma_start3A_210 = arith.constant 18000 : i32
    %dma_start3A_211 = tpu.memref_slice %arg7[%dma_start3A_210] : memref<20000xi32, #tpu.memory_space<vmem>> -> memref<2000xi32, #tpu.memory_space<vmem>>
    %dma_start3A_212 = tpu.memref_slice %arg2[%add3A_208] : memref<1000000xi32, #tpu.memory_space<hbm>> -> memref<2000xi32, #tpu.memory_space<hbm>>
    %dma_start3A_213 = tpu.memref_slice %arg9[%dma_start3A_209] : memref<10x!tpu.dma_semaphore, #tpu.memory_space<semaphore_mem>> -> memref<1x!tpu.dma_semaphore, #tpu.memory_space<semaphore_mem>>
    %dma_start3A_214 = tpu.memref_squeeze %dma_start3A_213 : memref<1x!tpu.dma_semaphore, #tpu.memory_space<semaphore_mem>> -> memref<!tpu.dma_semaphore, #tpu.memory_space<semaphore_mem>>
    %dma_start3A_215 = arith.constant 18000 : i32
    %dma_start3A_216 = tpu.memref_slice %arg7[%dma_start3A_215] : memref<20000xi32, #tpu.memory_space<vmem>> -> memref<2000xi32, #tpu.memory_space<vmem>>
    %dma_start3A_217 = tpu.memref_slice %arg2[%add3A_208] : memref<1000000xi32, #tpu.memory_space<hbm>> -> memref<2000xi32, #tpu.memory_space<hbm>>
    tpu.enqueue_dma source(%dma_start3A_217 : memref<2000xi32, #tpu.memory_space<hbm>>) target(%dma_start3A_216 : memref<2000xi32, #tpu.memory_space<vmem>>) target_semaphore(%dma_start3A_214 : memref<!tpu.dma_semaphore, #tpu.memory_space<semaphore_mem>>)
    %mul3A_218 = arith.constant 2000 : i32
    %mul3A_219 = arith.muli %min3A_52, %mul3A_218 : i32
    %add3A_220 = arith.constant 384000 : i32
    %add3A_221 = arith.addi %add3A_220, %mul3A_219 : i32
    %dma_wait3A = arith.constant 0 : i32
    %dma_wait3A_222 = arith.constant 0 : i32
    %dma_wait3A_223 = tpu.memref_slice %arg7[%dma_wait3A_222] : memref<20000xi32, #tpu.memory_space<vmem>> -> memref<2000xi32, #tpu.memory_space<vmem>>
    %dma_wait3A_224 = tpu.memref_slice %arg2[%add3A_221] : memref<1000000xi32, #tpu.memory_space<hbm>> -> memref<2000xi32, #tpu.memory_space<hbm>>
    %dma_wait3A_225 = tpu.memref_slice %arg9[%dma_wait3A] : memref<10x!tpu.dma_semaphore, #tpu.memory_space<semaphore_mem>> -> memref<1x!tpu.dma_semaphore, #tpu.memory_space<semaphore_mem>>
    %dma_wait3A_226 = tpu.memref_squeeze %dma_wait3A_225 : memref<1x!tpu.dma_semaphore, #tpu.memory_space<semaphore_mem>> -> memref<!tpu.dma_semaphore, #tpu.memory_space<semaphore_mem>>
    %dma_wait3A_227 = arith.constant 0 : i32
    %dma_wait3A_228 = tpu.memref_slice %arg7[%dma_wait3A_227] : memref<20000xi32, #tpu.memory_space<vmem>> -> memref<2000xi32, #tpu.memory_space<vmem>>
    %dma_wait3A_229 = tpu.memref_slice %arg2[%add3A_221] : memref<1000000xi32, #tpu.memory_space<hbm>> -> memref<2000xi32, #tpu.memory_space<hbm>>
    tpu.wait_dma2 semaphore(%dma_wait3A_226 : memref<!tpu.dma_semaphore, #tpu.memory_space<semaphore_mem>>) src(%dma_wait3A_229 : memref<2000xi32, #tpu.memory_space<hbm>>) dst(%dma_wait3A_228 : memref<2000xi32, #tpu.memory_space<vmem>>)
    %scan3A = arith.constant 0 : i32
    %scan3A_230 = arith.constant 0 : i32
    %scan3A_231 = arith.constant 25 : i32
    %scan3A_232 = arith.addi %scan3A_230, %scan3A_231 : i32
    %scan3A_233 = arith.constant 1 : i32
    %scan3A_234 = scf.for %scan3A_636 = %scan3A_230 to %scan3A_232 step %scan3A_233 iter_args(%scan3A_637 = %scan3A) -> (i32)  : i32 {
      %mul3A_638 = arith.constant 80 : i32
      %mul3A_639 = arith.muli %scan3A_636, %mul3A_638 : i32
      %add3A_640 = arith.constant 0 : i32
      %add3A_641 = arith.addi %mul3A_639, %add3A_640 : i32
      %add3A_642 = arith.constant 0 : i32
      %add3A_643 = arith.addi %add3A_642, %add3A_641 : i32
      %get3A_644 = arith.index_cast %add3A_643 : i32 to index
      %get3A_645 = tpu.vector_load %arg7[%get3A_644] {strides = array<i32>} : memref<20000xi32, #tpu.memory_space<vmem>>, vector<16xi32>,
      %gather3A = tpu.vector_load_idx %arg6[%get3A_645] : memref<112xf32, #tpu.memory_space<vmem>>[vector<16xi32>], vector<16xf32>,
      %add3A_646 = arith.constant 0 : i32
      %add3A_647 = arith.addi %add3A_646, %add3A_641 : i32
      %swap3A_648 = arith.index_cast %add3A_647 : i32 to index
      %swap3A_649 = tpu.vector_load %arg8[%swap3A_648] {strides = array<i32>} : memref<20000xf32, #tpu.memory_space<vmem>>, vector<16xf32>,
      tpu.vector_store %arg8[%swap3A_648], %gather3A {strides = array<i32>} : memref<20000xf32, #tpu.memory_space<vmem>>, vector<16xf32>,
      %add3A_650 = arith.constant 16 : i32
      %add3A_651 = arith.addi %mul3A_639, %add3A_650 : i32
      %add3A_652 = arith.constant 0 : i32
      %add3A_653 = arith.addi %add3A_652, %add3A_651 : i32
      %get3A_654 = arith.index_cast %add3A_653 : i32 to index
      %get3A_655 = tpu.vector_load %arg7[%get3A_654] {strides = array<i32>} : memref<20000xi32, #tpu.memory_space<vmem>>, vector<16xi32>,
      %gather3A_656 = tpu.vector_load_idx %arg6[%get3A_655] : memref<112xf32, #tpu.memory_space<vmem>>[vector<16xi32>], vector<16xf32>,
      %add3A_657 = arith.constant 0 : i32
      %add3A_658 = arith.addi %add3A_657, %add3A_651 : i32
      %swap3A_659 = arith.index_cast %add3A_658 : i32 to index
      %swap3A_660 = tpu.vector_load %arg8[%swap3A_659] {strides = array<i32>} : memref<20000xf32, #tpu.memory_space<vmem>>, vector<16xf32>,
      tpu.vector_store %arg8[%swap3A_659], %gather3A_656 {strides = array<i32>} : memref<20000xf32, #tpu.memory_space<vmem>>, vector<16xf32>,
      %add3A_661 = arith.constant 32 : i32
      %add3A_662 = arith.addi %mul3A_639, %add3A_661 : i32
      %add3A_663 = arith.constant 0 : i32
      %add3A_664 = arith.addi %add3A_663, %add3A_662 : i32
      %get3A_665 = arith.index_cast %add3A_664 : i32 to index
      %get3A_666 = tpu.vector_load %arg7[%get3A_665] {strides = array<i32>} : memref<20000xi32, #tpu.memory_space<vmem>>, vector<16xi32>,
      %gather3A_667 = tpu.vector_load_idx %arg6[%get3A_666] : memref<112xf32, #tpu.memory_space<vmem>>[vector<16xi32>], vector<16xf32>,
      %add3A_668 = arith.constant 0 : i32
      %add3A_669 = arith.addi %add3A_668, %add3A_662 : i32
      %swap3A_670 = arith.index_cast %add3A_669 : i32 to index
      %swap3A_671 = tpu.vector_load %arg8[%swap3A_670] {strides = array<i32>} : memref<20000xf32, #tpu.memory_space<vmem>>, vector<16xf32>,
      tpu.vector_store %arg8[%swap3A_670], %gather3A_667 {strides = array<i32>} : memref<20000xf32, #tpu.memory_space<vmem>>, vector<16xf32>,
      %add3A_672 = arith.constant 48 : i32
      %add3A_673 = arith.addi %mul3A_639, %add3A_672 : i32
      %add3A_674 = arith.constant 0 : i32
      %add3A_675 = arith.addi %add3A_674, %add3A_673 : i32
      %get3A_676 = arith.index_cast %add3A_675 : i32 to index
      %get3A_677 = tpu.vector_load %arg7[%get3A_676] {strides = array<i32>} : memref<20000xi32, #tpu.memory_space<vmem>>, vector<16xi32>,
      %gather3A_678 = tpu.vector_load_idx %arg6[%get3A_677] : memref<112xf32, #tpu.memory_space<vmem>>[vector<16xi32>], vector<16xf32>,
      %add3A_679 = arith.constant 0 : i32
      %add3A_680 = arith.addi %add3A_679, %add3A_673 : i32
      %swap3A_681 = arith.index_cast %add3A_680 : i32 to index
      %swap3A_682 = tpu.vector_load %arg8[%swap3A_681] {strides = array<i32>} : memref<20000xf32, #tpu.memory_space<vmem>>, vector<16xf32>,
      tpu.vector_store %arg8[%swap3A_681], %gather3A_678 {strides = array<i32>} : memref<20000xf32, #tpu.memory_space<vmem>>, vector<16xf32>,
      %add3A_683 = arith.constant 64 : i32
      %add3A_684 = arith.addi %mul3A_639, %add3A_683 : i32
      %add3A_685 = arith.constant 0 : i32
      %add3A_686 = arith.addi %add3A_685, %add3A_684 : i32
      %get3A_687 = arith.index_cast %add3A_686 : i32 to index
      %get3A_688 = tpu.vector_load %arg7[%get3A_687] {strides = array<i32>} : memref<20000xi32, #tpu.memory_space<vmem>>, vector<16xi32>,
      %gather3A_689 = tpu.vector_load_idx %arg6[%get3A_688] : memref<112xf32, #tpu.memory_space<vmem>>[vector<16xi32>], vector<16xf32>,
      %add3A_690 = arith.constant 0 : i32
      %add3A_691 = arith.addi %add3A_690, %add3A_684 : i32
      %swap3A_692 = arith.index_cast %add3A_691 : i32 to index
      %swap3A_693 = tpu.vector_load %arg8[%swap3A_692] {strides = array<i32>} : memref<20000xf32, #tpu.memory_space<vmem>>, vector<16xf32>,
      tpu.vector_store %arg8[%swap3A_692], %gather3A_689 {strides = array<i32>} : memref<20000xf32, #tpu.memory_space<vmem>>, vector<16xf32>,
      %scan3A_694 = arith.constant 0 : i32
      scf.yield %scan3A_694 : i32
    }
    %scan3A_235 = arith.constant 25 : i32
    %mul3A_236 = arith.constant 2000 : i32
    %mul3A_237 = arith.muli %min3A_52, %mul3A_236 : i32
    %dma_start3A_238 = arith.constant 0 : i32
    %dma_start3A_239 = arith.constant 0 : i32
    %dma_start3A_240 = tpu.memref_slice %arg8[%dma_start3A_239] : memref<20000xf32, #tpu.memory_space<vmem>> -> memref<2000xf32, #tpu.memory_space<vmem>>
    %dma_start3A_241 = tpu.memref_slice %arg4[%mul3A_237] : memref<616000xf32, #tpu.memory_space<hbm>> -> memref<2000xf32, #tpu.memory_space<hbm>>
    %dma_start3A_242 = tpu.memref_slice %arg10[%dma_start3A_238] : memref<10x!tpu.dma_semaphore, #tpu.memory_space<semaphore_mem>> -> memref<1x!tpu.dma_semaphore, #tpu.memory_space<semaphore_mem>>
    %dma_start3A_243 = tpu.memref_squeeze %dma_start3A_242 : memref<1x!tpu.dma_semaphore, #tpu.memory_space<semaphore_mem>> -> memref<!tpu.dma_semaphore, #tpu.memory_space<semaphore_mem>>
    %dma_start3A_244 = tpu.memref_slice %arg4[%mul3A_237] : memref<616000xf32, #tpu.memory_space<hbm>> -> memref<2000xf32, #tpu.memory_space<hbm>>
    %dma_start3A_245 = arith.constant 0 : i32
    %dma_start3A_246 = tpu.memref_slice %arg8[%dma_start3A_245] : memref<20000xf32, #tpu.memory_space<vmem>> -> memref<2000xf32, #tpu.memory_space<vmem>>
    tpu.enqueue_dma source(%dma_start3A_246 : memref<2000xf32, #tpu.memory_space<vmem>>) target(%dma_start3A_244 : memref<2000xf32, #tpu.memory_space<hbm>>) target_semaphore(%dma_start3A_243 : memref<!tpu.dma_semaphore, #tpu.memory_space<semaphore_mem>>)
    %mul3A_247 = arith.constant 2000 : i32
    %mul3A_248 = arith.muli %min3A_56, %mul3A_247 : i32
    %add3A_249 = arith.constant 384000 : i32
    %add3A_250 = arith.addi %add3A_249, %mul3A_248 : i32
    %dma_wait3A_251 = arith.constant 1 : i32
    %dma_wait3A_252 = arith.constant 2000 : i32
    %dma_wait3A_253 = tpu.memref_slice %arg7[%dma_wait3A_252] : memref<20000xi32, #tpu.memory_space<vmem>> -> memref<2000xi32, #tpu.memory_space<vmem>>
    %dma_wait3A_254 = tpu.memref_slice %arg2[%add3A_250] : memref<1000000xi32, #tpu.memory_space<hbm>> -> memref<2000xi32, #tpu.memory_space<hbm>>
    %dma_wait3A_255 = tpu.memref_slice %arg9[%dma_wait3A_251] : memref<10x!tpu.dma_semaphore, #tpu.memory_space<semaphore_mem>> -> memref<1x!tpu.dma_semaphore, #tpu.memory_space<semaphore_mem>>
    %dma_wait3A_256 = tpu.memref_squeeze %dma_wait3A_255 : memref<1x!tpu.dma_semaphore, #tpu.memory_space<semaphore_mem>> -> memref<!tpu.dma_semaphore, #tpu.memory_space<semaphore_mem>>
    %dma_wait3A_257 = arith.constant 2000 : i32
    %dma_wait3A_258 = tpu.memref_slice %arg7[%dma_wait3A_257] : memref<20000xi32, #tpu.memory_space<vmem>> -> memref<2000xi32, #tpu.memory_space<vmem>>
    %dma_wait3A_259 = tpu.memref_slice %arg2[%add3A_250] : memref<1000000xi32, #tpu.memory_space<hbm>> -> memref<2000xi32, #tpu.memory_space<hbm>>
    tpu.wait_dma2 semaphore(%dma_wait3A_256 : memref<!tpu.dma_semaphore, #tpu.memory_space<semaphore_mem>>) src(%dma_wait3A_259 : memref<2000xi32, #tpu.memory_space<hbm>>) dst(%dma_wait3A_258 : memref<2000xi32, #tpu.memory_space<vmem>>)
    %scan3A_260 = arith.constant 0 : i32
    %scan3A_261 = arith.constant 0 : i32
    %scan3A_262 = arith.constant 25 : i32
    %scan3A_263 = arith.addi %scan3A_261, %scan3A_262 : i32
    %scan3A_264 = arith.constant 1 : i32
    %scan3A_265 = scf.for %scan3A_636 = %scan3A_261 to %scan3A_263 step %scan3A_264 iter_args(%scan3A_637 = %scan3A_260) -> (i32)  : i32 {
      %mul3A_638 = arith.constant 80 : i32
      %mul3A_639 = arith.muli %scan3A_636, %mul3A_638 : i32
      %add3A_640 = arith.constant 0 : i32
      %add3A_641 = arith.addi %mul3A_639, %add3A_640 : i32
      %add3A_642 = arith.constant 2000 : i32
      %add3A_643 = arith.addi %add3A_642, %add3A_641 : i32
      %get3A_644 = arith.index_cast %add3A_643 : i32 to index
      %get3A_645 = tpu.vector_load %arg7[%get3A_644] {strides = array<i32>} : memref<20000xi32, #tpu.memory_space<vmem>>, vector<16xi32>,
      %gather3A = tpu.vector_load_idx %arg6[%get3A_645] : memref<112xf32, #tpu.memory_space<vmem>>[vector<16xi32>], vector<16xf32>,
      %add3A_646 = arith.constant 2000 : i32
      %add3A_647 = arith.addi %add3A_646, %add3A_641 : i32
      %swap3A_648 = arith.index_cast %add3A_647 : i32 to index
      %swap3A_649 = tpu.vector_load %arg8[%swap3A_648] {strides = array<i32>} : memref<20000xf32, #tpu.memory_space<vmem>>, vector<16xf32>,
      tpu.vector_store %arg8[%swap3A_648], %gather3A {strides = array<i32>} : memref<20000xf32, #tpu.memory_space<vmem>>, vector<16xf32>,
      %add3A_650 = arith.constant 16 : i32
      %add3A_651 = arith.addi %mul3A_639, %add3A_650 : i32
      %add3A_652 = arith.constant 2000 : i32
      %add3A_653 = arith.addi %add3A_652, %add3A_651 : i32
      %get3A_654 = arith.index_cast %add3A_653 : i32 to index
      %get3A_655 = tpu.vector_load %arg7[%get3A_654] {strides = array<i32>} : memref<20000xi32, #tpu.memory_space<vmem>>, vector<16xi32>,
      %gather3A_656 = tpu.vector_load_idx %arg6[%get3A_655] : memref<112xf32, #tpu.memory_space<vmem>>[vector<16xi32>], vector<16xf32>,
      %add3A_657 = arith.constant 2000 : i32
      %add3A_658 = arith.addi %add3A_657, %add3A_651 : i32
      %swap3A_659 = arith.index_cast %add3A_658 : i32 to index
      %swap3A_660 = tpu.vector_load %arg8[%swap3A_659] {strides = array<i32>} : memref<20000xf32, #tpu.memory_space<vmem>>, vector<16xf32>,
      tpu.vector_store %arg8[%swap3A_659], %gather3A_656 {strides = array<i32>} : memref<20000xf32, #tpu.memory_space<vmem>>, vector<16xf32>,
      %add3A_661 = arith.constant 32 : i32
      %add3A_662 = arith.addi %mul3A_639, %add3A_661 : i32
      %add3A_663 = arith.constant 2000 : i32
      %add3A_664 = arith.addi %add3A_663, %add3A_662 : i32
      %get3A_665 = arith.index_cast %add3A_664 : i32 to index
      %get3A_666 = tpu.vector_load %arg7[%get3A_665] {strides = array<i32>} : memref<20000xi32, #tpu.memory_space<vmem>>, vector<16xi32>,
      %gather3A_667 = tpu.vector_load_idx %arg6[%get3A_666] : memref<112xf32, #tpu.memory_space<vmem>>[vector<16xi32>], vector<16xf32>,
      %add3A_668 = arith.constant 2000 : i32
      %add3A_669 = arith.addi %add3A_668, %add3A_662 : i32
      %swap3A_670 = arith.index_cast %add3A_669 : i32 to index
      %swap3A_671 = tpu.vector_load %arg8[%swap3A_670] {strides = array<i32>} : memref<20000xf32, #tpu.memory_space<vmem>>, vector<16xf32>,
      tpu.vector_store %arg8[%swap3A_670], %gather3A_667 {strides = array<i32>} : memref<20000xf32, #tpu.memory_space<vmem>>, vector<16xf32>,
      %add3A_672 = arith.constant 48 : i32
      %add3A_673 = arith.addi %mul3A_639, %add3A_672 : i32
      %add3A_674 = arith.constant 2000 : i32
      %add3A_675 = arith.addi %add3A_674, %add3A_673 : i32
      %get3A_676 = arith.index_cast %add3A_675 : i32 to index
      %get3A_677 = tpu.vector_load %arg7[%get3A_676] {strides = array<i32>} : memref<20000xi32, #tpu.memory_space<vmem>>, vector<16xi32>,
      %gather3A_678 = tpu.vector_load_idx %arg6[%get3A_677] : memref<112xf32, #tpu.memory_space<vmem>>[vector<16xi32>], vector<16xf32>,
      %add3A_679 = arith.constant 2000 : i32
      %add3A_680 = arith.addi %add3A_679, %add3A_673 : i32
      %swap3A_681 = arith.index_cast %add3A_680 : i32 to index
      %swap3A_682 = tpu.vector_load %arg8[%swap3A_681] {strides = array<i32>} : memref<20000xf32, #tpu.memory_space<vmem>>, vector<16xf32>,
      tpu.vector_store %arg8[%swap3A_681], %gather3A_678 {strides = array<i32>} : memref<20000xf32, #tpu.memory_space<vmem>>, vector<16xf32>,
      %add3A_683 = arith.constant 64 : i32
      %add3A_684 = arith.addi %mul3A_639, %add3A_683 : i32
      %add3A_685 = arith.constant 2000 : i32
      %add3A_686 = arith.addi %add3A_685, %add3A_684 : i32
      %get3A_687 = arith.index_cast %add3A_686 : i32 to index
      %get3A_688 = tpu.vector_load %arg7[%get3A_687] {strides = array<i32>} : memref<20000xi32, #tpu.memory_space<vmem>>, vector<16xi32>,
      %gather3A_689 = tpu.vector_load_idx %arg6[%get3A_688] : memref<112xf32, #tpu.memory_space<vmem>>[vector<16xi32>], vector<16xf32>,
      %add3A_690 = arith.constant 2000 : i32
      %add3A_691 = arith.addi %add3A_690, %add3A_684 : i32
      %swap3A_692 = arith.index_cast %add3A_691 : i32 to index
      %swap3A_693 = tpu.vector_load %arg8[%swap3A_692] {strides = array<i32>} : memref<20000xf32, #tpu.memory_space<vmem>>, vector<16xf32>,
      tpu.vector_store %arg8[%swap3A_692], %gather3A_689 {strides = array<i32>} : memref<20000xf32, #tpu.memory_space<vmem>>, vector<16xf32>,
      %scan3A_694 = arith.constant 0 : i32
      scf.yield %scan3A_694 : i32
    }
    %scan3A_266 = arith.constant 25 : i32
    %mul3A_267 = arith.constant 2000 : i32
    %mul3A_268 = arith.muli %min3A_56, %mul3A_267 : i32
    %dma_start3A_269 = arith.constant 1 : i32
    %dma_start3A_270 = arith.constant 2000 : i32
    %dma_start3A_271 = tpu.memref_slice %arg8[%dma_start3A_270] : memref<20000xf32, #tpu.memory_space<vmem>> -> memref<2000xf32, #tpu.memory_space<vmem>>
    %dma_start3A_272 = tpu.memref_slice %arg4[%mul3A_268] : memref<616000xf32, #tpu.memory_space<hbm>> -> memref<2000xf32, #tpu.memory_space<hbm>>
    %dma_start3A_273 = tpu.memref_slice %arg10[%dma_start3A_269] : memref<10x!tpu.dma_semaphore, #tpu.memory_space<semaphore_mem>> -> memref<1x!tpu.dma_semaphore, #tpu.memory_space<semaphore_mem>>
    %dma_start3A_274 = tpu.memref_squeeze %dma_start3A_273 : memref<1x!tpu.dma_semaphore, #tpu.memory_space<semaphore_mem>> -> memref<!tpu.dma_semaphore, #tpu.memory_space<semaphore_mem>>
    %dma_start3A_275 = tpu.memref_slice %arg4[%mul3A_268] : memref<616000xf32, #tpu.memory_space<hbm>> -> memref<2000xf32, #tpu.memory_space<hbm>>
    %dma_start3A_276 = arith.constant 2000 : i32
    %dma_start3A_277 = tpu.memref_slice %arg8[%dma_start3A_276] : memref<20000xf32, #tpu.memory_space<vmem>> -> memref<2000xf32, #tpu.memory_space<vmem>>
    tpu.enqueue_dma source(%dma_start3A_277 : memref<2000xf32, #tpu.memory_space<vmem>>) target(%dma_start3A_275 : memref<2000xf32, #tpu.memory_space<hbm>>) target_semaphore(%dma_start3A_274 : memref<!tpu.dma_semaphore, #tpu.memory_space<semaphore_mem>>)
    %mul3A_278 = arith.constant 2000 : i32
    %mul3A_279 = arith.muli %min3A_60, %mul3A_278 : i32
    %add3A_280 = arith.constant 384000 : i32
    %add3A_281 = arith.addi %add3A_280, %mul3A_279 : i32
    %dma_wait3A_282 = arith.constant 2 : i32
    %dma_wait3A_283 = arith.constant 4000 : i32
    %dma_wait3A_284 = tpu.memref_slice %arg7[%dma_wait3A_283] : memref<20000xi32, #tpu.memory_space<vmem>> -> memref<2000xi32, #tpu.memory_space<vmem>>
    %dma_wait3A_285 = tpu.memref_slice %arg2[%add3A_281] : memref<1000000xi32, #tpu.memory_space<hbm>> -> memref<2000xi32, #tpu.memory_space<hbm>>
    %dma_wait3A_286 = tpu.memref_slice %arg9[%dma_wait3A_282] : memref<10x!tpu.dma_semaphore, #tpu.memory_space<semaphore_mem>> -> memref<1x!tpu.dma_semaphore, #tpu.memory_space<semaphore_mem>>
    %dma_wait3A_287 = tpu.memref_squeeze %dma_wait3A_286 : memref<1x!tpu.dma_semaphore, #tpu.memory_space<semaphore_mem>> -> memref<!tpu.dma_semaphore, #tpu.memory_space<semaphore_mem>>
    %dma_wait3A_288 = arith.constant 4000 : i32
    %dma_wait3A_289 = tpu.memref_slice %arg7[%dma_wait3A_288] : memref<20000xi32, #tpu.memory_space<vmem>> -> memref<2000xi32, #tpu.memory_space<vmem>>
    %dma_wait3A_290 = tpu.memref_slice %arg2[%add3A_281] : memref<1000000xi32, #tpu.memory_space<hbm>> -> memref<2000xi32, #tpu.memory_space<hbm>>
    tpu.wait_dma2 semaphore(%dma_wait3A_287 : memref<!tpu.dma_semaphore, #tpu.memory_space<semaphore_mem>>) src(%dma_wait3A_290 : memref<2000xi32, #tpu.memory_space<hbm>>) dst(%dma_wait3A_289 : memref<2000xi32, #tpu.memory_space<vmem>>)
    %scan3A_291 = arith.constant 0 : i32
    %scan3A_292 = arith.constant 0 : i32
    %scan3A_293 = arith.constant 25 : i32
    %scan3A_294 = arith.addi %scan3A_292, %scan3A_293 : i32
    %scan3A_295 = arith.constant 1 : i32
    %scan3A_296 = scf.for %scan3A_636 = %scan3A_292 to %scan3A_294 step %scan3A_295 iter_args(%scan3A_637 = %scan3A_291) -> (i32)  : i32 {
      %mul3A_638 = arith.constant 80 : i32
      %mul3A_639 = arith.muli %scan3A_636, %mul3A_638 : i32
      %add3A_640 = arith.constant 0 : i32
      %add3A_641 = arith.addi %mul3A_639, %add3A_640 : i32
      %add3A_642 = arith.constant 4000 : i32
      %add3A_643 = arith.addi %add3A_642, %add3A_641 : i32
      %get3A_644 = arith.index_cast %add3A_643 : i32 to index
      %get3A_645 = tpu.vector_load %arg7[%get3A_644] {strides = array<i32>} : memref<20000xi32, #tpu.memory_space<vmem>>, vector<16xi32>,
      %gather3A = tpu.vector_load_idx %arg6[%get3A_645] : memref<112xf32, #tpu.memory_space<vmem>>[vector<16xi32>], vector<16xf32>,
      %add3A_646 = arith.constant 4000 : i32
      %add3A_647 = arith.addi %add3A_646, %add3A_641 : i32
      %swap3A_648 = arith.index_cast %add3A_647 : i32 to index
      %swap3A_649 = tpu.vector_load %arg8[%swap3A_648] {strides = array<i32>} : memref<20000xf32, #tpu.memory_space<vmem>>, vector<16xf32>,
      tpu.vector_store %arg8[%swap3A_648], %gather3A {strides = array<i32>} : memref<20000xf32, #tpu.memory_space<vmem>>, vector<16xf32>,
      %add3A_650 = arith.constant 16 : i32
      %add3A_651 = arith.addi %mul3A_639, %add3A_650 : i32
      %add3A_652 = arith.constant 4000 : i32
      %add3A_653 = arith.addi %add3A_652, %add3A_651 : i32
      %get3A_654 = arith.index_cast %add3A_653 : i32 to index
      %get3A_655 = tpu.vector_load %arg7[%get3A_654] {strides = array<i32>} : memref<20000xi32, #tpu.memory_space<vmem>>, vector<16xi32>,
      %gather3A_656 = tpu.vector_load_idx %arg6[%get3A_655] : memref<112xf32, #tpu.memory_space<vmem>>[vector<16xi32>], vector<16xf32>,
      %add3A_657 = arith.constant 4000 : i32
      %add3A_658 = arith.addi %add3A_657, %add3A_651 : i32
      %swap3A_659 = arith.index_cast %add3A_658 : i32 to index
      %swap3A_660 = tpu.vector_load %arg8[%swap3A_659] {strides = array<i32>} : memref<20000xf32, #tpu.memory_space<vmem>>, vector<16xf32>,
      tpu.vector_store %arg8[%swap3A_659], %gather3A_656 {strides = array<i32>} : memref<20000xf32, #tpu.memory_space<vmem>>, vector<16xf32>,
      %add3A_661 = arith.constant 32 : i32
      %add3A_662 = arith.addi %mul3A_639, %add3A_661 : i32
      %add3A_663 = arith.constant 4000 : i32
      %add3A_664 = arith.addi %add3A_663, %add3A_662 : i32
      %get3A_665 = arith.index_cast %add3A_664 : i32 to index
      %get3A_666 = tpu.vector_load %arg7[%get3A_665] {strides = array<i32>} : memref<20000xi32, #tpu.memory_space<vmem>>, vector<16xi32>,
      %gather3A_667 = tpu.vector_load_idx %arg6[%get3A_666] : memref<112xf32, #tpu.memory_space<vmem>>[vector<16xi32>], vector<16xf32>,
      %add3A_668 = arith.constant 4000 : i32
      %add3A_669 = arith.addi %add3A_668, %add3A_662 : i32
      %swap3A_670 = arith.index_cast %add3A_669 : i32 to index
      %swap3A_671 = tpu.vector_load %arg8[%swap3A_670] {strides = array<i32>} : memref<20000xf32, #tpu.memory_space<vmem>>, vector<16xf32>,
      tpu.vector_store %arg8[%swap3A_670], %gather3A_667 {strides = array<i32>} : memref<20000xf32, #tpu.memory_space<vmem>>, vector<16xf32>,
      %add3A_672 = arith.constant 48 : i32
      %add3A_673 = arith.addi %mul3A_639, %add3A_672 : i32
      %add3A_674 = arith.constant 4000 : i32
      %add3A_675 = arith.addi %add3A_674, %add3A_673 : i32
      %get3A_676 = arith.index_cast %add3A_675 : i32 to index
      %get3A_677 = tpu.vector_load %arg7[%get3A_676] {strides = array<i32>} : memref<20000xi32, #tpu.memory_space<vmem>>, vector<16xi32>,
      %gather3A_678 = tpu.vector_load_idx %arg6[%get3A_677] : memref<112xf32, #tpu.memory_space<vmem>>[vector<16xi32>], vector<16xf32>,
      %add3A_679 = arith.constant 4000 : i32
      %add3A_680 = arith.addi %add3A_679, %add3A_673 : i32
      %swap3A_681 = arith.index_cast %add3A_680 : i32 to index
      %swap3A_682 = tpu.vector_load %arg8[%swap3A_681] {strides = array<i32>} : memref<20000xf32, #tpu.memory_space<vmem>>, vector<16xf32>,
      tpu.vector_store %arg8[%swap3A_681], %gather3A_678 {strides = array<i32>} : memref<20000xf32, #tpu.memory_space<vmem>>, vector<16xf32>,
      %add3A_683 = arith.constant 64 : i32
      %add3A_684 = arith.addi %mul3A_639, %add3A_683 : i32
      %add3A_685 = arith.constant 4000 : i32
      %add3A_686 = arith.addi %add3A_685, %add3A_684 : i32
      %get3A_687 = arith.index_cast %add3A_686 : i32 to index
      %get3A_688 = tpu.vector_load %arg7[%get3A_687] {strides = array<i32>} : memref<20000xi32, #tpu.memory_space<vmem>>, vector<16xi32>,
      %gather3A_689 = tpu.vector_load_idx %arg6[%get3A_688] : memref<112xf32, #tpu.memory_space<vmem>>[vector<16xi32>], vector<16xf32>,
      %add3A_690 = arith.constant 4000 : i32
      %add3A_691 = arith.addi %add3A_690, %add3A_684 : i32
      %swap3A_692 = arith.index_cast %add3A_691 : i32 to index
      %swap3A_693 = tpu.vector_load %arg8[%swap3A_692] {strides = array<i32>} : memref<20000xf32, #tpu.memory_space<vmem>>, vector<16xf32>,
      tpu.vector_store %arg8[%swap3A_692], %gather3A_689 {strides = array<i32>} : memref<20000xf32, #tpu.memory_space<vmem>>, vector<16xf32>,
      %scan3A_694 = arith.constant 0 : i32
      scf.yield %scan3A_694 : i32
    }
    %scan3A_297 = arith.constant 25 : i32
    %mul3A_298 = arith.constant 2000 : i32
    %mul3A_299 = arith.muli %min3A_60, %mul3A_298 : i32
    %dma_start3A_300 = arith.constant 2 : i32
    %dma_start3A_301 = arith.constant 4000 : i32
    %dma_start3A_302 = tpu.memref_slice %arg8[%dma_start3A_301] : memref<20000xf32, #tpu.memory_space<vmem>> -> memref<2000xf32, #tpu.memory_space<vmem>>
    %dma_start3A_303 = tpu.memref_slice %arg4[%mul3A_299] : memref<616000xf32, #tpu.memory_space<hbm>> -> memref<2000xf32, #tpu.memory_space<hbm>>
    %dma_start3A_304 = tpu.memref_slice %arg10[%dma_start3A_300] : memref<10x!tpu.dma_semaphore, #tpu.memory_space<semaphore_mem>> -> memref<1x!tpu.dma_semaphore, #tpu.memory_space<semaphore_mem>>
    %dma_start3A_305 = tpu.memref_squeeze %dma_start3A_304 : memref<1x!tpu.dma_semaphore, #tpu.memory_space<semaphore_mem>> -> memref<!tpu.dma_semaphore, #tpu.memory_space<semaphore_mem>>
    %dma_start3A_306 = tpu.memref_slice %arg4[%mul3A_299] : memref<616000xf32, #tpu.memory_space<hbm>> -> memref<2000xf32, #tpu.memory_space<hbm>>
    %dma_start3A_307 = arith.constant 4000 : i32
    %dma_start3A_308 = tpu.memref_slice %arg8[%dma_start3A_307] : memref<20000xf32, #tpu.memory_space<vmem>> -> memref<2000xf32, #tpu.memory_space<vmem>>
    tpu.enqueue_dma source(%dma_start3A_308 : memref<2000xf32, #tpu.memory_space<vmem>>) target(%dma_start3A_306 : memref<2000xf32, #tpu.memory_space<hbm>>) target_semaphore(%dma_start3A_305 : memref<!tpu.dma_semaphore, #tpu.memory_space<semaphore_mem>>)
    %mul3A_309 = arith.constant 2000 : i32
    %mul3A_310 = arith.muli %min3A_64, %mul3A_309 : i32
    %add3A_311 = arith.constant 384000 : i32
    %add3A_312 = arith.addi %add3A_311, %mul3A_310 : i32
    %dma_wait3A_313 = arith.constant 3 : i32
    %dma_wait3A_314 = arith.constant 6000 : i32
    %dma_wait3A_315 = tpu.memref_slice %arg7[%dma_wait3A_314] : memref<20000xi32, #tpu.memory_space<vmem>> -> memref<2000xi32, #tpu.memory_space<vmem>>
    %dma_wait3A_316 = tpu.memref_slice %arg2[%add3A_312] : memref<1000000xi32, #tpu.memory_space<hbm>> -> memref<2000xi32, #tpu.memory_space<hbm>>
    %dma_wait3A_317 = tpu.memref_slice %arg9[%dma_wait3A_313] : memref<10x!tpu.dma_semaphore, #tpu.memory_space<semaphore_mem>> -> memref<1x!tpu.dma_semaphore, #tpu.memory_space<semaphore_mem>>
    %dma_wait3A_318 = tpu.memref_squeeze %dma_wait3A_317 : memref<1x!tpu.dma_semaphore, #tpu.memory_space<semaphore_mem>> -> memref<!tpu.dma_semaphore, #tpu.memory_space<semaphore_mem>>
    %dma_wait3A_319 = arith.constant 6000 : i32
    %dma_wait3A_320 = tpu.memref_slice %arg7[%dma_wait3A_319] : memref<20000xi32, #tpu.memory_space<vmem>> -> memref<2000xi32, #tpu.memory_space<vmem>>
    %dma_wait3A_321 = tpu.memref_slice %arg2[%add3A_312] : memref<1000000xi32, #tpu.memory_space<hbm>> -> memref<2000xi32, #tpu.memory_space<hbm>>
    tpu.wait_dma2 semaphore(%dma_wait3A_318 : memref<!tpu.dma_semaphore, #tpu.memory_space<semaphore_mem>>) src(%dma_wait3A_321 : memref<2000xi32, #tpu.memory_space<hbm>>) dst(%dma_wait3A_320 : memref<2000xi32, #tpu.memory_space<vmem>>)
    %scan3A_322 = arith.constant 0 : i32
    %scan3A_323 = arith.constant 0 : i32
    %scan3A_324 = arith.constant 25 : i32
    %scan3A_325 = arith.addi %scan3A_323, %scan3A_324 : i32
    %scan3A_326 = arith.constant 1 : i32
    %scan3A_327 = scf.for %scan3A_636 = %scan3A_323 to %scan3A_325 step %scan3A_326 iter_args(%scan3A_637 = %scan3A_322) -> (i32)  : i32 {
      %mul3A_638 = arith.constant 80 : i32
      %mul3A_639 = arith.muli %scan3A_636, %mul3A_638 : i32
      %add3A_640 = arith.constant 0 : i32
      %add3A_641 = arith.addi %mul3A_639, %add3A_640 : i32
      %add3A_642 = arith.constant 6000 : i32
      %add3A_643 = arith.addi %add3A_642, %add3A_641 : i32
      %get3A_644 = arith.index_cast %add3A_643 : i32 to index
      %get3A_645 = tpu.vector_load %arg7[%get3A_644] {strides = array<i32>} : memref<20000xi32, #tpu.memory_space<vmem>>, vector<16xi32>,
      %gather3A = tpu.vector_load_idx %arg6[%get3A_645] : memref<112xf32, #tpu.memory_space<vmem>>[vector<16xi32>], vector<16xf32>,
      %add3A_646 = arith.constant 6000 : i32
      %add3A_647 = arith.addi %add3A_646, %add3A_641 : i32
      %swap3A_648 = arith.index_cast %add3A_647 : i32 to index
      %swap3A_649 = tpu.vector_load %arg8[%swap3A_648] {strides = array<i32>} : memref<20000xf32, #tpu.memory_space<vmem>>, vector<16xf32>,
      tpu.vector_store %arg8[%swap3A_648], %gather3A {strides = array<i32>} : memref<20000xf32, #tpu.memory_space<vmem>>, vector<16xf32>,
      %add3A_650 = arith.constant 16 : i32
      %add3A_651 = arith.addi %mul3A_639, %add3A_650 : i32
      %add3A_652 = arith.constant 6000 : i32
      %add3A_653 = arith.addi %add3A_652, %add3A_651 : i32
      %get3A_654 = arith.index_cast %add3A_653 : i32 to index
      %get3A_655 = tpu.vector_load %arg7[%get3A_654] {strides = array<i32>} : memref<20000xi32, #tpu.memory_space<vmem>>, vector<16xi32>,
      %gather3A_656 = tpu.vector_load_idx %arg6[%get3A_655] : memref<112xf32, #tpu.memory_space<vmem>>[vector<16xi32>], vector<16xf32>,
      %add3A_657 = arith.constant 6000 : i32
      %add3A_658 = arith.addi %add3A_657, %add3A_651 : i32
      %swap3A_659 = arith.index_cast %add3A_658 : i32 to index
      %swap3A_660 = tpu.vector_load %arg8[%swap3A_659] {strides = array<i32>} : memref<20000xf32, #tpu.memory_space<vmem>>, vector<16xf32>,
      tpu.vector_store %arg8[%swap3A_659], %gather3A_656 {strides = array<i32>} : memref<20000xf32, #tpu.memory_space<vmem>>, vector<16xf32>,
      %add3A_661 = arith.constant 32 : i32
      %add3A_662 = arith.addi %mul3A_639, %add3A_661 : i32
      %add3A_663 = arith.constant 6000 : i32
      %add3A_664 = arith.addi %add3A_663, %add3A_662 : i32
      %get3A_665 = arith.index_cast %add3A_664 : i32 to index
      %get3A_666 = tpu.vector_load %arg7[%get3A_665] {strides = array<i32>} : memref<20000xi32, #tpu.memory_space<vmem>>, vector<16xi32>,
      %gather3A_667 = tpu.vector_load_idx %arg6[%get3A_666] : memref<112xf32, #tpu.memory_space<vmem>>[vector<16xi32>], vector<16xf32>,
      %add3A_668 = arith.constant 6000 : i32
      %add3A_669 = arith.addi %add3A_668, %add3A_662 : i32
      %swap3A_670 = arith.index_cast %add3A_669 : i32 to index
      %swap3A_671 = tpu.vector_load %arg8[%swap3A_670] {strides = array<i32>} : memref<20000xf32, #tpu.memory_space<vmem>>, vector<16xf32>,
      tpu.vector_store %arg8[%swap3A_670], %gather3A_667 {strides = array<i32>} : memref<20000xf32, #tpu.memory_space<vmem>>, vector<16xf32>,
      %add3A_672 = arith.constant 48 : i32
      %add3A_673 = arith.addi %mul3A_639, %add3A_672 : i32
      %add3A_674 = arith.constant 6000 : i32
      %add3A_675 = arith.addi %add3A_674, %add3A_673 : i32
      %get3A_676 = arith.index_cast %add3A_675 : i32 to index
      %get3A_677 = tpu.vector_load %arg7[%get3A_676] {strides = array<i32>} : memref<20000xi32, #tpu.memory_space<vmem>>, vector<16xi32>,
      %gather3A_678 = tpu.vector_load_idx %arg6[%get3A_677] : memref<112xf32, #tpu.memory_space<vmem>>[vector<16xi32>], vector<16xf32>,
      %add3A_679 = arith.constant 6000 : i32
      %add3A_680 = arith.addi %add3A_679, %add3A_673 : i32
      %swap3A_681 = arith.index_cast %add3A_680 : i32 to index
      %swap3A_682 = tpu.vector_load %arg8[%swap3A_681] {strides = array<i32>} : memref<20000xf32, #tpu.memory_space<vmem>>, vector<16xf32>,
      tpu.vector_store %arg8[%swap3A_681], %gather3A_678 {strides = array<i32>} : memref<20000xf32, #tpu.memory_space<vmem>>, vector<16xf32>,
      %add3A_683 = arith.constant 64 : i32
      %add3A_684 = arith.addi %mul3A_639, %add3A_683 : i32
      %add3A_685 = arith.constant 6000 : i32
      %add3A_686 = arith.addi %add3A_685, %add3A_684 : i32
      %get3A_687 = arith.index_cast %add3A_686 : i32 to index
      %get3A_688 = tpu.vector_load %arg7[%get3A_687] {strides = array<i32>} : memref<20000xi32, #tpu.memory_space<vmem>>, vector<16xi32>,
      %gather3A_689 = tpu.vector_load_idx %arg6[%get3A_688] : memref<112xf32, #tpu.memory_space<vmem>>[vector<16xi32>], vector<16xf32>,
      %add3A_690 = arith.constant 6000 : i32
      %add3A_691 = arith.addi %add3A_690, %add3A_684 : i32
      %swap3A_692 = arith.index_cast %add3A_691 : i32 to index
      %swap3A_693 = tpu.vector_load %arg8[%swap3A_692] {strides = array<i32>} : memref<20000xf32, #tpu.memory_space<vmem>>, vector<16xf32>,
      tpu.vector_store %arg8[%swap3A_692], %gather3A_689 {strides = array<i32>} : memref<20000xf32, #tpu.memory_space<vmem>>, vector<16xf32>,
      %scan3A_694 = arith.constant 0 : i32
      scf.yield %scan3A_694 : i32
    }
    %scan3A_328 = arith.constant 25 : i32
    %mul3A_329 = arith.constant 2000 : i32
    %mul3A_330 = arith.muli %min3A_64, %mul3A_329 : i32
    %dma_start3A_331 = arith.constant 3 : i32
    %dma_start3A_332 = arith.constant 6000 : i32
    %dma_start3A_333 = tpu.memref_slice %arg8[%dma_start3A_332] : memref<20000xf32, #tpu.memory_space<vmem>> -> memref<2000xf32, #tpu.memory_space<vmem>>
    %dma_start3A_334 = tpu.memref_slice %arg4[%mul3A_330] : memref<616000xf32, #tpu.memory_space<hbm>> -> memref<2000xf32, #tpu.memory_space<hbm>>
    %dma_start3A_335 = tpu.memref_slice %arg10[%dma_start3A_331] : memref<10x!tpu.dma_semaphore, #tpu.memory_space<semaphore_mem>> -> memref<1x!tpu.dma_semaphore, #tpu.memory_space<semaphore_mem>>
    %dma_start3A_336 = tpu.memref_squeeze %dma_start3A_335 : memref<1x!tpu.dma_semaphore, #tpu.memory_space<semaphore_mem>> -> memref<!tpu.dma_semaphore, #tpu.memory_space<semaphore_mem>>
    %dma_start3A_337 = tpu.memref_slice %arg4[%mul3A_330] : memref<616000xf32, #tpu.memory_space<hbm>> -> memref<2000xf32, #tpu.memory_space<hbm>>
    %dma_start3A_338 = arith.constant 6000 : i32
    %dma_start3A_339 = tpu.memref_slice %arg8[%dma_start3A_338] : memref<20000xf32, #tpu.memory_space<vmem>> -> memref<2000xf32, #tpu.memory_space<vmem>>
    tpu.enqueue_dma source(%dma_start3A_339 : memref<2000xf32, #tpu.memory_space<vmem>>) target(%dma_start3A_337 : memref<2000xf32, #tpu.memory_space<hbm>>) target_semaphore(%dma_start3A_336 : memref<!tpu.dma_semaphore, #tpu.memory_space<semaphore_mem>>)
    %mul3A_340 = arith.constant 2000 : i32
    %mul3A_341 = arith.muli %min3A_68, %mul3A_340 : i32
    %add3A_342 = arith.constant 384000 : i32
    %add3A_343 = arith.addi %add3A_342, %mul3A_341 : i32
    %dma_wait3A_344 = arith.constant 4 : i32
    %dma_wait3A_345 = arith.constant 8000 : i32
    %dma_wait3A_346 = tpu.memref_slice %arg7[%dma_wait3A_345] : memref<20000xi32, #tpu.memory_space<vmem>> -> memref<2000xi32, #tpu.memory_space<vmem>>
    %dma_wait3A_347 = tpu.memref_slice %arg2[%add3A_343] : memref<1000000xi32, #tpu.memory_space<hbm>> -> memref<2000xi32, #tpu.memory_space<hbm>>
    %dma_wait3A_348 = tpu.memref_slice %arg9[%dma_wait3A_344] : memref<10x!tpu.dma_semaphore, #tpu.memory_space<semaphore_mem>> -> memref<1x!tpu.dma_semaphore, #tpu.memory_space<semaphore_mem>>
    %dma_wait3A_349 = tpu.memref_squeeze %dma_wait3A_348 : memref<1x!tpu.dma_semaphore, #tpu.memory_space<semaphore_mem>> -> memref<!tpu.dma_semaphore, #tpu.memory_space<semaphore_mem>>
    %dma_wait3A_350 = arith.constant 8000 : i32
    %dma_wait3A_351 = tpu.memref_slice %arg7[%dma_wait3A_350] : memref<20000xi32, #tpu.memory_space<vmem>> -> memref<2000xi32, #tpu.memory_space<vmem>>
    %dma_wait3A_352 = tpu.memref_slice %arg2[%add3A_343] : memref<1000000xi32, #tpu.memory_space<hbm>> -> memref<2000xi32, #tpu.memory_space<hbm>>
    tpu.wait_dma2 semaphore(%dma_wait3A_349 : memref<!tpu.dma_semaphore, #tpu.memory_space<semaphore_mem>>) src(%dma_wait3A_352 : memref<2000xi32, #tpu.memory_space<hbm>>) dst(%dma_wait3A_351 : memref<2000xi32, #tpu.memory_space<vmem>>)
    %scan3A_353 = arith.constant 0 : i32
    %scan3A_354 = arith.constant 0 : i32
    %scan3A_355 = arith.constant 25 : i32
    %scan3A_356 = arith.addi %scan3A_354, %scan3A_355 : i32
    %scan3A_357 = arith.constant 1 : i32
    %scan3A_358 = scf.for %scan3A_636 = %scan3A_354 to %scan3A_356 step %scan3A_357 iter_args(%scan3A_637 = %scan3A_353) -> (i32)  : i32 {
      %mul3A_638 = arith.constant 80 : i32
      %mul3A_639 = arith.muli %scan3A_636, %mul3A_638 : i32
      %add3A_640 = arith.constant 0 : i32
      %add3A_641 = arith.addi %mul3A_639, %add3A_640 : i32
      %add3A_642 = arith.constant 8000 : i32
      %add3A_643 = arith.addi %add3A_642, %add3A_641 : i32
      %get3A_644 = arith.index_cast %add3A_643 : i32 to index
      %get3A_645 = tpu.vector_load %arg7[%get3A_644] {strides = array<i32>} : memref<20000xi32, #tpu.memory_space<vmem>>, vector<16xi32>,
      %gather3A = tpu.vector_load_idx %arg6[%get3A_645] : memref<112xf32, #tpu.memory_space<vmem>>[vector<16xi32>], vector<16xf32>,
      %add3A_646 = arith.constant 8000 : i32
      %add3A_647 = arith.addi %add3A_646, %add3A_641 : i32
      %swap3A_648 = arith.index_cast %add3A_647 : i32 to index
      %swap3A_649 = tpu.vector_load %arg8[%swap3A_648] {strides = array<i32>} : memref<20000xf32, #tpu.memory_space<vmem>>, vector<16xf32>,
      tpu.vector_store %arg8[%swap3A_648], %gather3A {strides = array<i32>} : memref<20000xf32, #tpu.memory_space<vmem>>, vector<16xf32>,
      %add3A_650 = arith.constant 16 : i32
      %add3A_651 = arith.addi %mul3A_639, %add3A_650 : i32
      %add3A_652 = arith.constant 8000 : i32
      %add3A_653 = arith.addi %add3A_652, %add3A_651 : i32
      %get3A_654 = arith.index_cast %add3A_653 : i32 to index
      %get3A_655 = tpu.vector_load %arg7[%get3A_654] {strides = array<i32>} : memref<20000xi32, #tpu.memory_space<vmem>>, vector<16xi32>,
      %gather3A_656 = tpu.vector_load_idx %arg6[%get3A_655] : memref<112xf32, #tpu.memory_space<vmem>>[vector<16xi32>], vector<16xf32>,
      %add3A_657 = arith.constant 8000 : i32
      %add3A_658 = arith.addi %add3A_657, %add3A_651 : i32
      %swap3A_659 = arith.index_cast %add3A_658 : i32 to index
      %swap3A_660 = tpu.vector_load %arg8[%swap3A_659] {strides = array<i32>} : memref<20000xf32, #tpu.memory_space<vmem>>, vector<16xf32>,
      tpu.vector_store %arg8[%swap3A_659], %gather3A_656 {strides = array<i32>} : memref<20000xf32, #tpu.memory_space<vmem>>, vector<16xf32>,
      %add3A_661 = arith.constant 32 : i32
      %add3A_662 = arith.addi %mul3A_639, %add3A_661 : i32
      %add3A_663 = arith.constant 8000 : i32
      %add3A_664 = arith.addi %add3A_663, %add3A_662 : i32
      %get3A_665 = arith.index_cast %add3A_664 : i32 to index
      %get3A_666 = tpu.vector_load %arg7[%get3A_665] {strides = array<i32>} : memref<20000xi32, #tpu.memory_space<vmem>>, vector<16xi32>,
      %gather3A_667 = tpu.vector_load_idx %arg6[%get3A_666] : memref<112xf32, #tpu.memory_space<vmem>>[vector<16xi32>], vector<16xf32>,
      %add3A_668 = arith.constant 8000 : i32
      %add3A_669 = arith.addi %add3A_668, %add3A_662 : i32
      %swap3A_670 = arith.index_cast %add3A_669 : i32 to index
      %swap3A_671 = tpu.vector_load %arg8[%swap3A_670] {strides = array<i32>} : memref<20000xf32, #tpu.memory_space<vmem>>, vector<16xf32>,
      tpu.vector_store %arg8[%swap3A_670], %gather3A_667 {strides = array<i32>} : memref<20000xf32, #tpu.memory_space<vmem>>, vector<16xf32>,
      %add3A_672 = arith.constant 48 : i32
      %add3A_673 = arith.addi %mul3A_639, %add3A_672 : i32
      %add3A_674 = arith.constant 8000 : i32
      %add3A_675 = arith.addi %add3A_674, %add3A_673 : i32
      %get3A_676 = arith.index_cast %add3A_675 : i32 to index
      %get3A_677 = tpu.vector_load %arg7[%get3A_676] {strides = array<i32>} : memref<20000xi32, #tpu.memory_space<vmem>>, vector<16xi32>,
      %gather3A_678 = tpu.vector_load_idx %arg6[%get3A_677] : memref<112xf32, #tpu.memory_space<vmem>>[vector<16xi32>], vector<16xf32>,
      %add3A_679 = arith.constant 8000 : i32
      %add3A_680 = arith.addi %add3A_679, %add3A_673 : i32
      %swap3A_681 = arith.index_cast %add3A_680 : i32 to index
      %swap3A_682 = tpu.vector_load %arg8[%swap3A_681] {strides = array<i32>} : memref<20000xf32, #tpu.memory_space<vmem>>, vector<16xf32>,
      tpu.vector_store %arg8[%swap3A_681], %gather3A_678 {strides = array<i32>} : memref<20000xf32, #tpu.memory_space<vmem>>, vector<16xf32>,
      %add3A_683 = arith.constant 64 : i32
      %add3A_684 = arith.addi %mul3A_639, %add3A_683 : i32
      %add3A_685 = arith.constant 8000 : i32
      %add3A_686 = arith.addi %add3A_685, %add3A_684 : i32
      %get3A_687 = arith.index_cast %add3A_686 : i32 to index
      %get3A_688 = tpu.vector_load %arg7[%get3A_687] {strides = array<i32>} : memref<20000xi32, #tpu.memory_space<vmem>>, vector<16xi32>,
      %gather3A_689 = tpu.vector_load_idx %arg6[%get3A_688] : memref<112xf32, #tpu.memory_space<vmem>>[vector<16xi32>], vector<16xf32>,
      %add3A_690 = arith.constant 8000 : i32
      %add3A_691 = arith.addi %add3A_690, %add3A_684 : i32
      %swap3A_692 = arith.index_cast %add3A_691 : i32 to index
      %swap3A_693 = tpu.vector_load %arg8[%swap3A_692] {strides = array<i32>} : memref<20000xf32, #tpu.memory_space<vmem>>, vector<16xf32>,
      tpu.vector_store %arg8[%swap3A_692], %gather3A_689 {strides = array<i32>} : memref<20000xf32, #tpu.memory_space<vmem>>, vector<16xf32>,
      %scan3A_694 = arith.constant 0 : i32
      scf.yield %scan3A_694 : i32
    }
    %scan3A_359 = arith.constant 25 : i32
    %mul3A_360 = arith.constant 2000 : i32
    %mul3A_361 = arith.muli %min3A_68, %mul3A_360 : i32
    %dma_start3A_362 = arith.constant 4 : i32
    %dma_start3A_363 = arith.constant 8000 : i32
    %dma_start3A_364 = tpu.memref_slice %arg8[%dma_start3A_363] : memref<20000xf32, #tpu.memory_space<vmem>> -> memref<2000xf32, #tpu.memory_space<vmem>>
    %dma_start3A_365 = tpu.memref_slice %arg4[%mul3A_361] : memref<616000xf32, #tpu.memory_space<hbm>> -> memref<2000xf32, #tpu.memory_space<hbm>>
    %dma_start3A_366 = tpu.memref_slice %arg10[%dma_start3A_362] : memref<10x!tpu.dma_semaphore, #tpu.memory_space<semaphore_mem>> -> memref<1x!tpu.dma_semaphore, #tpu.memory_space<semaphore_mem>>
    %dma_start3A_367 = tpu.memref_squeeze %dma_start3A_366 : memref<1x!tpu.dma_semaphore, #tpu.memory_space<semaphore_mem>> -> memref<!tpu.dma_semaphore, #tpu.memory_space<semaphore_mem>>
    %dma_start3A_368 = tpu.memref_slice %arg4[%mul3A_361] : memref<616000xf32, #tpu.memory_space<hbm>> -> memref<2000xf32, #tpu.memory_space<hbm>>
    %dma_start3A_369 = arith.constant 8000 : i32
    %dma_start3A_370 = tpu.memref_slice %arg8[%dma_start3A_369] : memref<20000xf32, #tpu.memory_space<vmem>> -> memref<2000xf32, #tpu.memory_space<vmem>>
    tpu.enqueue_dma source(%dma_start3A_370 : memref<2000xf32, #tpu.memory_space<vmem>>) target(%dma_start3A_368 : memref<2000xf32, #tpu.memory_space<hbm>>) target_semaphore(%dma_start3A_367 : memref<!tpu.dma_semaphore, #tpu.memory_space<semaphore_mem>>)
    %mul3A_371 = arith.constant 2000 : i32
    %mul3A_372 = arith.muli %min3A_72, %mul3A_371 : i32
    %add3A_373 = arith.constant 384000 : i32
    %add3A_374 = arith.addi %add3A_373, %mul3A_372 : i32
    %dma_wait3A_375 = arith.constant 5 : i32
    %dma_wait3A_376 = arith.constant 10000 : i32
    %dma_wait3A_377 = tpu.memref_slice %arg7[%dma_wait3A_376] : memref<20000xi32, #tpu.memory_space<vmem>> -> memref<2000xi32, #tpu.memory_space<vmem>>
    %dma_wait3A_378 = tpu.memref_slice %arg2[%add3A_374] : memref<1000000xi32, #tpu.memory_space<hbm>> -> memref<2000xi32, #tpu.memory_space<hbm>>
    %dma_wait3A_379 = tpu.memref_slice %arg9[%dma_wait3A_375] : memref<10x!tpu.dma_semaphore, #tpu.memory_space<semaphore_mem>> -> memref<1x!tpu.dma_semaphore, #tpu.memory_space<semaphore_mem>>
    %dma_wait3A_380 = tpu.memref_squeeze %dma_wait3A_379 : memref<1x!tpu.dma_semaphore, #tpu.memory_space<semaphore_mem>> -> memref<!tpu.dma_semaphore, #tpu.memory_space<semaphore_mem>>
    %dma_wait3A_381 = arith.constant 10000 : i32
    %dma_wait3A_382 = tpu.memref_slice %arg7[%dma_wait3A_381] : memref<20000xi32, #tpu.memory_space<vmem>> -> memref<2000xi32, #tpu.memory_space<vmem>>
    %dma_wait3A_383 = tpu.memref_slice %arg2[%add3A_374] : memref<1000000xi32, #tpu.memory_space<hbm>> -> memref<2000xi32, #tpu.memory_space<hbm>>
    tpu.wait_dma2 semaphore(%dma_wait3A_380 : memref<!tpu.dma_semaphore, #tpu.memory_space<semaphore_mem>>) src(%dma_wait3A_383 : memref<2000xi32, #tpu.memory_space<hbm>>) dst(%dma_wait3A_382 : memref<2000xi32, #tpu.memory_space<vmem>>)
    %scan3A_384 = arith.constant 0 : i32
    %scan3A_385 = arith.constant 0 : i32
    %scan3A_386 = arith.constant 25 : i32
    %scan3A_387 = arith.addi %scan3A_385, %scan3A_386 : i32
    %scan3A_388 = arith.constant 1 : i32
    %scan3A_389 = scf.for %scan3A_636 = %scan3A_385 to %scan3A_387 step %scan3A_388 iter_args(%scan3A_637 = %scan3A_384) -> (i32)  : i32 {
      %mul3A_638 = arith.constant 80 : i32
      %mul3A_639 = arith.muli %scan3A_636, %mul3A_638 : i32
      %add3A_640 = arith.constant 0 : i32
      %add3A_641 = arith.addi %mul3A_639, %add3A_640 : i32
      %add3A_642 = arith.constant 10000 : i32
      %add3A_643 = arith.addi %add3A_642, %add3A_641 : i32
      %get3A_644 = arith.index_cast %add3A_643 : i32 to index
      %get3A_645 = tpu.vector_load %arg7[%get3A_644] {strides = array<i32>} : memref<20000xi32, #tpu.memory_space<vmem>>, vector<16xi32>,
      %gather3A = tpu.vector_load_idx %arg6[%get3A_645] : memref<112xf32, #tpu.memory_space<vmem>>[vector<16xi32>], vector<16xf32>,
      %add3A_646 = arith.constant 10000 : i32
      %add3A_647 = arith.addi %add3A_646, %add3A_641 : i32
      %swap3A_648 = arith.index_cast %add3A_647 : i32 to index
      %swap3A_649 = tpu.vector_load %arg8[%swap3A_648] {strides = array<i32>} : memref<20000xf32, #tpu.memory_space<vmem>>, vector<16xf32>,
      tpu.vector_store %arg8[%swap3A_648], %gather3A {strides = array<i32>} : memref<20000xf32, #tpu.memory_space<vmem>>, vector<16xf32>,
      %add3A_650 = arith.constant 16 : i32
      %add3A_651 = arith.addi %mul3A_639, %add3A_650 : i32
      %add3A_652 = arith.constant 10000 : i32
      %add3A_653 = arith.addi %add3A_652, %add3A_651 : i32
      %get3A_654 = arith.index_cast %add3A_653 : i32 to index
      %get3A_655 = tpu.vector_load %arg7[%get3A_654] {strides = array<i32>} : memref<20000xi32, #tpu.memory_space<vmem>>, vector<16xi32>,
      %gather3A_656 = tpu.vector_load_idx %arg6[%get3A_655] : memref<112xf32, #tpu.memory_space<vmem>>[vector<16xi32>], vector<16xf32>,
      %add3A_657 = arith.constant 10000 : i32
      %add3A_658 = arith.addi %add3A_657, %add3A_651 : i32
      %swap3A_659 = arith.index_cast %add3A_658 : i32 to index
      %swap3A_660 = tpu.vector_load %arg8[%swap3A_659] {strides = array<i32>} : memref<20000xf32, #tpu.memory_space<vmem>>, vector<16xf32>,
      tpu.vector_store %arg8[%swap3A_659], %gather3A_656 {strides = array<i32>} : memref<20000xf32, #tpu.memory_space<vmem>>, vector<16xf32>,
      %add3A_661 = arith.constant 32 : i32
      %add3A_662 = arith.addi %mul3A_639, %add3A_661 : i32
      %add3A_663 = arith.constant 10000 : i32
      %add3A_664 = arith.addi %add3A_663, %add3A_662 : i32
      %get3A_665 = arith.index_cast %add3A_664 : i32 to index
      %get3A_666 = tpu.vector_load %arg7[%get3A_665] {strides = array<i32>} : memref<20000xi32, #tpu.memory_space<vmem>>, vector<16xi32>,
      %gather3A_667 = tpu.vector_load_idx %arg6[%get3A_666] : memref<112xf32, #tpu.memory_space<vmem>>[vector<16xi32>], vector<16xf32>,
      %add3A_668 = arith.constant 10000 : i32
      %add3A_669 = arith.addi %add3A_668, %add3A_662 : i32
      %swap3A_670 = arith.index_cast %add3A_669 : i32 to index
      %swap3A_671 = tpu.vector_load %arg8[%swap3A_670] {strides = array<i32>} : memref<20000xf32, #tpu.memory_space<vmem>>, vector<16xf32>,
      tpu.vector_store %arg8[%swap3A_670], %gather3A_667 {strides = array<i32>} : memref<20000xf32, #tpu.memory_space<vmem>>, vector<16xf32>,
      %add3A_672 = arith.constant 48 : i32
      %add3A_673 = arith.addi %mul3A_639, %add3A_672 : i32
      %add3A_674 = arith.constant 10000 : i32
      %add3A_675 = arith.addi %add3A_674, %add3A_673 : i32
      %get3A_676 = arith.index_cast %add3A_675 : i32 to index
      %get3A_677 = tpu.vector_load %arg7[%get3A_676] {strides = array<i32>} : memref<20000xi32, #tpu.memory_space<vmem>>, vector<16xi32>,
      %gather3A_678 = tpu.vector_load_idx %arg6[%get3A_677] : memref<112xf32, #tpu.memory_space<vmem>>[vector<16xi32>], vector<16xf32>,
      %add3A_679 = arith.constant 10000 : i32
      %add3A_680 = arith.addi %add3A_679, %add3A_673 : i32
      %swap3A_681 = arith.index_cast %add3A_680 : i32 to index
      %swap3A_682 = tpu.vector_load %arg8[%swap3A_681] {strides = array<i32>} : memref<20000xf32, #tpu.memory_space<vmem>>, vector<16xf32>,
      tpu.vector_store %arg8[%swap3A_681], %gather3A_678 {strides = array<i32>} : memref<20000xf32, #tpu.memory_space<vmem>>, vector<16xf32>,
      %add3A_683 = arith.constant 64 : i32
      %add3A_684 = arith.addi %mul3A_639, %add3A_683 : i32
      %add3A_685 = arith.constant 10000 : i32
      %add3A_686 = arith.addi %add3A_685, %add3A_684 : i32
      %get3A_687 = arith.index_cast %add3A_686 : i32 to index
      %get3A_688 = tpu.vector_load %arg7[%get3A_687] {strides = array<i32>} : memref<20000xi32, #tpu.memory_space<vmem>>, vector<16xi32>,
      %gather3A_689 = tpu.vector_load_idx %arg6[%get3A_688] : memref<112xf32, #tpu.memory_space<vmem>>[vector<16xi32>], vector<16xf32>,
      %add3A_690 = arith.constant 10000 : i32
      %add3A_691 = arith.addi %add3A_690, %add3A_684 : i32
      %swap3A_692 = arith.index_cast %add3A_691 : i32 to index
      %swap3A_693 = tpu.vector_load %arg8[%swap3A_692] {strides = array<i32>} : memref<20000xf32, #tpu.memory_space<vmem>>, vector<16xf32>,
      tpu.vector_store %arg8[%swap3A_692], %gather3A_689 {strides = array<i32>} : memref<20000xf32, #tpu.memory_space<vmem>>, vector<16xf32>,
      %scan3A_694 = arith.constant 0 : i32
      scf.yield %scan3A_694 : i32
    }
    %scan3A_390 = arith.constant 25 : i32
    %mul3A_391 = arith.constant 2000 : i32
    %mul3A_392 = arith.muli %min3A_72, %mul3A_391 : i32
    %dma_start3A_393 = arith.constant 5 : i32
    %dma_start3A_394 = arith.constant 10000 : i32
    %dma_start3A_395 = tpu.memref_slice %arg8[%dma_start3A_394] : memref<20000xf32, #tpu.memory_space<vmem>> -> memref<2000xf32, #tpu.memory_space<vmem>>
    %dma_start3A_396 = tpu.memref_slice %arg4[%mul3A_392] : memref<616000xf32, #tpu.memory_space<hbm>> -> memref<2000xf32, #tpu.memory_space<hbm>>
    %dma_start3A_397 = tpu.memref_slice %arg10[%dma_start3A_393] : memref<10x!tpu.dma_semaphore, #tpu.memory_space<semaphore_mem>> -> memref<1x!tpu.dma_semaphore, #tpu.memory_space<semaphore_mem>>
    %dma_start3A_398 = tpu.memref_squeeze %dma_start3A_397 : memref<1x!tpu.dma_semaphore, #tpu.memory_space<semaphore_mem>> -> memref<!tpu.dma_semaphore, #tpu.memory_space<semaphore_mem>>
    %dma_start3A_399 = tpu.memref_slice %arg4[%mul3A_392] : memref<616000xf32, #tpu.memory_space<hbm>> -> memref<2000xf32, #tpu.memory_space<hbm>>
    %dma_start3A_400 = arith.constant 10000 : i32
    %dma_start3A_401 = tpu.memref_slice %arg8[%dma_start3A_400] : memref<20000xf32, #tpu.memory_space<vmem>> -> memref<2000xf32, #tpu.memory_space<vmem>>
    tpu.enqueue_dma source(%dma_start3A_401 : memref<2000xf32, #tpu.memory_space<vmem>>) target(%dma_start3A_399 : memref<2000xf32, #tpu.memory_space<hbm>>) target_semaphore(%dma_start3A_398 : memref<!tpu.dma_semaphore, #tpu.memory_space<semaphore_mem>>)
    %mul3A_402 = arith.constant 2000 : i32
    %mul3A_403 = arith.muli %min3A_76, %mul3A_402 : i32
    %add3A_404 = arith.constant 384000 : i32
    %add3A_405 = arith.addi %add3A_404, %mul3A_403 : i32
    %dma_wait3A_406 = arith.constant 6 : i32
    %dma_wait3A_407 = arith.constant 12000 : i32
    %dma_wait3A_408 = tpu.memref_slice %arg7[%dma_wait3A_407] : memref<20000xi32, #tpu.memory_space<vmem>> -> memref<2000xi32, #tpu.memory_space<vmem>>
    %dma_wait3A_409 = tpu.memref_slice %arg2[%add3A_405] : memref<1000000xi32, #tpu.memory_space<hbm>> -> memref<2000xi32, #tpu.memory_space<hbm>>
    %dma_wait3A_410 = tpu.memref_slice %arg9[%dma_wait3A_406] : memref<10x!tpu.dma_semaphore, #tpu.memory_space<semaphore_mem>> -> memref<1x!tpu.dma_semaphore, #tpu.memory_space<semaphore_mem>>
    %dma_wait3A_411 = tpu.memref_squeeze %dma_wait3A_410 : memref<1x!tpu.dma_semaphore, #tpu.memory_space<semaphore_mem>> -> memref<!tpu.dma_semaphore, #tpu.memory_space<semaphore_mem>>
    %dma_wait3A_412 = arith.constant 12000 : i32
    %dma_wait3A_413 = tpu.memref_slice %arg7[%dma_wait3A_412] : memref<20000xi32, #tpu.memory_space<vmem>> -> memref<2000xi32, #tpu.memory_space<vmem>>
    %dma_wait3A_414 = tpu.memref_slice %arg2[%add3A_405] : memref<1000000xi32, #tpu.memory_space<hbm>> -> memref<2000xi32, #tpu.memory_space<hbm>>
    tpu.wait_dma2 semaphore(%dma_wait3A_411 : memref<!tpu.dma_semaphore, #tpu.memory_space<semaphore_mem>>) src(%dma_wait3A_414 : memref<2000xi32, #tpu.memory_space<hbm>>) dst(%dma_wait3A_413 : memref<2000xi32, #tpu.memory_space<vmem>>)
    %scan3A_415 = arith.constant 0 : i32
    %scan3A_416 = arith.constant 0 : i32
    %scan3A_417 = arith.constant 25 : i32
    %scan3A_418 = arith.addi %scan3A_416, %scan3A_417 : i32
    %scan3A_419 = arith.constant 1 : i32
    %scan3A_420 = scf.for %scan3A_636 = %scan3A_416 to %scan3A_418 step %scan3A_419 iter_args(%scan3A_637 = %scan3A_415) -> (i32)  : i32 {
      %mul3A_638 = arith.constant 80 : i32
      %mul3A_639 = arith.muli %scan3A_636, %mul3A_638 : i32
      %add3A_640 = arith.constant 0 : i32
      %add3A_641 = arith.addi %mul3A_639, %add3A_640 : i32
      %add3A_642 = arith.constant 12000 : i32
      %add3A_643 = arith.addi %add3A_642, %add3A_641 : i32
      %get3A_644 = arith.index_cast %add3A_643 : i32 to index
      %get3A_645 = tpu.vector_load %arg7[%get3A_644] {strides = array<i32>} : memref<20000xi32, #tpu.memory_space<vmem>>, vector<16xi32>,
      %gather3A = tpu.vector_load_idx %arg6[%get3A_645] : memref<112xf32, #tpu.memory_space<vmem>>[vector<16xi32>], vector<16xf32>,
      %add3A_646 = arith.constant 12000 : i32
      %add3A_647 = arith.addi %add3A_646, %add3A_641 : i32
      %swap3A_648 = arith.index_cast %add3A_647 : i32 to index
      %swap3A_649 = tpu.vector_load %arg8[%swap3A_648] {strides = array<i32>} : memref<20000xf32, #tpu.memory_space<vmem>>, vector<16xf32>,
      tpu.vector_store %arg8[%swap3A_648], %gather3A {strides = array<i32>} : memref<20000xf32, #tpu.memory_space<vmem>>, vector<16xf32>,
      %add3A_650 = arith.constant 16 : i32
      %add3A_651 = arith.addi %mul3A_639, %add3A_650 : i32
      %add3A_652 = arith.constant 12000 : i32
      %add3A_653 = arith.addi %add3A_652, %add3A_651 : i32
      %get3A_654 = arith.index_cast %add3A_653 : i32 to index
      %get3A_655 = tpu.vector_load %arg7[%get3A_654] {strides = array<i32>} : memref<20000xi32, #tpu.memory_space<vmem>>, vector<16xi32>,
      %gather3A_656 = tpu.vector_load_idx %arg6[%get3A_655] : memref<112xf32, #tpu.memory_space<vmem>>[vector<16xi32>], vector<16xf32>,
      %add3A_657 = arith.constant 12000 : i32
      %add3A_658 = arith.addi %add3A_657, %add3A_651 : i32
      %swap3A_659 = arith.index_cast %add3A_658 : i32 to index
      %swap3A_660 = tpu.vector_load %arg8[%swap3A_659] {strides = array<i32>} : memref<20000xf32, #tpu.memory_space<vmem>>, vector<16xf32>,
      tpu.vector_store %arg8[%swap3A_659], %gather3A_656 {strides = array<i32>} : memref<20000xf32, #tpu.memory_space<vmem>>, vector<16xf32>,
      %add3A_661 = arith.constant 32 : i32
      %add3A_662 = arith.addi %mul3A_639, %add3A_661 : i32
      %add3A_663 = arith.constant 12000 : i32
      %add3A_664 = arith.addi %add3A_663, %add3A_662 : i32
      %get3A_665 = arith.index_cast %add3A_664 : i32 to index
      %get3A_666 = tpu.vector_load %arg7[%get3A_665] {strides = array<i32>} : memref<20000xi32, #tpu.memory_space<vmem>>, vector<16xi32>,
      %gather3A_667 = tpu.vector_load_idx %arg6[%get3A_666] : memref<112xf32, #tpu.memory_space<vmem>>[vector<16xi32>], vector<16xf32>,
      %add3A_668 = arith.constant 12000 : i32
      %add3A_669 = arith.addi %add3A_668, %add3A_662 : i32
      %swap3A_670 = arith.index_cast %add3A_669 : i32 to index
      %swap3A_671 = tpu.vector_load %arg8[%swap3A_670] {strides = array<i32>} : memref<20000xf32, #tpu.memory_space<vmem>>, vector<16xf32>,
      tpu.vector_store %arg8[%swap3A_670], %gather3A_667 {strides = array<i32>} : memref<20000xf32, #tpu.memory_space<vmem>>, vector<16xf32>,
      %add3A_672 = arith.constant 48 : i32
      %add3A_673 = arith.addi %mul3A_639, %add3A_672 : i32
      %add3A_674 = arith.constant 12000 : i32
      %add3A_675 = arith.addi %add3A_674, %add3A_673 : i32
      %get3A_676 = arith.index_cast %add3A_675 : i32 to index
      %get3A_677 = tpu.vector_load %arg7[%get3A_676] {strides = array<i32>} : memref<20000xi32, #tpu.memory_space<vmem>>, vector<16xi32>,
      %gather3A_678 = tpu.vector_load_idx %arg6[%get3A_677] : memref<112xf32, #tpu.memory_space<vmem>>[vector<16xi32>], vector<16xf32>,
      %add3A_679 = arith.constant 12000 : i32
      %add3A_680 = arith.addi %add3A_679, %add3A_673 : i32
      %swap3A_681 = arith.index_cast %add3A_680 : i32 to index
      %swap3A_682 = tpu.vector_load %arg8[%swap3A_681] {strides = array<i32>} : memref<20000xf32, #tpu.memory_space<vmem>>, vector<16xf32>,
      tpu.vector_store %arg8[%swap3A_681], %gather3A_678 {strides = array<i32>} : memref<20000xf32, #tpu.memory_space<vmem>>, vector<16xf32>,
      %add3A_683 = arith.constant 64 : i32
      %add3A_684 = arith.addi %mul3A_639, %add3A_683 : i32
      %add3A_685 = arith.constant 12000 : i32
      %add3A_686 = arith.addi %add3A_685, %add3A_684 : i32
      %get3A_687 = arith.index_cast %add3A_686 : i32 to index
      %get3A_688 = tpu.vector_load %arg7[%get3A_687] {strides = array<i32>} : memref<20000xi32, #tpu.memory_space<vmem>>, vector<16xi32>,
      %gather3A_689 = tpu.vector_load_idx %arg6[%get3A_688] : memref<112xf32, #tpu.memory_space<vmem>>[vector<16xi32>], vector<16xf32>,
      %add3A_690 = arith.constant 12000 : i32
      %add3A_691 = arith.addi %add3A_690, %add3A_684 : i32
      %swap3A_692 = arith.index_cast %add3A_691 : i32 to index
      %swap3A_693 = tpu.vector_load %arg8[%swap3A_692] {strides = array<i32>} : memref<20000xf32, #tpu.memory_space<vmem>>, vector<16xf32>,
      tpu.vector_store %arg8[%swap3A_692], %gather3A_689 {strides = array<i32>} : memref<20000xf32, #tpu.memory_space<vmem>>, vector<16xf32>,
      %scan3A_694 = arith.constant 0 : i32
      scf.yield %scan3A_694 : i32
    }
    %scan3A_421 = arith.constant 25 : i32
    %mul3A_422 = arith.constant 2000 : i32
    %mul3A_423 = arith.muli %min3A_76, %mul3A_422 : i32
    %dma_start3A_424 = arith.constant 6 : i32
    %dma_start3A_425 = arith.constant 12000 : i32
    %dma_start3A_426 = tpu.memref_slice %arg8[%dma_start3A_425] : memref<20000xf32, #tpu.memory_space<vmem>> -> memref<2000xf32, #tpu.memory_space<vmem>>
    %dma_start3A_427 = tpu.memref_slice %arg4[%mul3A_423] : memref<616000xf32, #tpu.memory_space<hbm>> -> memref<2000xf32, #tpu.memory_space<hbm>>
    %dma_start3A_428 = tpu.memref_slice %arg10[%dma_start3A_424] : memref<10x!tpu.dma_semaphore, #tpu.memory_space<semaphore_mem>> -> memref<1x!tpu.dma_semaphore, #tpu.memory_space<semaphore_mem>>
    %dma_start3A_429 = tpu.memref_squeeze %dma_start3A_428 : memref<1x!tpu.dma_semaphore, #tpu.memory_space<semaphore_mem>> -> memref<!tpu.dma_semaphore, #tpu.memory_space<semaphore_mem>>
    %dma_start3A_430 = tpu.memref_slice %arg4[%mul3A_423] : memref<616000xf32, #tpu.memory_space<hbm>> -> memref<2000xf32, #tpu.memory_space<hbm>>
    %dma_start3A_431 = arith.constant 12000 : i32
    %dma_start3A_432 = tpu.memref_slice %arg8[%dma_start3A_431] : memref<20000xf32, #tpu.memory_space<vmem>> -> memref<2000xf32, #tpu.memory_space<vmem>>
    tpu.enqueue_dma source(%dma_start3A_432 : memref<2000xf32, #tpu.memory_space<vmem>>) target(%dma_start3A_430 : memref<2000xf32, #tpu.memory_space<hbm>>) target_semaphore(%dma_start3A_429 : memref<!tpu.dma_semaphore, #tpu.memory_space<semaphore_mem>>)
    %mul3A_433 = arith.constant 2000 : i32
    %mul3A_434 = arith.muli %min3A_80, %mul3A_433 : i32
    %add3A_435 = arith.constant 384000 : i32
    %add3A_436 = arith.addi %add3A_435, %mul3A_434 : i32
    %dma_wait3A_437 = arith.constant 7 : i32
    %dma_wait3A_438 = arith.constant 14000 : i32
    %dma_wait3A_439 = tpu.memref_slice %arg7[%dma_wait3A_438] : memref<20000xi32, #tpu.memory_space<vmem>> -> memref<2000xi32, #tpu.memory_space<vmem>>
    %dma_wait3A_440 = tpu.memref_slice %arg2[%add3A_436] : memref<1000000xi32, #tpu.memory_space<hbm>> -> memref<2000xi32, #tpu.memory_space<hbm>>
    %dma_wait3A_441 = tpu.memref_slice %arg9[%dma_wait3A_437] : memref<10x!tpu.dma_semaphore, #tpu.memory_space<semaphore_mem>> -> memref<1x!tpu.dma_semaphore, #tpu.memory_space<semaphore_mem>>
    %dma_wait3A_442 = tpu.memref_squeeze %dma_wait3A_441 : memref<1x!tpu.dma_semaphore, #tpu.memory_space<semaphore_mem>> -> memref<!tpu.dma_semaphore, #tpu.memory_space<semaphore_mem>>
    %dma_wait3A_443 = arith.constant 14000 : i32
    %dma_wait3A_444 = tpu.memref_slice %arg7[%dma_wait3A_443] : memref<20000xi32, #tpu.memory_space<vmem>> -> memref<2000xi32, #tpu.memory_space<vmem>>
    %dma_wait3A_445 = tpu.memref_slice %arg2[%add3A_436] : memref<1000000xi32, #tpu.memory_space<hbm>> -> memref<2000xi32, #tpu.memory_space<hbm>>
    tpu.wait_dma2 semaphore(%dma_wait3A_442 : memref<!tpu.dma_semaphore, #tpu.memory_space<semaphore_mem>>) src(%dma_wait3A_445 : memref<2000xi32, #tpu.memory_space<hbm>>) dst(%dma_wait3A_444 : memref<2000xi32, #tpu.memory_space<vmem>>)
    %scan3A_446 = arith.constant 0 : i32
    %scan3A_447 = arith.constant 0 : i32
    %scan3A_448 = arith.constant 25 : i32
    %scan3A_449 = arith.addi %scan3A_447, %scan3A_448 : i32
    %scan3A_450 = arith.constant 1 : i32
    %scan3A_451 = scf.for %scan3A_636 = %scan3A_447 to %scan3A_449 step %scan3A_450 iter_args(%scan3A_637 = %scan3A_446) -> (i32)  : i32 {
      %mul3A_638 = arith.constant 80 : i32
      %mul3A_639 = arith.muli %scan3A_636, %mul3A_638 : i32
      %add3A_640 = arith.constant 0 : i32
      %add3A_641 = arith.addi %mul3A_639, %add3A_640 : i32
      %add3A_642 = arith.constant 14000 : i32
      %add3A_643 = arith.addi %add3A_642, %add3A_641 : i32
      %get3A_644 = arith.index_cast %add3A_643 : i32 to index
      %get3A_645 = tpu.vector_load %arg7[%get3A_644] {strides = array<i32>} : memref<20000xi32, #tpu.memory_space<vmem>>, vector<16xi32>,
      %gather3A = tpu.vector_load_idx %arg6[%get3A_645] : memref<112xf32, #tpu.memory_space<vmem>>[vector<16xi32>], vector<16xf32>,
      %add3A_646 = arith.constant 14000 : i32
      %add3A_647 = arith.addi %add3A_646, %add3A_641 : i32
      %swap3A_648 = arith.index_cast %add3A_647 : i32 to index
      %swap3A_649 = tpu.vector_load %arg8[%swap3A_648] {strides = array<i32>} : memref<20000xf32, #tpu.memory_space<vmem>>, vector<16xf32>,
      tpu.vector_store %arg8[%swap3A_648], %gather3A {strides = array<i32>} : memref<20000xf32, #tpu.memory_space<vmem>>, vector<16xf32>,
      %add3A_650 = arith.constant 16 : i32
      %add3A_651 = arith.addi %mul3A_639, %add3A_650 : i32
      %add3A_652 = arith.constant 14000 : i32
      %add3A_653 = arith.addi %add3A_652, %add3A_651 : i32
      %get3A_654 = arith.index_cast %add3A_653 : i32 to index
      %get3A_655 = tpu.vector_load %arg7[%get3A_654] {strides = array<i32>} : memref<20000xi32, #tpu.memory_space<vmem>>, vector<16xi32>,
      %gather3A_656 = tpu.vector_load_idx %arg6[%get3A_655] : memref<112xf32, #tpu.memory_space<vmem>>[vector<16xi32>], vector<16xf32>,
      %add3A_657 = arith.constant 14000 : i32
      %add3A_658 = arith.addi %add3A_657, %add3A_651 : i32
      %swap3A_659 = arith.index_cast %add3A_658 : i32 to index
      %swap3A_660 = tpu.vector_load %arg8[%swap3A_659] {strides = array<i32>} : memref<20000xf32, #tpu.memory_space<vmem>>, vector<16xf32>,
      tpu.vector_store %arg8[%swap3A_659], %gather3A_656 {strides = array<i32>} : memref<20000xf32, #tpu.memory_space<vmem>>, vector<16xf32>,
      %add3A_661 = arith.constant 32 : i32
      %add3A_662 = arith.addi %mul3A_639, %add3A_661 : i32
      %add3A_663 = arith.constant 14000 : i32
      %add3A_664 = arith.addi %add3A_663, %add3A_662 : i32
      %get3A_665 = arith.index_cast %add3A_664 : i32 to index
      %get3A_666 = tpu.vector_load %arg7[%get3A_665] {strides = array<i32>} : memref<20000xi32, #tpu.memory_space<vmem>>, vector<16xi32>,
      %gather3A_667 = tpu.vector_load_idx %arg6[%get3A_666] : memref<112xf32, #tpu.memory_space<vmem>>[vector<16xi32>], vector<16xf32>,
      %add3A_668 = arith.constant 14000 : i32
      %add3A_669 = arith.addi %add3A_668, %add3A_662 : i32
      %swap3A_670 = arith.index_cast %add3A_669 : i32 to index
      %swap3A_671 = tpu.vector_load %arg8[%swap3A_670] {strides = array<i32>} : memref<20000xf32, #tpu.memory_space<vmem>>, vector<16xf32>,
      tpu.vector_store %arg8[%swap3A_670], %gather3A_667 {strides = array<i32>} : memref<20000xf32, #tpu.memory_space<vmem>>, vector<16xf32>,
      %add3A_672 = arith.constant 48 : i32
      %add3A_673 = arith.addi %mul3A_639, %add3A_672 : i32
      %add3A_674 = arith.constant 14000 : i32
      %add3A_675 = arith.addi %add3A_674, %add3A_673 : i32
      %get3A_676 = arith.index_cast %add3A_675 : i32 to index
      %get3A_677 = tpu.vector_load %arg7[%get3A_676] {strides = array<i32>} : memref<20000xi32, #tpu.memory_space<vmem>>, vector<16xi32>,
      %gather3A_678 = tpu.vector_load_idx %arg6[%get3A_677] : memref<112xf32, #tpu.memory_space<vmem>>[vector<16xi32>], vector<16xf32>,
      %add3A_679 = arith.constant 14000 : i32
      %add3A_680 = arith.addi %add3A_679, %add3A_673 : i32
      %swap3A_681 = arith.index_cast %add3A_680 : i32 to index
      %swap3A_682 = tpu.vector_load %arg8[%swap3A_681] {strides = array<i32>} : memref<20000xf32, #tpu.memory_space<vmem>>, vector<16xf32>,
      tpu.vector_store %arg8[%swap3A_681], %gather3A_678 {strides = array<i32>} : memref<20000xf32, #tpu.memory_space<vmem>>, vector<16xf32>,
      %add3A_683 = arith.constant 64 : i32
      %add3A_684 = arith.addi %mul3A_639, %add3A_683 : i32
      %add3A_685 = arith.constant 14000 : i32
      %add3A_686 = arith.addi %add3A_685, %add3A_684 : i32
      %get3A_687 = arith.index_cast %add3A_686 : i32 to index
      %get3A_688 = tpu.vector_load %arg7[%get3A_687] {strides = array<i32>} : memref<20000xi32, #tpu.memory_space<vmem>>, vector<16xi32>,
      %gather3A_689 = tpu.vector_load_idx %arg6[%get3A_688] : memref<112xf32, #tpu.memory_space<vmem>>[vector<16xi32>], vector<16xf32>,
      %add3A_690 = arith.constant 14000 : i32
      %add3A_691 = arith.addi %add3A_690, %add3A_684 : i32
      %swap3A_692 = arith.index_cast %add3A_691 : i32 to index
      %swap3A_693 = tpu.vector_load %arg8[%swap3A_692] {strides = array<i32>} : memref<20000xf32, #tpu.memory_space<vmem>>, vector<16xf32>,
      tpu.vector_store %arg8[%swap3A_692], %gather3A_689 {strides = array<i32>} : memref<20000xf32, #tpu.memory_space<vmem>>, vector<16xf32>,
      %scan3A_694 = arith.constant 0 : i32
      scf.yield %scan3A_694 : i32
    }
    %scan3A_452 = arith.constant 25 : i32
    %mul3A_453 = arith.constant 2000 : i32
    %mul3A_454 = arith.muli %min3A_80, %mul3A_453 : i32
    %dma_start3A_455 = arith.constant 7 : i32
    %dma_start3A_456 = arith.constant 14000 : i32
    %dma_start3A_457 = tpu.memref_slice %arg8[%dma_start3A_456] : memref<20000xf32, #tpu.memory_space<vmem>> -> memref<2000xf32, #tpu.memory_space<vmem>>
    %dma_start3A_458 = tpu.memref_slice %arg4[%mul3A_454] : memref<616000xf32, #tpu.memory_space<hbm>> -> memref<2000xf32, #tpu.memory_space<hbm>>
    %dma_start3A_459 = tpu.memref_slice %arg10[%dma_start3A_455] : memref<10x!tpu.dma_semaphore, #tpu.memory_space<semaphore_mem>> -> memref<1x!tpu.dma_semaphore, #tpu.memory_space<semaphore_mem>>
    %dma_start3A_460 = tpu.memref_squeeze %dma_start3A_459 : memref<1x!tpu.dma_semaphore, #tpu.memory_space<semaphore_mem>> -> memref<!tpu.dma_semaphore, #tpu.memory_space<semaphore_mem>>
    %dma_start3A_461 = tpu.memref_slice %arg4[%mul3A_454] : memref<616000xf32, #tpu.memory_space<hbm>> -> memref<2000xf32, #tpu.memory_space<hbm>>
    %dma_start3A_462 = arith.constant 14000 : i32
    %dma_start3A_463 = tpu.memref_slice %arg8[%dma_start3A_462] : memref<20000xf32, #tpu.memory_space<vmem>> -> memref<2000xf32, #tpu.memory_space<vmem>>
    tpu.enqueue_dma source(%dma_start3A_463 : memref<2000xf32, #tpu.memory_space<vmem>>) target(%dma_start3A_461 : memref<2000xf32, #tpu.memory_space<hbm>>) target_semaphore(%dma_start3A_460 : memref<!tpu.dma_semaphore, #tpu.memory_space<semaphore_mem>>)
    %mul3A_464 = arith.constant 2000 : i32
    %mul3A_465 = arith.muli %min3A_84, %mul3A_464 : i32
    %add3A_466 = arith.constant 384000 : i32
    %add3A_467 = arith.addi %add3A_466, %mul3A_465 : i32
    %dma_wait3A_468 = arith.constant 8 : i32
    %dma_wait3A_469 = arith.constant 16000 : i32
    %dma_wait3A_470 = tpu.memref_slice %arg7[%dma_wait3A_469] : memref<20000xi32, #tpu.memory_space<vmem>> -> memref<2000xi32, #tpu.memory_space<vmem>>
    %dma_wait3A_471 = tpu.memref_slice %arg2[%add3A_467] : memref<1000000xi32, #tpu.memory_space<hbm>> -> memref<2000xi32, #tpu.memory_space<hbm>>
    %dma_wait3A_472 = tpu.memref_slice %arg9[%dma_wait3A_468] : memref<10x!tpu.dma_semaphore, #tpu.memory_space<semaphore_mem>> -> memref<1x!tpu.dma_semaphore, #tpu.memory_space<semaphore_mem>>
    %dma_wait3A_473 = tpu.memref_squeeze %dma_wait3A_472 : memref<1x!tpu.dma_semaphore, #tpu.memory_space<semaphore_mem>> -> memref<!tpu.dma_semaphore, #tpu.memory_space<semaphore_mem>>
    %dma_wait3A_474 = arith.constant 16000 : i32
    %dma_wait3A_475 = tpu.memref_slice %arg7[%dma_wait3A_474] : memref<20000xi32, #tpu.memory_space<vmem>> -> memref<2000xi32, #tpu.memory_space<vmem>>
    %dma_wait3A_476 = tpu.memref_slice %arg2[%add3A_467] : memref<1000000xi32, #tpu.memory_space<hbm>> -> memref<2000xi32, #tpu.memory_space<hbm>>
    tpu.wait_dma2 semaphore(%dma_wait3A_473 : memref<!tpu.dma_semaphore, #tpu.memory_space<semaphore_mem>>) src(%dma_wait3A_476 : memref<2000xi32, #tpu.memory_space<hbm>>) dst(%dma_wait3A_475 : memref<2000xi32, #tpu.memory_space<vmem>>)
    %scan3A_477 = arith.constant 0 : i32
    %scan3A_478 = arith.constant 0 : i32
    %scan3A_479 = arith.constant 25 : i32
    %scan3A_480 = arith.addi %scan3A_478, %scan3A_479 : i32
    %scan3A_481 = arith.constant 1 : i32
    %scan3A_482 = scf.for %scan3A_636 = %scan3A_478 to %scan3A_480 step %scan3A_481 iter_args(%scan3A_637 = %scan3A_477) -> (i32)  : i32 {
      %mul3A_638 = arith.constant 80 : i32
      %mul3A_639 = arith.muli %scan3A_636, %mul3A_638 : i32
      %add3A_640 = arith.constant 0 : i32
      %add3A_641 = arith.addi %mul3A_639, %add3A_640 : i32
      %add3A_642 = arith.constant 16000 : i32
      %add3A_643 = arith.addi %add3A_642, %add3A_641 : i32
      %get3A_644 = arith.index_cast %add3A_643 : i32 to index
      %get3A_645 = tpu.vector_load %arg7[%get3A_644] {strides = array<i32>} : memref<20000xi32, #tpu.memory_space<vmem>>, vector<16xi32>,
      %gather3A = tpu.vector_load_idx %arg6[%get3A_645] : memref<112xf32, #tpu.memory_space<vmem>>[vector<16xi32>], vector<16xf32>,
      %add3A_646 = arith.constant 16000 : i32
      %add3A_647 = arith.addi %add3A_646, %add3A_641 : i32
      %swap3A_648 = arith.index_cast %add3A_647 : i32 to index
      %swap3A_649 = tpu.vector_load %arg8[%swap3A_648] {strides = array<i32>} : memref<20000xf32, #tpu.memory_space<vmem>>, vector<16xf32>,
      tpu.vector_store %arg8[%swap3A_648], %gather3A {strides = array<i32>} : memref<20000xf32, #tpu.memory_space<vmem>>, vector<16xf32>,
      %add3A_650 = arith.constant 16 : i32
      %add3A_651 = arith.addi %mul3A_639, %add3A_650 : i32
      %add3A_652 = arith.constant 16000 : i32
      %add3A_653 = arith.addi %add3A_652, %add3A_651 : i32
      %get3A_654 = arith.index_cast %add3A_653 : i32 to index
      %get3A_655 = tpu.vector_load %arg7[%get3A_654] {strides = array<i32>} : memref<20000xi32, #tpu.memory_space<vmem>>, vector<16xi32>,
      %gather3A_656 = tpu.vector_load_idx %arg6[%get3A_655] : memref<112xf32, #tpu.memory_space<vmem>>[vector<16xi32>], vector<16xf32>,
      %add3A_657 = arith.constant 16000 : i32
      %add3A_658 = arith.addi %add3A_657, %add3A_651 : i32
      %swap3A_659 = arith.index_cast %add3A_658 : i32 to index
      %swap3A_660 = tpu.vector_load %arg8[%swap3A_659] {strides = array<i32>} : memref<20000xf32, #tpu.memory_space<vmem>>, vector<16xf32>,
      tpu.vector_store %arg8[%swap3A_659], %gather3A_656 {strides = array<i32>} : memref<20000xf32, #tpu.memory_space<vmem>>, vector<16xf32>,
      %add3A_661 = arith.constant 32 : i32
      %add3A_662 = arith.addi %mul3A_639, %add3A_661 : i32
      %add3A_663 = arith.constant 16000 : i32
      %add3A_664 = arith.addi %add3A_663, %add3A_662 : i32
      %get3A_665 = arith.index_cast %add3A_664 : i32 to index
      %get3A_666 = tpu.vector_load %arg7[%get3A_665] {strides = array<i32>} : memref<20000xi32, #tpu.memory_space<vmem>>, vector<16xi32>,
      %gather3A_667 = tpu.vector_load_idx %arg6[%get3A_666] : memref<112xf32, #tpu.memory_space<vmem>>[vector<16xi32>], vector<16xf32>,
      %add3A_668 = arith.constant 16000 : i32
      %add3A_669 = arith.addi %add3A_668, %add3A_662 : i32
      %swap3A_670 = arith.index_cast %add3A_669 : i32 to index
      %swap3A_671 = tpu.vector_load %arg8[%swap3A_670] {strides = array<i32>} : memref<20000xf32, #tpu.memory_space<vmem>>, vector<16xf32>,
      tpu.vector_store %arg8[%swap3A_670], %gather3A_667 {strides = array<i32>} : memref<20000xf32, #tpu.memory_space<vmem>>, vector<16xf32>,
      %add3A_672 = arith.constant 48 : i32
      %add3A_673 = arith.addi %mul3A_639, %add3A_672 : i32
      %add3A_674 = arith.constant 16000 : i32
      %add3A_675 = arith.addi %add3A_674, %add3A_673 : i32
      %get3A_676 = arith.index_cast %add3A_675 : i32 to index
      %get3A_677 = tpu.vector_load %arg7[%get3A_676] {strides = array<i32>} : memref<20000xi32, #tpu.memory_space<vmem>>, vector<16xi32>,
      %gather3A_678 = tpu.vector_load_idx %arg6[%get3A_677] : memref<112xf32, #tpu.memory_space<vmem>>[vector<16xi32>], vector<16xf32>,
      %add3A_679 = arith.constant 16000 : i32
      %add3A_680 = arith.addi %add3A_679, %add3A_673 : i32
      %swap3A_681 = arith.index_cast %add3A_680 : i32 to index
      %swap3A_682 = tpu.vector_load %arg8[%swap3A_681] {strides = array<i32>} : memref<20000xf32, #tpu.memory_space<vmem>>, vector<16xf32>,
      tpu.vector_store %arg8[%swap3A_681], %gather3A_678 {strides = array<i32>} : memref<20000xf32, #tpu.memory_space<vmem>>, vector<16xf32>,
      %add3A_683 = arith.constant 64 : i32
      %add3A_684 = arith.addi %mul3A_639, %add3A_683 : i32
      %add3A_685 = arith.constant 16000 : i32
      %add3A_686 = arith.addi %add3A_685, %add3A_684 : i32
      %get3A_687 = arith.index_cast %add3A_686 : i32 to index
      %get3A_688 = tpu.vector_load %arg7[%get3A_687] {strides = array<i32>} : memref<20000xi32, #tpu.memory_space<vmem>>, vector<16xi32>,
      %gather3A_689 = tpu.vector_load_idx %arg6[%get3A_688] : memref<112xf32, #tpu.memory_space<vmem>>[vector<16xi32>], vector<16xf32>,
      %add3A_690 = arith.constant 16000 : i32
      %add3A_691 = arith.addi %add3A_690, %add3A_684 : i32
      %swap3A_692 = arith.index_cast %add3A_691 : i32 to index
      %swap3A_693 = tpu.vector_load %arg8[%swap3A_692] {strides = array<i32>} : memref<20000xf32, #tpu.memory_space<vmem>>, vector<16xf32>,
      tpu.vector_store %arg8[%swap3A_692], %gather3A_689 {strides = array<i32>} : memref<20000xf32, #tpu.memory_space<vmem>>, vector<16xf32>,
      %scan3A_694 = arith.constant 0 : i32
      scf.yield %scan3A_694 : i32
    }
    %scan3A_483 = arith.constant 25 : i32
    %mul3A_484 = arith.constant 2000 : i32
    %mul3A_485 = arith.muli %min3A_84, %mul3A_484 : i32
    %dma_start3A_486 = arith.constant 8 : i32
    %dma_start3A_487 = arith.constant 16000 : i32
    %dma_start3A_488 = tpu.memref_slice %arg8[%dma_start3A_487] : memref<20000xf32, #tpu.memory_space<vmem>> -> memref<2000xf32, #tpu.memory_space<vmem>>
    %dma_start3A_489 = tpu.memref_slice %arg4[%mul3A_485] : memref<616000xf32, #tpu.memory_space<hbm>> -> memref<2000xf32, #tpu.memory_space<hbm>>
    %dma_start3A_490 = tpu.memref_slice %arg10[%dma_start3A_486] : memref<10x!tpu.dma_semaphore, #tpu.memory_space<semaphore_mem>> -> memref<1x!tpu.dma_semaphore, #tpu.memory_space<semaphore_mem>>
    %dma_start3A_491 = tpu.memref_squeeze %dma_start3A_490 : memref<1x!tpu.dma_semaphore, #tpu.memory_space<semaphore_mem>> -> memref<!tpu.dma_semaphore, #tpu.memory_space<semaphore_mem>>
    %dma_start3A_492 = tpu.memref_slice %arg4[%mul3A_485] : memref<616000xf32, #tpu.memory_space<hbm>> -> memref<2000xf32, #tpu.memory_space<hbm>>
    %dma_start3A_493 = arith.constant 16000 : i32
    %dma_start3A_494 = tpu.memref_slice %arg8[%dma_start3A_493] : memref<20000xf32, #tpu.memory_space<vmem>> -> memref<2000xf32, #tpu.memory_space<vmem>>
    tpu.enqueue_dma source(%dma_start3A_494 : memref<2000xf32, #tpu.memory_space<vmem>>) target(%dma_start3A_492 : memref<2000xf32, #tpu.memory_space<hbm>>) target_semaphore(%dma_start3A_491 : memref<!tpu.dma_semaphore, #tpu.memory_space<semaphore_mem>>)
    %mul3A_495 = arith.constant 2000 : i32
    %mul3A_496 = arith.muli %min3A_88, %mul3A_495 : i32
    %add3A_497 = arith.constant 384000 : i32
    %add3A_498 = arith.addi %add3A_497, %mul3A_496 : i32
    %dma_wait3A_499 = arith.constant 9 : i32
    %dma_wait3A_500 = arith.constant 18000 : i32
    %dma_wait3A_501 = tpu.memref_slice %arg7[%dma_wait3A_500] : memref<20000xi32, #tpu.memory_space<vmem>> -> memref<2000xi32, #tpu.memory_space<vmem>>
    %dma_wait3A_502 = tpu.memref_slice %arg2[%add3A_498] : memref<1000000xi32, #tpu.memory_space<hbm>> -> memref<2000xi32, #tpu.memory_space<hbm>>
    %dma_wait3A_503 = tpu.memref_slice %arg9[%dma_wait3A_499] : memref<10x!tpu.dma_semaphore, #tpu.memory_space<semaphore_mem>> -> memref<1x!tpu.dma_semaphore, #tpu.memory_space<semaphore_mem>>
    %dma_wait3A_504 = tpu.memref_squeeze %dma_wait3A_503 : memref<1x!tpu.dma_semaphore, #tpu.memory_space<semaphore_mem>> -> memref<!tpu.dma_semaphore, #tpu.memory_space<semaphore_mem>>
    %dma_wait3A_505 = arith.constant 18000 : i32
    %dma_wait3A_506 = tpu.memref_slice %arg7[%dma_wait3A_505] : memref<20000xi32, #tpu.memory_space<vmem>> -> memref<2000xi32, #tpu.memory_space<vmem>>
    %dma_wait3A_507 = tpu.memref_slice %arg2[%add3A_498] : memref<1000000xi32, #tpu.memory_space<hbm>> -> memref<2000xi32, #tpu.memory_space<hbm>>
    tpu.wait_dma2 semaphore(%dma_wait3A_504 : memref<!tpu.dma_semaphore, #tpu.memory_space<semaphore_mem>>) src(%dma_wait3A_507 : memref<2000xi32, #tpu.memory_space<hbm>>) dst(%dma_wait3A_506 : memref<2000xi32, #tpu.memory_space<vmem>>)
    %scan3A_508 = arith.constant 0 : i32
    %scan3A_509 = arith.constant 0 : i32
    %scan3A_510 = arith.constant 25 : i32
    %scan3A_511 = arith.addi %scan3A_509, %scan3A_510 : i32
    %scan3A_512 = arith.constant 1 : i32
    %scan3A_513 = scf.for %scan3A_636 = %scan3A_509 to %scan3A_511 step %scan3A_512 iter_args(%scan3A_637 = %scan3A_508) -> (i32)  : i32 {
      %mul3A_638 = arith.constant 80 : i32
      %mul3A_639 = arith.muli %scan3A_636, %mul3A_638 : i32
      %add3A_640 = arith.constant 0 : i32
      %add3A_641 = arith.addi %mul3A_639, %add3A_640 : i32
      %add3A_642 = arith.constant 18000 : i32
      %add3A_643 = arith.addi %add3A_642, %add3A_641 : i32
      %get3A_644 = arith.index_cast %add3A_643 : i32 to index
      %get3A_645 = tpu.vector_load %arg7[%get3A_644] {strides = array<i32>} : memref<20000xi32, #tpu.memory_space<vmem>>, vector<16xi32>,
      %gather3A = tpu.vector_load_idx %arg6[%get3A_645] : memref<112xf32, #tpu.memory_space<vmem>>[vector<16xi32>], vector<16xf32>,
      %add3A_646 = arith.constant 18000 : i32
      %add3A_647 = arith.addi %add3A_646, %add3A_641 : i32
      %swap3A_648 = arith.index_cast %add3A_647 : i32 to index
      %swap3A_649 = tpu.vector_load %arg8[%swap3A_648] {strides = array<i32>} : memref<20000xf32, #tpu.memory_space<vmem>>, vector<16xf32>,
      tpu.vector_store %arg8[%swap3A_648], %gather3A {strides = array<i32>} : memref<20000xf32, #tpu.memory_space<vmem>>, vector<16xf32>,
      %add3A_650 = arith.constant 16 : i32
      %add3A_651 = arith.addi %mul3A_639, %add3A_650 : i32
      %add3A_652 = arith.constant 18000 : i32
      %add3A_653 = arith.addi %add3A_652, %add3A_651 : i32
      %get3A_654 = arith.index_cast %add3A_653 : i32 to index
      %get3A_655 = tpu.vector_load %arg7[%get3A_654] {strides = array<i32>} : memref<20000xi32, #tpu.memory_space<vmem>>, vector<16xi32>,
      %gather3A_656 = tpu.vector_load_idx %arg6[%get3A_655] : memref<112xf32, #tpu.memory_space<vmem>>[vector<16xi32>], vector<16xf32>,
      %add3A_657 = arith.constant 18000 : i32
      %add3A_658 = arith.addi %add3A_657, %add3A_651 : i32
      %swap3A_659 = arith.index_cast %add3A_658 : i32 to index
      %swap3A_660 = tpu.vector_load %arg8[%swap3A_659] {strides = array<i32>} : memref<20000xf32, #tpu.memory_space<vmem>>, vector<16xf32>,
      tpu.vector_store %arg8[%swap3A_659], %gather3A_656 {strides = array<i32>} : memref<20000xf32, #tpu.memory_space<vmem>>, vector<16xf32>,
      %add3A_661 = arith.constant 32 : i32
      %add3A_662 = arith.addi %mul3A_639, %add3A_661 : i32
      %add3A_663 = arith.constant 18000 : i32
      %add3A_664 = arith.addi %add3A_663, %add3A_662 : i32
      %get3A_665 = arith.index_cast %add3A_664 : i32 to index
      %get3A_666 = tpu.vector_load %arg7[%get3A_665] {strides = array<i32>} : memref<20000xi32, #tpu.memory_space<vmem>>, vector<16xi32>,
      %gather3A_667 = tpu.vector_load_idx %arg6[%get3A_666] : memref<112xf32, #tpu.memory_space<vmem>>[vector<16xi32>], vector<16xf32>,
      %add3A_668 = arith.constant 18000 : i32
      %add3A_669 = arith.addi %add3A_668, %add3A_662 : i32
      %swap3A_670 = arith.index_cast %add3A_669 : i32 to index
      %swap3A_671 = tpu.vector_load %arg8[%swap3A_670] {strides = array<i32>} : memref<20000xf32, #tpu.memory_space<vmem>>, vector<16xf32>,
      tpu.vector_store %arg8[%swap3A_670], %gather3A_667 {strides = array<i32>} : memref<20000xf32, #tpu.memory_space<vmem>>, vector<16xf32>,
      %add3A_672 = arith.constant 48 : i32
      %add3A_673 = arith.addi %mul3A_639, %add3A_672 : i32
      %add3A_674 = arith.constant 18000 : i32
      %add3A_675 = arith.addi %add3A_674, %add3A_673 : i32
      %get3A_676 = arith.index_cast %add3A_675 : i32 to index
      %get3A_677 = tpu.vector_load %arg7[%get3A_676] {strides = array<i32>} : memref<20000xi32, #tpu.memory_space<vmem>>, vector<16xi32>,
      %gather3A_678 = tpu.vector_load_idx %arg6[%get3A_677] : memref<112xf32, #tpu.memory_space<vmem>>[vector<16xi32>], vector<16xf32>,
      %add3A_679 = arith.constant 18000 : i32
      %add3A_680 = arith.addi %add3A_679, %add3A_673 : i32
      %swap3A_681 = arith.index_cast %add3A_680 : i32 to index
      %swap3A_682 = tpu.vector_load %arg8[%swap3A_681] {strides = array<i32>} : memref<20000xf32, #tpu.memory_space<vmem>>, vector<16xf32>,
      tpu.vector_store %arg8[%swap3A_681], %gather3A_678 {strides = array<i32>} : memref<20000xf32, #tpu.memory_space<vmem>>, vector<16xf32>,
      %add3A_683 = arith.constant 64 : i32
      %add3A_684 = arith.addi %mul3A_639, %add3A_683 : i32
      %add3A_685 = arith.constant 18000 : i32
      %add3A_686 = arith.addi %add3A_685, %add3A_684 : i32
      %get3A_687 = arith.index_cast %add3A_686 : i32 to index
      %get3A_688 = tpu.vector_load %arg7[%get3A_687] {strides = array<i32>} : memref<20000xi32, #tpu.memory_space<vmem>>, vector<16xi32>,
      %gather3A_689 = tpu.vector_load_idx %arg6[%get3A_688] : memref<112xf32, #tpu.memory_space<vmem>>[vector<16xi32>], vector<16xf32>,
      %add3A_690 = arith.constant 18000 : i32
      %add3A_691 = arith.addi %add3A_690, %add3A_684 : i32
      %swap3A_692 = arith.index_cast %add3A_691 : i32 to index
      %swap3A_693 = tpu.vector_load %arg8[%swap3A_692] {strides = array<i32>} : memref<20000xf32, #tpu.memory_space<vmem>>, vector<16xf32>,
      tpu.vector_store %arg8[%swap3A_692], %gather3A_689 {strides = array<i32>} : memref<20000xf32, #tpu.memory_space<vmem>>, vector<16xf32>,
      %scan3A_694 = arith.constant 0 : i32
      scf.yield %scan3A_694 : i32
    }
    %scan3A_514 = arith.constant 25 : i32
    %mul3A_515 = arith.constant 2000 : i32
    %mul3A_516 = arith.muli %min3A_88, %mul3A_515 : i32
    %dma_start3A_517 = arith.constant 9 : i32
    %dma_start3A_518 = arith.constant 18000 : i32
    %dma_start3A_519 = tpu.memref_slice %arg8[%dma_start3A_518] : memref<20000xf32, #tpu.memory_space<vmem>> -> memref<2000xf32, #tpu.memory_space<vmem>>
    %dma_start3A_520 = tpu.memref_slice %arg4[%mul3A_516] : memref<616000xf32, #tpu.memory_space<hbm>> -> memref<2000xf32, #tpu.memory_space<hbm>>
    %dma_start3A_521 = tpu.memref_slice %arg10[%dma_start3A_517] : memref<10x!tpu.dma_semaphore, #tpu.memory_space<semaphore_mem>> -> memref<1x!tpu.dma_semaphore, #tpu.memory_space<semaphore_mem>>
    %dma_start3A_522 = tpu.memref_squeeze %dma_start3A_521 : memref<1x!tpu.dma_semaphore, #tpu.memory_space<semaphore_mem>> -> memref<!tpu.dma_semaphore, #tpu.memory_space<semaphore_mem>>
    %dma_start3A_523 = tpu.memref_slice %arg4[%mul3A_516] : memref<616000xf32, #tpu.memory_space<hbm>> -> memref<2000xf32, #tpu.memory_space<hbm>>
    %dma_start3A_524 = arith.constant 18000 : i32
    %dma_start3A_525 = tpu.memref_slice %arg8[%dma_start3A_524] : memref<20000xf32, #tpu.memory_space<vmem>> -> memref<2000xf32, #tpu.memory_space<vmem>>
    tpu.enqueue_dma source(%dma_start3A_525 : memref<2000xf32, #tpu.memory_space<vmem>>) target(%dma_start3A_523 : memref<2000xf32, #tpu.memory_space<hbm>>) target_semaphore(%dma_start3A_522 : memref<!tpu.dma_semaphore, #tpu.memory_space<semaphore_mem>>)
    %mul3A_526 = arith.constant 2000 : i32
    %mul3A_527 = arith.muli %min3A_52, %mul3A_526 : i32
    %dma_wait3A_528 = arith.constant 0 : i32
    %dma_wait3A_529 = arith.constant 0 : i32
    %dma_wait3A_530 = tpu.memref_slice %arg8[%dma_wait3A_529] : memref<20000xf32, #tpu.memory_space<vmem>> -> memref<2000xf32, #tpu.memory_space<vmem>>
    %dma_wait3A_531 = tpu.memref_slice %arg4[%mul3A_527] : memref<616000xf32, #tpu.memory_space<hbm>> -> memref<2000xf32, #tpu.memory_space<hbm>>
    %dma_wait3A_532 = tpu.memref_slice %arg10[%dma_wait3A_528] : memref<10x!tpu.dma_semaphore, #tpu.memory_space<semaphore_mem>> -> memref<1x!tpu.dma_semaphore, #tpu.memory_space<semaphore_mem>>
    %dma_wait3A_533 = tpu.memref_squeeze %dma_wait3A_532 : memref<1x!tpu.dma_semaphore, #tpu.memory_space<semaphore_mem>> -> memref<!tpu.dma_semaphore, #tpu.memory_space<semaphore_mem>>
    %dma_wait3A_534 = tpu.memref_slice %arg4[%mul3A_527] : memref<616000xf32, #tpu.memory_space<hbm>> -> memref<2000xf32, #tpu.memory_space<hbm>>
    %dma_wait3A_535 = arith.constant 0 : i32
    %dma_wait3A_536 = tpu.memref_slice %arg8[%dma_wait3A_535] : memref<20000xf32, #tpu.memory_space<vmem>> -> memref<2000xf32, #tpu.memory_space<vmem>>
    tpu.wait_dma2 semaphore(%dma_wait3A_533 : memref<!tpu.dma_semaphore, #tpu.memory_space<semaphore_mem>>) src(%dma_wait3A_536 : memref<2000xf32, #tpu.memory_space<vmem>>) dst(%dma_wait3A_534 : memref<2000xf32, #tpu.memory_space<hbm>>)
    %mul3A_537 = arith.constant 2000 : i32
    %mul3A_538 = arith.muli %min3A_56, %mul3A_537 : i32
    %dma_wait3A_539 = arith.constant 1 : i32
    %dma_wait3A_540 = arith.constant 2000 : i32
    %dma_wait3A_541 = tpu.memref_slice %arg8[%dma_wait3A_540] : memref<20000xf32, #tpu.memory_space<vmem>> -> memref<2000xf32, #tpu.memory_space<vmem>>
    %dma_wait3A_542 = tpu.memref_slice %arg4[%mul3A_538] : memref<616000xf32, #tpu.memory_space<hbm>> -> memref<2000xf32, #tpu.memory_space<hbm>>
    %dma_wait3A_543 = tpu.memref_slice %arg10[%dma_wait3A_539] : memref<10x!tpu.dma_semaphore, #tpu.memory_space<semaphore_mem>> -> memref<1x!tpu.dma_semaphore, #tpu.memory_space<semaphore_mem>>
    %dma_wait3A_544 = tpu.memref_squeeze %dma_wait3A_543 : memref<1x!tpu.dma_semaphore, #tpu.memory_space<semaphore_mem>> -> memref<!tpu.dma_semaphore, #tpu.memory_space<semaphore_mem>>
    %dma_wait3A_545 = tpu.memref_slice %arg4[%mul3A_538] : memref<616000xf32, #tpu.memory_space<hbm>> -> memref<2000xf32, #tpu.memory_space<hbm>>
    %dma_wait3A_546 = arith.constant 2000 : i32
    %dma_wait3A_547 = tpu.memref_slice %arg8[%dma_wait3A_546] : memref<20000xf32, #tpu.memory_space<vmem>> -> memref<2000xf32, #tpu.memory_space<vmem>>
    tpu.wait_dma2 semaphore(%dma_wait3A_544 : memref<!tpu.dma_semaphore, #tpu.memory_space<semaphore_mem>>) src(%dma_wait3A_547 : memref<2000xf32, #tpu.memory_space<vmem>>) dst(%dma_wait3A_545 : memref<2000xf32, #tpu.memory_space<hbm>>)
    %mul3A_548 = arith.constant 2000 : i32
    %mul3A_549 = arith.muli %min3A_60, %mul3A_548 : i32
    %dma_wait3A_550 = arith.constant 2 : i32
    %dma_wait3A_551 = arith.constant 4000 : i32
    %dma_wait3A_552 = tpu.memref_slice %arg8[%dma_wait3A_551] : memref<20000xf32, #tpu.memory_space<vmem>> -> memref<2000xf32, #tpu.memory_space<vmem>>
    %dma_wait3A_553 = tpu.memref_slice %arg4[%mul3A_549] : memref<616000xf32, #tpu.memory_space<hbm>> -> memref<2000xf32, #tpu.memory_space<hbm>>
    %dma_wait3A_554 = tpu.memref_slice %arg10[%dma_wait3A_550] : memref<10x!tpu.dma_semaphore, #tpu.memory_space<semaphore_mem>> -> memref<1x!tpu.dma_semaphore, #tpu.memory_space<semaphore_mem>>
    %dma_wait3A_555 = tpu.memref_squeeze %dma_wait3A_554 : memref<1x!tpu.dma_semaphore, #tpu.memory_space<semaphore_mem>> -> memref<!tpu.dma_semaphore, #tpu.memory_space<semaphore_mem>>
    %dma_wait3A_556 = tpu.memref_slice %arg4[%mul3A_549] : memref<616000xf32, #tpu.memory_space<hbm>> -> memref<2000xf32, #tpu.memory_space<hbm>>
    %dma_wait3A_557 = arith.constant 4000 : i32
    %dma_wait3A_558 = tpu.memref_slice %arg8[%dma_wait3A_557] : memref<20000xf32, #tpu.memory_space<vmem>> -> memref<2000xf32, #tpu.memory_space<vmem>>
    tpu.wait_dma2 semaphore(%dma_wait3A_555 : memref<!tpu.dma_semaphore, #tpu.memory_space<semaphore_mem>>) src(%dma_wait3A_558 : memref<2000xf32, #tpu.memory_space<vmem>>) dst(%dma_wait3A_556 : memref<2000xf32, #tpu.memory_space<hbm>>)
    %mul3A_559 = arith.constant 2000 : i32
    %mul3A_560 = arith.muli %min3A_64, %mul3A_559 : i32
    %dma_wait3A_561 = arith.constant 3 : i32
    %dma_wait3A_562 = arith.constant 6000 : i32
    %dma_wait3A_563 = tpu.memref_slice %arg8[%dma_wait3A_562] : memref<20000xf32, #tpu.memory_space<vmem>> -> memref<2000xf32, #tpu.memory_space<vmem>>
    %dma_wait3A_564 = tpu.memref_slice %arg4[%mul3A_560] : memref<616000xf32, #tpu.memory_space<hbm>> -> memref<2000xf32, #tpu.memory_space<hbm>>
    %dma_wait3A_565 = tpu.memref_slice %arg10[%dma_wait3A_561] : memref<10x!tpu.dma_semaphore, #tpu.memory_space<semaphore_mem>> -> memref<1x!tpu.dma_semaphore, #tpu.memory_space<semaphore_mem>>
    %dma_wait3A_566 = tpu.memref_squeeze %dma_wait3A_565 : memref<1x!tpu.dma_semaphore, #tpu.memory_space<semaphore_mem>> -> memref<!tpu.dma_semaphore, #tpu.memory_space<semaphore_mem>>
    %dma_wait3A_567 = tpu.memref_slice %arg4[%mul3A_560] : memref<616000xf32, #tpu.memory_space<hbm>> -> memref<2000xf32, #tpu.memory_space<hbm>>
    %dma_wait3A_568 = arith.constant 6000 : i32
    %dma_wait3A_569 = tpu.memref_slice %arg8[%dma_wait3A_568] : memref<20000xf32, #tpu.memory_space<vmem>> -> memref<2000xf32, #tpu.memory_space<vmem>>
    tpu.wait_dma2 semaphore(%dma_wait3A_566 : memref<!tpu.dma_semaphore, #tpu.memory_space<semaphore_mem>>) src(%dma_wait3A_569 : memref<2000xf32, #tpu.memory_space<vmem>>) dst(%dma_wait3A_567 : memref<2000xf32, #tpu.memory_space<hbm>>)
    %mul3A_570 = arith.constant 2000 : i32
    %mul3A_571 = arith.muli %min3A_68, %mul3A_570 : i32
    %dma_wait3A_572 = arith.constant 4 : i32
    %dma_wait3A_573 = arith.constant 8000 : i32
    %dma_wait3A_574 = tpu.memref_slice %arg8[%dma_wait3A_573] : memref<20000xf32, #tpu.memory_space<vmem>> -> memref<2000xf32, #tpu.memory_space<vmem>>
    %dma_wait3A_575 = tpu.memref_slice %arg4[%mul3A_571] : memref<616000xf32, #tpu.memory_space<hbm>> -> memref<2000xf32, #tpu.memory_space<hbm>>
    %dma_wait3A_576 = tpu.memref_slice %arg10[%dma_wait3A_572] : memref<10x!tpu.dma_semaphore, #tpu.memory_space<semaphore_mem>> -> memref<1x!tpu.dma_semaphore, #tpu.memory_space<semaphore_mem>>
    %dma_wait3A_577 = tpu.memref_squeeze %dma_wait3A_576 : memref<1x!tpu.dma_semaphore, #tpu.memory_space<semaphore_mem>> -> memref<!tpu.dma_semaphore, #tpu.memory_space<semaphore_mem>>
    %dma_wait3A_578 = tpu.memref_slice %arg4[%mul3A_571] : memref<616000xf32, #tpu.memory_space<hbm>> -> memref<2000xf32, #tpu.memory_space<hbm>>
    %dma_wait3A_579 = arith.constant 8000 : i32
    %dma_wait3A_580 = tpu.memref_slice %arg8[%dma_wait3A_579] : memref<20000xf32, #tpu.memory_space<vmem>> -> memref<2000xf32, #tpu.memory_space<vmem>>
    tpu.wait_dma2 semaphore(%dma_wait3A_577 : memref<!tpu.dma_semaphore, #tpu.memory_space<semaphore_mem>>) src(%dma_wait3A_580 : memref<2000xf32, #tpu.memory_space<vmem>>) dst(%dma_wait3A_578 : memref<2000xf32, #tpu.memory_space<hbm>>)
    %mul3A_581 = arith.constant 2000 : i32
    %mul3A_582 = arith.muli %min3A_72, %mul3A_581 : i32
    %dma_wait3A_583 = arith.constant 5 : i32
    %dma_wait3A_584 = arith.constant 10000 : i32
    %dma_wait3A_585 = tpu.memref_slice %arg8[%dma_wait3A_584] : memref<20000xf32, #tpu.memory_space<vmem>> -> memref<2000xf32, #tpu.memory_space<vmem>>
    %dma_wait3A_586 = tpu.memref_slice %arg4[%mul3A_582] : memref<616000xf32, #tpu.memory_space<hbm>> -> memref<2000xf32, #tpu.memory_space<hbm>>
    %dma_wait3A_587 = tpu.memref_slice %arg10[%dma_wait3A_583] : memref<10x!tpu.dma_semaphore, #tpu.memory_space<semaphore_mem>> -> memref<1x!tpu.dma_semaphore, #tpu.memory_space<semaphore_mem>>
    %dma_wait3A_588 = tpu.memref_squeeze %dma_wait3A_587 : memref<1x!tpu.dma_semaphore, #tpu.memory_space<semaphore_mem>> -> memref<!tpu.dma_semaphore, #tpu.memory_space<semaphore_mem>>
    %dma_wait3A_589 = tpu.memref_slice %arg4[%mul3A_582] : memref<616000xf32, #tpu.memory_space<hbm>> -> memref<2000xf32, #tpu.memory_space<hbm>>
    %dma_wait3A_590 = arith.constant 10000 : i32
    %dma_wait3A_591 = tpu.memref_slice %arg8[%dma_wait3A_590] : memref<20000xf32, #tpu.memory_space<vmem>> -> memref<2000xf32, #tpu.memory_space<vmem>>
    tpu.wait_dma2 semaphore(%dma_wait3A_588 : memref<!tpu.dma_semaphore, #tpu.memory_space<semaphore_mem>>) src(%dma_wait3A_591 : memref<2000xf32, #tpu.memory_space<vmem>>) dst(%dma_wait3A_589 : memref<2000xf32, #tpu.memory_space<hbm>>)
    %mul3A_592 = arith.constant 2000 : i32
    %mul3A_593 = arith.muli %min3A_76, %mul3A_592 : i32
    %dma_wait3A_594 = arith.constant 6 : i32
    %dma_wait3A_595 = arith.constant 12000 : i32
    %dma_wait3A_596 = tpu.memref_slice %arg8[%dma_wait3A_595] : memref<20000xf32, #tpu.memory_space<vmem>> -> memref<2000xf32, #tpu.memory_space<vmem>>
    %dma_wait3A_597 = tpu.memref_slice %arg4[%mul3A_593] : memref<616000xf32, #tpu.memory_space<hbm>> -> memref<2000xf32, #tpu.memory_space<hbm>>
    %dma_wait3A_598 = tpu.memref_slice %arg10[%dma_wait3A_594] : memref<10x!tpu.dma_semaphore, #tpu.memory_space<semaphore_mem>> -> memref<1x!tpu.dma_semaphore, #tpu.memory_space<semaphore_mem>>
    %dma_wait3A_599 = tpu.memref_squeeze %dma_wait3A_598 : memref<1x!tpu.dma_semaphore, #tpu.memory_space<semaphore_mem>> -> memref<!tpu.dma_semaphore, #tpu.memory_space<semaphore_mem>>
    %dma_wait3A_600 = tpu.memref_slice %arg4[%mul3A_593] : memref<616000xf32, #tpu.memory_space<hbm>> -> memref<2000xf32, #tpu.memory_space<hbm>>
    %dma_wait3A_601 = arith.constant 12000 : i32
    %dma_wait3A_602 = tpu.memref_slice %arg8[%dma_wait3A_601] : memref<20000xf32, #tpu.memory_space<vmem>> -> memref<2000xf32, #tpu.memory_space<vmem>>
    tpu.wait_dma2 semaphore(%dma_wait3A_599 : memref<!tpu.dma_semaphore, #tpu.memory_space<semaphore_mem>>) src(%dma_wait3A_602 : memref<2000xf32, #tpu.memory_space<vmem>>) dst(%dma_wait3A_600 : memref<2000xf32, #tpu.memory_space<hbm>>)
    %mul3A_603 = arith.constant 2000 : i32
    %mul3A_604 = arith.muli %min3A_80, %mul3A_603 : i32
    %dma_wait3A_605 = arith.constant 7 : i32
    %dma_wait3A_606 = arith.constant 14000 : i32
    %dma_wait3A_607 = tpu.memref_slice %arg8[%dma_wait3A_606] : memref<20000xf32, #tpu.memory_space<vmem>> -> memref<2000xf32, #tpu.memory_space<vmem>>
    %dma_wait3A_608 = tpu.memref_slice %arg4[%mul3A_604] : memref<616000xf32, #tpu.memory_space<hbm>> -> memref<2000xf32, #tpu.memory_space<hbm>>
    %dma_wait3A_609 = tpu.memref_slice %arg10[%dma_wait3A_605] : memref<10x!tpu.dma_semaphore, #tpu.memory_space<semaphore_mem>> -> memref<1x!tpu.dma_semaphore, #tpu.memory_space<semaphore_mem>>
    %dma_wait3A_610 = tpu.memref_squeeze %dma_wait3A_609 : memref<1x!tpu.dma_semaphore, #tpu.memory_space<semaphore_mem>> -> memref<!tpu.dma_semaphore, #tpu.memory_space<semaphore_mem>>
    %dma_wait3A_611 = tpu.memref_slice %arg4[%mul3A_604] : memref<616000xf32, #tpu.memory_space<hbm>> -> memref<2000xf32, #tpu.memory_space<hbm>>
    %dma_wait3A_612 = arith.constant 14000 : i32
    %dma_wait3A_613 = tpu.memref_slice %arg8[%dma_wait3A_612] : memref<20000xf32, #tpu.memory_space<vmem>> -> memref<2000xf32, #tpu.memory_space<vmem>>
    tpu.wait_dma2 semaphore(%dma_wait3A_610 : memref<!tpu.dma_semaphore, #tpu.memory_space<semaphore_mem>>) src(%dma_wait3A_613 : memref<2000xf32, #tpu.memory_space<vmem>>) dst(%dma_wait3A_611 : memref<2000xf32, #tpu.memory_space<hbm>>)
    %mul3A_614 = arith.constant 2000 : i32
    %mul3A_615 = arith.muli %min3A_84, %mul3A_614 : i32
    %dma_wait3A_616 = arith.constant 8 : i32
    %dma_wait3A_617 = arith.constant 16000 : i32
    %dma_wait3A_618 = tpu.memref_slice %arg8[%dma_wait3A_617] : memref<20000xf32, #tpu.memory_space<vmem>> -> memref<2000xf32, #tpu.memory_space<vmem>>
    %dma_wait3A_619 = tpu.memref_slice %arg4[%mul3A_615] : memref<616000xf32, #tpu.memory_space<hbm>> -> memref<2000xf32, #tpu.memory_space<hbm>>
    %dma_wait3A_620 = tpu.memref_slice %arg10[%dma_wait3A_616] : memref<10x!tpu.dma_semaphore, #tpu.memory_space<semaphore_mem>> -> memref<1x!tpu.dma_semaphore, #tpu.memory_space<semaphore_mem>>
    %dma_wait3A_621 = tpu.memref_squeeze %dma_wait3A_620 : memref<1x!tpu.dma_semaphore, #tpu.memory_space<semaphore_mem>> -> memref<!tpu.dma_semaphore, #tpu.memory_space<semaphore_mem>>
    %dma_wait3A_622 = tpu.memref_slice %arg4[%mul3A_615] : memref<616000xf32, #tpu.memory_space<hbm>> -> memref<2000xf32, #tpu.memory_space<hbm>>
    %dma_wait3A_623 = arith.constant 16000 : i32
    %dma_wait3A_624 = tpu.memref_slice %arg8[%dma_wait3A_623] : memref<20000xf32, #tpu.memory_space<vmem>> -> memref<2000xf32, #tpu.memory_space<vmem>>
    tpu.wait_dma2 semaphore(%dma_wait3A_621 : memref<!tpu.dma_semaphore, #tpu.memory_space<semaphore_mem>>) src(%dma_wait3A_624 : memref<2000xf32, #tpu.memory_space<vmem>>) dst(%dma_wait3A_622 : memref<2000xf32, #tpu.memory_space<hbm>>)
    %mul3A_625 = arith.constant 2000 : i32
    %mul3A_626 = arith.muli %min3A_88, %mul3A_625 : i32
    %dma_wait3A_627 = arith.constant 9 : i32
    %dma_wait3A_628 = arith.constant 18000 : i32
    %dma_wait3A_629 = tpu.memref_slice %arg8[%dma_wait3A_628] : memref<20000xf32, #tpu.memory_space<vmem>> -> memref<2000xf32, #tpu.memory_space<vmem>>
    %dma_wait3A_630 = tpu.memref_slice %arg4[%mul3A_626] : memref<616000xf32, #tpu.memory_space<hbm>> -> memref<2000xf32, #tpu.memory_space<hbm>>
    %dma_wait3A_631 = tpu.memref_slice %arg10[%dma_wait3A_627] : memref<10x!tpu.dma_semaphore, #tpu.memory_space<semaphore_mem>> -> memref<1x!tpu.dma_semaphore, #tpu.memory_space<semaphore_mem>>
    %dma_wait3A_632 = tpu.memref_squeeze %dma_wait3A_631 : memref<1x!tpu.dma_semaphore, #tpu.memory_space<semaphore_mem>> -> memref<!tpu.dma_semaphore, #tpu.memory_space<semaphore_mem>>
    %dma_wait3A_633 = tpu.memref_slice %arg4[%mul3A_626] : memref<616000xf32, #tpu.memory_space<hbm>> -> memref<2000xf32, #tpu.memory_space<hbm>>
    %dma_wait3A_634 = arith.constant 18000 : i32
    %dma_wait3A_635 = tpu.memref_slice %arg8[%dma_wait3A_634] : memref<20000xf32, #tpu.memory_space<vmem>> -> memref<2000xf32, #tpu.memory_space<vmem>>
    tpu.wait_dma2 semaphore(%dma_wait3A_632 : memref<!tpu.dma_semaphore, #tpu.memory_space<semaphore_mem>>) src(%dma_wait3A_635 : memref<2000xf32, #tpu.memory_space<vmem>>) dst(%dma_wait3A_633 : memref<2000xf32, #tpu.memory_space<hbm>>)
    return
  }
}

module attributes {stable_mosaic.version = 14 : i64} {
  func.func @body(%arg0: i32, %arg1: memref<384000xf32, #tpu.memory_space<any>>, %arg2: memref<4x3x1x128000xf32, #tpu.memory_space<vmem>>) attributes {dimension_semantics = [#tpu.dimension_semantics<arbitrary>], iteration_bounds = array<i64: 8>, scalar_prefetch = 0 : i64, scratch_operands = 0 : i64, tpu.core_type = #tpu.core_type<tc>, window_params = [{}, {transform_indices = @transform_1, window_bounds = array<i64: 4, 3, 1, 128000>}]} {
    %lt3A = arith.constant 3 : i32
    %lt3A_0 = arith.cmpi slt, %arg0, %lt3A : i32
    %convert_element_type3A = arith.extui %lt3A_0 : i1 to i32
    %cond3A = arith.constant 0 : i32
    %cond3A_1 = arith.cmpi ne, %convert_element_type3A, %cond3A : i32
    scf.if %cond3A_1 {
      %broadcast_in_dim3A = arith.constant 0.000000e+00 : f32
      %broadcast_in_dim3A_2 = vector.broadcast %broadcast_in_dim3A : f32 to vector<4x3x1x128000xf32>
      %swap3A = arith.constant 0 : index
      %swap3A_3 = arith.constant 0 : index
      %swap3A_4 = arith.constant 0 : index
      %swap3A_5 = arith.constant 0 : index
      %swap3A_6 = vector.load %arg2[%swap3A, %swap3A_3, %swap3A_4, %swap3A_5] : memref<4x3x1x128000xf32, #tpu.memory_space<vmem>>, vector<4x3x1x128000xf32>
      tpu.vector_store %arg2[%swap3A, %swap3A_3, %swap3A_4, %swap3A_5], %broadcast_in_dim3A_2 {strides = array<i32>} : memref<4x3x1x128000xf32, #tpu.memory_space<vmem>>, vector<4x3x1x128000xf32>,
    } else {
    }
    return
  }
  func.func @transform_1(%arg0: i32) -> (i32, i32, i32, i32) {
    %c0_i32 = arith.constant 0 : i32
    %c0_i32_0 = arith.constant 0 : i32
    %c0_i32_1 = arith.constant 0 : i32
    %c0_i32_2 = arith.constant 0 : i32
    return %c0_i32, %c0_i32_0, %c0_i32_1, %arg0 : i32, i32, i32, i32
  }
}

module attributes {stable_mosaic.version = 14 : i64} {
  func.func @body(%arg0: i32, %arg1: memref<3x1x128000xf32, #tpu.memory_space<vmem>>, %arg2: memref<128000xf32, #tpu.memory_space<vmem>>, %arg3: memref<4x3x1x1000000xf32, #tpu.memory_space<any>>, %arg4: memref<4x3x1x128000xf32, #tpu.memory_space<vmem>>) attributes {dimension_semantics = [#tpu.dimension_semantics<arbitrary>], iteration_bounds = array<i64: 3>, scalar_prefetch = 0 : i64, scratch_operands = 0 : i64, tpu.core_type = #tpu.core_type<tc>, window_params = [{transform_indices = @transform_0, window_bounds = array<i64: 3, 1, 128000>}, {transform_indices = @transform_1, window_bounds = array<i64: 128000>}, {}, {transform_indices = @transform_3, window_bounds = array<i64: 4, 3, 1, 128000>}]} {
    %get3A = arith.constant 0 : index
    %get3A_0 = arith.constant 0 : index
    %get3A_1 = arith.constant 0 : index
    %get3A_2 = vector.load %arg1[%get3A, %get3A_0, %get3A_1] : memref<3x1x128000xf32, #tpu.memory_space<vmem>>, vector<3x1x128000xf32>
    %get3A_3 = vector.shape_cast %get3A_2 : vector<3x1x128000xf32> to vector<3x128000xf32>
    %get3A_4 = arith.constant 0 : index
    %get3A_5 = vector.load %arg2[%get3A_4] : memref<128000xf32, #tpu.memory_space<vmem>>, vector<128000xf32>
    %reshape3A = vector.shape_cast %get3A_5 : vector<128000xf32> to vector<1x128000xf32>
    %mul3A = vector.broadcast %reshape3A : vector<1x128000xf32> to vector<3x128000xf32>
    %mul3A_6 = arith.mulf %get3A_3, %mul3A : vector<3x128000xf32>
    %add3A = arith.addf %mul3A_6, %mul3A_6 : vector<3x128000xf32>
    %add3A_7 = arith.addf %add3A, %add3A : vector<3x128000xf32>
    %swap3A = arith.constant 0 : index
    %swap3A_8 = arith.constant 0 : index
    %swap3A_9 = arith.constant 0 : index
    %swap3A_10 = arith.constant 0 : index
    %swap3A_11 = vector.load %arg4[%swap3A, %swap3A_8, %swap3A_9, %swap3A_10] : memref<4x3x1x128000xf32, #tpu.memory_space<vmem>>, vector<1x3x1x128000xf32>
    %swap3A_12 = vector.shape_cast %swap3A_11 : vector<1x3x1x128000xf32> to vector<3x128000xf32>
    %swap3A_13 = vector.shape_cast %mul3A_6 : vector<3x128000xf32> to vector<1x3x1x128000xf32>
    tpu.vector_store %arg4[%swap3A, %swap3A_8, %swap3A_9, %swap3A_10], %swap3A_13 {strides = array<i32>} : memref<4x3x1x128000xf32, #tpu.memory_space<vmem>>, vector<1x3x1x128000xf32>,
    %swap3A_14 = arith.constant 1 : index
    %swap3A_15 = arith.constant 0 : index
    %swap3A_16 = arith.constant 0 : index
    %swap3A_17 = arith.constant 0 : index
    %swap3A_18 = vector.load %arg4[%swap3A_14, %swap3A_15, %swap3A_16, %swap3A_17] : memref<4x3x1x128000xf32, #tpu.memory_space<vmem>>, vector<1x3x1x128000xf32>
    %swap3A_19 = vector.shape_cast %swap3A_18 : vector<1x3x1x128000xf32> to vector<3x128000xf32>
    %swap3A_20 = vector.shape_cast %add3A : vector<3x128000xf32> to vector<1x3x1x128000xf32>
    tpu.vector_store %arg4[%swap3A_14, %swap3A_15, %swap3A_16, %swap3A_17], %swap3A_20 {strides = array<i32>} : memref<4x3x1x128000xf32, #tpu.memory_space<vmem>>, vector<1x3x1x128000xf32>,
    %swap3A_21 = arith.constant 2 : index
    %swap3A_22 = arith.constant 0 : index
    %swap3A_23 = arith.constant 0 : index
    %swap3A_24 = arith.constant 0 : index
    %swap3A_25 = vector.load %arg4[%swap3A_21, %swap3A_22, %swap3A_23, %swap3A_24] : memref<4x3x1x128000xf32, #tpu.memory_space<vmem>>, vector<1x3x1x128000xf32>
    %swap3A_26 = vector.shape_cast %swap3A_25 : vector<1x3x1x128000xf32> to vector<3x128000xf32>
    %swap3A_27 = vector.shape_cast %add3A_7 : vector<3x128000xf32> to vector<1x3x1x128000xf32>
    tpu.vector_store %arg4[%swap3A_21, %swap3A_22, %swap3A_23, %swap3A_24], %swap3A_27 {strides = array<i32>} : memref<4x3x1x128000xf32, #tpu.memory_space<vmem>>, vector<1x3x1x128000xf32>,
    %add3A_28 = arith.addf %add3A_7, %add3A_7 : vector<3x128000xf32>
    %swap3A_29 = arith.constant 3 : index
    %swap3A_30 = arith.constant 0 : index
    %swap3A_31 = arith.constant 0 : index
    %swap3A_32 = arith.constant 0 : index
    %swap3A_33 = vector.load %arg4[%swap3A_29, %swap3A_30, %swap3A_31, %swap3A_32] : memref<4x3x1x128000xf32, #tpu.memory_space<vmem>>, vector<1x3x1x128000xf32>
    %swap3A_34 = vector.shape_cast %swap3A_33 : vector<1x3x1x128000xf32> to vector<3x128000xf32>
    %swap3A_35 = vector.shape_cast %add3A_28 : vector<3x128000xf32> to vector<1x3x1x128000xf32>
    tpu.vector_store %arg4[%swap3A_29, %swap3A_30, %swap3A_31, %swap3A_32], %swap3A_35 {strides = array<i32>} : memref<4x3x1x128000xf32, #tpu.memory_space<vmem>>, vector<1x3x1x128000xf32>,
    return
  }
  func.func @transform_0(%arg0: i32) -> (i32, i32, i32) {
    %add3A = arith.constant 0 : i32
    %add3A_0 = arith.addi %arg0, %add3A : i32
    %c0_i32 = arith.constant 0 : i32
    %c0_i32_1 = arith.constant 0 : i32
    %c0_i32_2 = arith.constant 0 : i32
    return %c0_i32, %c0_i32_1, %add3A_0 : i32, i32, i32
  }
  func.func @transform_1(%arg0: i32) -> i32 {
    %c0_i32 = arith.constant 0 : i32
    return %arg0 : i32
  }
  func.func @transform_3(%arg0: i32) -> (i32, i32, i32, i32) {
    %add3A = arith.constant 0 : i32
    %add3A_0 = arith.addi %arg0, %add3A : i32
    %c0_i32 = arith.constant 0 : i32
    %c0_i32_1 = arith.constant 0 : i32
    %c0_i32_2 = arith.constant 0 : i32
    %c0_i32_3 = arith.constant 0 : i32
    return %c0_i32, %c0_i32_1, %c0_i32_2, %add3A_0 : i32, i32, i32, i32
  }
}

module attributes {stable_mosaic.version = 14 : i64} {
  func.func @body(%arg0: i32, %arg1: memref<3x1x128000xf32, #tpu.memory_space<vmem>>, %arg2: memref<128000xf32, #tpu.memory_space<vmem>>, %arg3: memref<4x3x1x1000000xf32, #tpu.memory_space<any>>, %arg4: memref<4x3x1x128000xf32, #tpu.memory_space<vmem>>) attributes {dimension_semantics = [#tpu.dimension_semantics<arbitrary>], iteration_bounds = array<i64: 5>, scalar_prefetch = 0 : i64, scratch_operands = 0 : i64, tpu.core_type = #tpu.core_type<tc>, window_params = [{transform_indices = @transform_0, window_bounds = array<i64: 3, 1, 128000>}, {transform_indices = @transform_1, window_bounds = array<i64: 128000>}, {}, {transform_indices = @transform_3, window_bounds = array<i64: 4, 3, 1, 128000>}]} {
    %get3A = arith.constant 0 : index
    %get3A_0 = arith.constant 0 : index
    %get3A_1 = arith.constant 0 : index
    %get3A_2 = vector.load %arg1[%get3A, %get3A_0, %get3A_1] : memref<3x1x128000xf32, #tpu.memory_space<vmem>>, vector<3x1x128000xf32>
    %get3A_3 = vector.shape_cast %get3A_2 : vector<3x1x128000xf32> to vector<3x128000xf32>
    %get3A_4 = arith.constant 0 : index
    %get3A_5 = vector.load %arg2[%get3A_4] : memref<128000xf32, #tpu.memory_space<vmem>>, vector<128000xf32>
    %reshape3A = vector.shape_cast %get3A_5 : vector<128000xf32> to vector<1x128000xf32>
    %mul3A = vector.broadcast %reshape3A : vector<1x128000xf32> to vector<3x128000xf32>
    %mul3A_6 = arith.mulf %get3A_3, %mul3A : vector<3x128000xf32>
    %add3A = arith.addf %mul3A_6, %mul3A_6 : vector<3x128000xf32>
    %add3A_7 = arith.addf %add3A, %add3A : vector<3x128000xf32>
    %swap3A = arith.constant 0 : index
    %swap3A_8 = arith.constant 0 : index
    %swap3A_9 = arith.constant 0 : index
    %swap3A_10 = arith.constant 0 : index
    %swap3A_11 = vector.load %arg4[%swap3A, %swap3A_8, %swap3A_9, %swap3A_10] : memref<4x3x1x128000xf32, #tpu.memory_space<vmem>>, vector<1x3x1x128000xf32>
    %swap3A_12 = vector.shape_cast %swap3A_11 : vector<1x3x1x128000xf32> to vector<3x128000xf32>
    %swap3A_13 = vector.shape_cast %mul3A_6 : vector<3x128000xf32> to vector<1x3x1x128000xf32>
    tpu.vector_store %arg4[%swap3A, %swap3A_8, %swap3A_9, %swap3A_10], %swap3A_13 {strides = array<i32>} : memref<4x3x1x128000xf32, #tpu.memory_space<vmem>>, vector<1x3x1x128000xf32>,
    %swap3A_14 = arith.constant 1 : index
    %swap3A_15 = arith.constant 0 : index
    %swap3A_16 = arith.constant 0 : index
    %swap3A_17 = arith.constant 0 : index
    %swap3A_18 = vector.load %arg4[%swap3A_14, %swap3A_15, %swap3A_16, %swap3A_17] : memref<4x3x1x128000xf32, #tpu.memory_space<vmem>>, vector<1x3x1x128000xf32>
    %swap3A_19 = vector.shape_cast %swap3A_18 : vector<1x3x1x128000xf32> to vector<3x128000xf32>
    %swap3A_20 = vector.shape_cast %add3A : vector<3x128000xf32> to vector<1x3x1x128000xf32>
    tpu.vector_store %arg4[%swap3A_14, %swap3A_15, %swap3A_16, %swap3A_17], %swap3A_20 {strides = array<i32>} : memref<4x3x1x128000xf32, #tpu.memory_space<vmem>>, vector<1x3x1x128000xf32>,
    %swap3A_21 = arith.constant 2 : index
    %swap3A_22 = arith.constant 0 : index
    %swap3A_23 = arith.constant 0 : index
    %swap3A_24 = arith.constant 0 : index
    %swap3A_25 = vector.load %arg4[%swap3A_21, %swap3A_22, %swap3A_23, %swap3A_24] : memref<4x3x1x128000xf32, #tpu.memory_space<vmem>>, vector<1x3x1x128000xf32>
    %swap3A_26 = vector.shape_cast %swap3A_25 : vector<1x3x1x128000xf32> to vector<3x128000xf32>
    %swap3A_27 = vector.shape_cast %add3A_7 : vector<3x128000xf32> to vector<1x3x1x128000xf32>
    tpu.vector_store %arg4[%swap3A_21, %swap3A_22, %swap3A_23, %swap3A_24], %swap3A_27 {strides = array<i32>} : memref<4x3x1x128000xf32, #tpu.memory_space<vmem>>, vector<1x3x1x128000xf32>,
    %add3A_28 = arith.addf %add3A_7, %add3A_7 : vector<3x128000xf32>
    %swap3A_29 = arith.constant 3 : index
    %swap3A_30 = arith.constant 0 : index
    %swap3A_31 = arith.constant 0 : index
    %swap3A_32 = arith.constant 0 : index
    %swap3A_33 = vector.load %arg4[%swap3A_29, %swap3A_30, %swap3A_31, %swap3A_32] : memref<4x3x1x128000xf32, #tpu.memory_space<vmem>>, vector<1x3x1x128000xf32>
    %swap3A_34 = vector.shape_cast %swap3A_33 : vector<1x3x1x128000xf32> to vector<3x128000xf32>
    %swap3A_35 = vector.shape_cast %add3A_28 : vector<3x128000xf32> to vector<1x3x1x128000xf32>
    tpu.vector_store %arg4[%swap3A_29, %swap3A_30, %swap3A_31, %swap3A_32], %swap3A_35 {strides = array<i32>} : memref<4x3x1x128000xf32, #tpu.memory_space<vmem>>, vector<1x3x1x128000xf32>,
    return
  }
  func.func @transform_0(%arg0: i32) -> (i32, i32, i32) {
    %add3A = arith.constant 3 : i32
    %add3A_0 = arith.addi %arg0, %add3A : i32
    %c0_i32 = arith.constant 0 : i32
    %c0_i32_1 = arith.constant 0 : i32
    %c0_i32_2 = arith.constant 0 : i32
    return %c0_i32, %c0_i32_1, %add3A_0 : i32, i32, i32
  }
  func.func @transform_1(%arg0: i32) -> i32 {
    %c0_i32 = arith.constant 0 : i32
    return %arg0 : i32
  }
  func.func @transform_3(%arg0: i32) -> (i32, i32, i32, i32) {
    %add3A = arith.constant 3 : i32
    %add3A_0 = arith.addi %arg0, %add3A : i32
    %c0_i32 = arith.constant 0 : i32
    %c0_i32_1 = arith.constant 0 : i32
    %c0_i32_2 = arith.constant 0 : i32
    %c0_i32_3 = arith.constant 0 : i32
    return %c0_i32, %c0_i32_1, %c0_i32_2, %add3A_0 : i32, i32, i32, i32
  }
}

</mosaic_0001>

<sc_bundles>
// kernel: kernel.10.cloned.1.call-start
scs
__scs_entry_jumppad:
0x0: {  	(pc) =	sbr.rel $0x88, $3  }
0x1: {  	(tag) =	ssettag $0x0;
	lr =	simm.s32 $0x1  }
0x2: {  	[smem:$0x3F9E] =	sst lr;
	_ =	strace $0xD0000000  }
0x3: {  	_ = 	snop  }
0x4: {  	_ = 	snop  }
0x5: {  	_ = 	snop  }
0x6: {  	_ = 	snop  }
0x7: {  	_ = 	snop  }
__scs_overlays_trampoline_lowered:
0x8: {  	[smem:$0x3FAD] =	sst s0  }
0x9: {  	[smem:$0x3FAE] =	sst s1  }
0xa: {  	[smem:$0x3FAF] =	sst s2  }
0xb: {  	[smem:$0x3FB0] =	sst s3  }
0xc: {  	[smem:$0x3FB1] =	sst s4  }
0xd: {  	[smem:$0x3FB2] =	sst s5  }
0xe: {  	[smem:$0x3FB3] =	sst s6  }
0xf: {  	[smem:$0x3FB4] =	sst s7  }
0x10: {  	[smem:$0x3FB5] =	sst s8  }
0x11: {  	[smem:$0x3FB6] =	sst s9;
	s0 =	simm.s32 @!p0 $0x0  }
0x12: {  	s1 =	sld [smem:$0x3F9C];
	s0 =	simm.s32 @p0 $0x1  }
0x13: {  	[smem:$0x3FB7] =	sst s0;
	s0 =	simm.s32 @!p1 $0x0  }
0x14: {  	s2 =	sld [smem:$0x3F9B];
	s0 =	simm.s32 @p1 $0x1  }
0x15: {  	[smem:$0x3FB8] =	sst s0;
	s0 =	simm.s32 @!p2 $0x0  }
0x16: {  	s3 =	sld [smem:$0x3FDB];
	s0 =	simm.s32 @p2 $0x1  }
0x17: {  	s4 =	simm.s32 $0x1BF5;
	[smem:$0x3FBA] =	sst s0  }
0x18: {  	s0 =	sld [smem:$0x3F9D];
	_ =	swait.ge [sflag:s4], $0x0  }
0x19: {  	s7 =	sld [smem:$0x3F9E]  }
0x1a: {  	s8 =	sadd.s32 $0xFFFFE003, lr  }
0x1b: {  	s9 =	sadd.s32 $0xFFFFFEF7, lr;
	s5 =	simm.s32 $0xFFFFFFFF;
	p2 =	slt.u32 s8, $0xFFFFF086  }
0x1c: {  	p1 =	slt.u32 s9, $0xF7A;
	s5 =	simm.s32 @!p2 $0x0  }
0x1d: {  	s5 =	simm.s32 @p1 $0x1;
	p0 =	seq.s32 s7, s2  }
0x1e: {  	s7 =	smul.u32 @!p0 $0xF7A, s2;
	p2 =	seq.s32 @!p0 s5, $0x0  }
0x1f: {  	s9 =	smul.u32 $0xF7A, s1;
	s8 =	simm.s32 @!p0 $0x1BF5;
	p2 =	por !p2, p0  }
0x20: {  	[sflag:s8] =	ssyncset.s32 @!p0 $0xFFFFF086;
	s6 =	sadd.s32 @!p0 s3, s7;
	s7 =	simm.s32 @!p0 $0x108  }
0x21: {  	s3 =	sadd.s32 s3, s9;
	s6 =	sadd.s32 @!p0 $0x88, s6;
	s7 =	simm.s32 @p2 $0x1082  }
0x22: {  	[simem:s7], [sflag:s8] =	dma.local @!p0 [hbm:s6], $0xF7A  }
0x23: {  	s9 =	sor.u32 $0xD0000000, s2;
	s6 =	simm.s32 $0x108;
	_ =	swait.ge @!p0 [sflag:s8], $0x0  }
0x24: {  	s3 =	sadd.s32 $0x88, s3;
	s6 =	simm.s32 @!p1 $0x1082;
	[sflag:s4] =	ssyncset.s32 $0xFFFFF086  }
0x25: {  	[simem:s6], [sflag:s4] =	dma.local [hbm:s3], $0xF7A  }
0x26: {  	[smem:$0x3F9E] =	sst s1;
	(tag) =	ssettag s2;
	_ =	strace s9  }
0x27: {  	s1 =	sld [smem:$0x3FAE]  }
0x28: {  	s2 =	sld [smem:$0x3FAF]  }
0x29: {  	s4 =	sld [smem:$0x3FB1]  }
0x2a: {  	p0 =	seq.s32 s5, $0x0;
	s5 =	sld [smem:$0x3FB2]  }
0x2b: {  	s6 =	sld [smem:$0x3FB3]  }
0x2c: {  	s7 =	sld [smem:$0x3FB4]  }
0x2d: {  	s3 =	simm.s32 $0x108;
	s8 =	sld [smem:$0x3FB5]  }
0x2e: {  	s3 =	simm.s32 @!p0 $0x1082;
	s9 =	sld [smem:$0x3FB6]  }
0x2f: {  	lr =	sadd.s32 s0, s3;
	s0 =	sld [smem:$0x3FAD]  }
0x30: {  	s3 =	sld [smem:$0x3FB0]  }
0x31: {  	[smem:$0x3FB9] =	sst s10  }
0x32: {  	s10 =	sld [smem:$0x3FB7];
	_ =	sdelay $0x3  }
0x33: {  	p0 =	seq.s32 s10, $0x1;
	s10 =	sld [smem:$0x3FB9];
	_ =	sdelay $0x3  }
0x34: {  	[smem:$0x3FB9] =	sst s10  }
0x35: {  	s10 =	sld [smem:$0x3FB8];
	_ =	sdelay $0x3  }
0x36: {  	p1 =	seq.s32 s10, $0x1;
	s10 =	sld [smem:$0x3FB9];
	_ =	sdelay $0x3  }
0x37: {  	[smem:$0x3FB9] =	sst s10  }
0x38: {  	s10 =	sld [smem:$0x3FBA]  }
0x39: {  	_ = 	snop;
	(pc) =	sbr.ind lr, $3  }
0x3a: {  	_ = 	snop  }
0x3b: {  	_ = 	snop  }
0x3c: {  	p2 =	seq.s32 s10, $0x1;
	s10 =	sld [smem:$0x3FB9]  }
0x3d: {  	_ =	shalt  }
0x3e: {  	_ =	shalt  }
0x3f: {  	_ =	shalt  }
0x40: {  	_ =	shalt  }
0x41: {  	_ =	shalt  }
0x42: {  	_ =	shalt  }
0x43: {  	_ =	shalt  }
0x44: {  	_ =	shalt  }
0x45: {  	_ =	shalt  }
0x46: {  	_ =	shalt  }
0x47: {  	_ =	shalt  }
0x48: {  	_ =	shalt  }
0x49: {  	_ =	shalt  }
0x4a: {  	_ =	shalt  }
0x4b: {  	_ =	shalt  }
0x4c: {  	_ =	shalt  }
0x4d: {  	_ =	shalt  }
0x4e: {  	_ =	shalt  }
0x4f: {  	_ =	shalt  }
0x50: {  	_ =	shalt  }
0x51: {  	_ =	shalt  }
0x52: {  	_ =	shalt  }
0x53: {  	_ =	shalt  }
0x54: {  	_ =	shalt  }
0x55: {  	_ =	shalt  }
0x56: {  	_ =	shalt  }
0x57: {  	_ =	shalt  }
0x58: {  	_ =	shalt  }
0x59: {  	_ =	shalt  }
0x5a: {  	_ =	shalt  }
0x5b: {  	_ =	shalt  }
0x5c: {  	_ =	shalt  }
0x5d: {  	_ =	shalt  }
0x5e: {  	_ =	shalt  }
0x5f: {  	_ =	shalt  }
0x60: {  	_ =	shalt  }
0x61: {  	_ =	shalt  }
0x62: {  	_ =	shalt  }
0x63: {  	_ =	shalt  }
0x64: {  	_ =	shalt  }
0x65: {  	_ =	shalt  }
0x66: {  	_ =	shalt  }
0x67: {  	_ =	shalt  }
0x68: {  	_ =	shalt  }
0x69: {  	_ =	shalt  }
0x6a: {  	_ =	shalt  }
0x6b: {  	_ =	shalt  }
0x6c: {  	_ =	shalt  }
0x6d: {  	_ =	shalt  }
0x6e: {  	_ =	shalt  }
0x6f: {  	_ =	shalt  }
0x70: {  	_ =	shalt  }
0x71: {  	_ =	shalt  }
0x72: {  	_ =	shalt  }
0x73: {  	_ =	shalt  }
0x74: {  	_ =	shalt  }
0x75: {  	_ =	shalt  }
0x76: {  	_ =	shalt  }
0x77: {  	_ =	shalt  }
0x78: {  	_ =	shalt  }
0x79: {  	_ =	shalt  }
0x7a: {  	_ =	shalt  }
0x7b: {  	_ =	shalt  }
0x7c: {  	_ =	shalt  }
0x7d: {  	_ =	shalt  }
0x7e: {  	_ =	shalt  }
0x7f: {  	_ =	shalt  }
0x80: {  	_ =	shalt  }
0x81: {  	_ =	shalt  }
0x82: {  	_ =	shalt  }
0x83: {  	_ =	shalt  }
0x84: {  	_ =	shalt  }
0x85: {  	_ =	shalt  }
0x86: {  	_ =	shalt  }
0x87: {  	_ =	shalt  }
.Lfunc_end0:
.L_simem_size_0:
called_computation.1_lowered:
.L_overlay_start_0:
0x88: {  	s2 =	sld [smem:$0x3FD9]  }
0x89: {  	s3 =	sld [smem:$0x3FFE];
	_ =	sdelay $0x1  }
0x8a: {  	s1 =	srdreg.scid  }
0x8b: {  	s0 =	sand.u32 $0x1, s1  }
0x8c: {  	s17 =	sshll.u32 s0, $0xA;
	s2 =	sadd.s32 s3, s2  }
0x8d: {  	s2 =	sadd.s32 s2, s17  }
0x8e: {  	[smem:$0x3FC5] =	sst s2  }
0x8f: {  	_ = 	snop  }
0x90: {  	s18 =	sld [smem:$0x3FC8]  }
0x91: {  	s4 =	sld [smem:$0x3FC7];
	(tm) =	ssettm $0x1  }
0x92: {  	s19 =	sld [smem:$0x3FFB];
	_ =	sdelay $0x3  }
0x93: {  	_ =	strace s19  }
0x94: {  	s2 =	sld [smem:$0x3FFC];
	_ =	sdelay $0x3  }
0x95: {  	_ =	strace s2  }
0x96: {  	s2 =	sld [smem:$0x3FFD];
	_ =	sdelay $0x3  }
0x97: {  	_ =	strace s2  }
0x98: {  	_ =	strace $0x8FFFFFFF  }
0x99: {  	s20 =	sld [smem:$0x3FDB];
	_ =	sdelay $0x1  }
0x9a: {  	s5 =	simm.s32 $_scs_section_size  }
0x9b: {  	s6 =	simm.s32 $_size__tile_overlayer_lowered;
	s7 =	simm.s32 $_tile_overlayer_lowered  }
0x9c: {  	s8 =	simm.s32 $0x1BFF;
	s21 =	sshll.u32 s7, $0x1;
	s5 =	sadd.s32 s5, s20  }
0x9d: {  	s22 =	simm.s32 $0x0;
	s6 =	sshll.u32 s6, $0x1;
	s7 =	sadd.s32 s21, s5  }
0x9e: {  	[timem:s22], [sflag:s8] =	dma.local [hbm:s7], s6  }
0x9f: {  	_ =	swait.ge [sflag:s8], s6  }
0xa0: {  	s6 =	ssub.s32 $0x0, s6;
	[sflag:s8] =	ssyncset.done $0x0  }
0xa1: {  	[sflag:s8] =	ssyncadd.s32 s6;
	_ =	sdelay $0x1  }
0xa2: {  	s23 =	simm.s32 $0x1B8B  }
0xa3: {  	_ =	swait.ge [sflag:s23], $0x1  }
0xa4: {  	[sflag:s23] =	ssyncset.done $0x0  }
0xa5: {  	[sflag:s23] =	ssyncadd.s32 $0xFFFFFFFF  }
0xa6: {  	s6 =	sld [smem:$0x0]  }
0xa7: {  	s7 =	sand.u32 $0xFFFFFFFE, s1  }
0xa8: {  	p0 =	sne.s32 s1, s7  }
0xa9: {  	s7 =	sshll.u32 @p0 s7, $0xE  }
0xaa: {  	s7 =	sadd.s32 @p0 $0x11B8D, s7;
	s8 =	sshll.u32 @p0 s6, $0x11  }
0xab: {  	s7 =	sor.u32 @p0 s8, s7  }
0xac: {  	[sflag:s7] =	ssyncadd.remote.s32 @p0 $0x1;
	_ =	sdelay $0x1  }
0xad: {  	s7 =	simm.s32 @p0 $0x1B8D  }
0xae: {  	_ =	swait.eq @p0 [sflag:s7], $0x1  }
0xaf: {  	[sflag:s7] =	ssyncadd.s32 @p0 $0xFFFFFFFF  }
0xb0: {  	s8 =	sshll.u32 @!p0 s1, $0xE  }
0xb1: {  	s8 =	sor.u32 @!p0 $0x4000, s8;
	s7 =	simm.s32 @!p0 $0x1B8D  }
0xb2: {  	s6 =	sshll.u32 @!p0 s6, $0x11;
	s8 =	sadd.s32 @!p0 $0x11B8D, s8;
	_ =	swait.eq @!p0 [sflag:s7], $0x1  }
0xb3: {  	s6 =	sor.u32 @!p0 s6, s8;
	[sflag:s7] =	ssyncadd.s32 @!p0 $0xFFFFFFFF  }
0xb4: {  	s25 =	simm.s32 $0x1B8E;
	s24 =	sld [smem:$0x3FFE];
	[sflag:s6] =	ssyncadd.remote.s32 @!p0 $0x1  }
0xb5: {  	s26 =	simm.s32 $execute0_lowered;
	[smem:$0x3FD2] =	sst s25  }
0xb6: {  	s7 =	sshll.u32 s26, $0x1;
	_ =	strace $0x80000049;
	[dreg:$0x1] =	wrdreg $0xFFFFFFFF  }
0xb7: {  	s28 =	simm.s32 $_size_execute0_lowered;
	s5 =	sadd.s32 s5, s7;
	[dreg:$0x0] =	wrdreg $0x0  }
0xb8: {  	s7 =	sshll.u32 s28, $0x1;
	[dreg:$0x2] =	wrdreg s5  }
0xb9: {  	[dreg:$0x3] =	wrdreg s7  }
0xba: {  	[dreg:$0x4] =	wrdreg $0xC0  }
0xbb: {  	_ =	task [dreg:s22], $0x5FFFF  }
0xbc: {  	[dreg:$0x1] =	wrdreg $0xFFFFFFFF  }
0xbd: {  	[dreg:$0x0] =	wrdreg $0x60  }
0xbe: {  	[dreg:$0x2] =	wrdreg s18  }
0xbf: {  	[dreg:$0x3] =	wrdreg s4  }
0xc0: {  	[dreg:$0x4] =	wrdreg s24  }
0xc1: {  	[dreg:$0x5] =	wrdreg $0xA  }
0xc2: {  	_ =	task.clear_ibuf [dreg:s22], $0x6FFFF;
	_ =	strace $0x90000049  }
0xc3: {  	s29 =	simm.s32 $0xA;
	_ =	strace $0x8000004B  }
0xc4: {  	_ =	swait.ge [sflag:s29], $0x1  }
0xc5: {  	[sflag:s29] =	ssyncadd.s32 $0xFFFFFFFF  }
0xc6: {  	_ =	strace $0x9000004B  }
0xc7: {  	_ =	sfence  }
0xc8: {  	s30 =	sld [smem:$0x0];
	_ =	sdelay $0x2  }
0xc9: {  	s31 =	sshll.u32 s1, $0xD;
	s1 =	sshrl.u32 s1, $0x2  }
0xca: {  	s4 =	sand.u32 $0x4000, s31;
	s1 =	sadd.s32 s1, s30  }
0xcb: {  	s0 =	sor.u32 s4, s0;
	s1 =	sshll.u32 s1, $0x11  }
0xcc: {  	s0 =	sor.u32 s1, s0  }
0xcd: {  	s0 =	sadd.s32 $0x8F2B, s0  }
0xce: {  	[sflag:s0] =	ssyncadd.remote.s32 $0x1  }
0xcf: {  	_ =	sfence.sel $0xFFFF  }
0xd0: {  	[dreg:$0x0] =	wrdreg $0xFFFFFFFF;
	(pc) =	sbr.abs _section_cstart, $3  }
0xd1: {  	[dreg:$0x1] =	wrdreg $0xFFFFFFFF  }
0xd2: {  	_ =	task.clear_ibuf [dreg:s22], $0x2FFFF;
	_ =	strace $0x9FFFFFFF  }
0xd3: {  	(tm) =	ssettm $0x7FFFFFFF  }
tec
execute0_lowered:
.L_overlay_start_1:
0x0: {  	(tag) =	ssettag $0x1  }
0x1: {  	s0 =	rddreg [dreg:$0x0];
	s1 =	srdreg.scid  }
0x2: {  	s2 =	stileid.u32;
	s4 =	rddreg [dreg:$0x2]  }
0x3: {  	s3 =	simm.s32 $0x0;
	s1 =	sand.u32 $0x1, s1;
	s2 =	sshll.u32 s2, $0x1  }
0x4: {  	s29 =	simm.s32 $0x1;
	s30 =	simm.s32 $0x80;
	s2 =	sor.u32 s1, s2  }
0x5: {  	s28 =	simm.s32 $0x4;
	s31 =	simm.s32 $0x6;
	s5 =	smul.u32 $0x7D0, s2  }
0x6: {  	[smem:$0x7FF] =	sst s3;
	s4 =	sadd.s32 $0xE00, s4;
	s1 =	ssub.s32 $0x2, s1  }
0x7: {  	_ =	strace $0x8000004A;
	s6 =	sshrl.u32 s1, $0x1;
	s5 =	sshrl.u32 s5, $0x3  }
0x8: {  	s2 =	smin.u32 s2, $0x13;
	s1 =	ssub.s32 s1, s6;
	s26 =	sadd.s32 $0xBB80, s5  }
0x9: {  	s2 =	smul.u32 $0x7D0, s2;
	s11 =	sadd.s32 $0xDAC0, s5;
	s7 =	sadd.s32 s0, s26  }
0xa: {  	s8 =	sadd.s32 $0xFA00, s5;
	s10 =	sadd.s32 s0, s11;
	[dreg:$0x4] =	wrdreg s7  }
0xb: {  	s9 =	sadd.s32 s0, s5;
	s12 =	sadd.s32 s0, s8;
	[dreg:$0x5] =	wrdreg s10  }
0xc: {  	s6 =	simm.s32 $0xA;
	s13 =	sadd.s32 $0x11940, s9;
	[dreg:$0x6] =	wrdreg s12  }
0xd: {  	s2 =	sshrl.u32 s2, $0x3;
	s14 =	sadd.s32 $0x13880, s9;
	[dreg:$0x7] =	wrdreg s13  }
0xe: {  	s15 =	sadd.s32 $0x157C0, s9;
	s16 =	sadd.s32 $0x17700, s9;
	[dreg:$0x8] =	wrdreg s14  }
0xf: {  	s17 =	sadd.s32 $0x19640, s9;
	s0 =	sadd.s32 s0, s2;
	[dreg:$0x9] =	wrdreg s15  }
0x10: {  	s9 =	sadd.s32 $0x1B580, s9;
	s23 =	sadd.s32 s4, s26;
	[dreg:$0xa] =	wrdreg s16  }
0x11: {  	s24 =	sadd.s32 s4, s11;
	s25 =	sadd.s32 s4, s8;
	[dreg:$0xb] =	wrdreg s17  }
0x12: {  	s26 =	sadd.s32 s4, s2;
	s2 =	simm.s32 $0x3;
	[dreg:$0xc] =	wrdreg s9  }
0x13: {  	s8 =	simm.s32 $0xC;
	s11 =	simm.s32 $0xF;
	[dreg:$0x13] =	wrdreg s23  }
0x14: {  	s0 =	sadd.s32 $0x1D4C0, s0;
	s14 =	sadd.s32 s4, s5;
	[dreg:$0x14] =	wrdreg s24  }
0x15: {  	[dreg:$0x15] =	wrdreg s25;
	s24 =	smax.u32 s1, $0x1;
	s25 =	simm.s32 $0x15  }
0x16: {  	s1 =	simm.s32 $0x2;
	s4 =	simm.s32 $0x8;
	s5 =	simm.s32 $0x9  }
0x17: {  	s7 =	simm.s32 $0xB;
	s9 =	simm.s32 $0xD;
	s10 =	simm.s32 $0xE  }
0x18: {  	s12 =	simm.s32 $0x10;
	[dreg:$0xd] =	wrdreg s0;
	s18 =	sadd.s32 $0x1F40, s14  }
0x19: {  	s13 =	simm.s32 $0x11;
	s19 =	sadd.s32 $0x3E80, s14;
	[dreg:$0xe] =	wrdreg s18  }
0x1a: {  	s15 =	simm.s32 $0x12;
	s20 =	sadd.s32 $0x5DC0, s14;
	[dreg:$0xf] =	wrdreg s19  }
0x1b: {  	s16 =	simm.s32 $0x13;
	s21 =	sadd.s32 $0x7D00, s14;
	[dreg:$0x10] =	wrdreg s20  }
0x1c: {  	s17 =	simm.s32 $0x14;
	s22 =	sadd.s32 $0x9C40, s14;
	[dreg:$0x11] =	wrdreg s21  }
0x1d: {  	s0 =	sadd.s32 $0x11940, s26;
	s26 =	simm.s32 $0x7;
	[dreg:$0x12] =	wrdreg s22  }
0x1e: {  	v0 =	vimm.f32 $1.000000000e+00;
	[dreg:$0x16] =	wrdreg s0;
	s0 =	simm.s32 $0x5;
	s18 =	simm.s32 $0x0  }
.LBB2_1:
0x1f: {  	[tilespmem:$0x60] =	vst v0;
	s19 =	rddreg [dreg:$0x1]  }
0x20: {  	[tilespmem:s3], [sflag:$0x15] =	stream.linear.gather [hbm4b:s19+s3], $0x64, $0x38;
	[tilespmem:$0x9E00] =	vst v63  }
0x21: {  	_ =	swait.ge [sflag:s25], $0x64  }
0x22: {  	[sflag:s25] =	ssyncset.done $0x0  }
0x23: {  	[sflag:s25] =	ssyncadd.s32 $0xFFFFFF9C  }
0x24: {  	v1 =	vld [tilespmem:$0x0]  }
0x25: {  	v2 =	vld [tilespmem:$0x10]  }
0x26: {  	v3 =	vld [tilespmem:$0x20]  }
0x27: {  	v4 =	vld [tilespmem:$0x30]  }
0x28: {  	v5 =	vld [tilespmem:$0x40]  }
0x29: {  	(erf) = vrcp.f32 v1;
	v1 =	vld [tilespmem:$0x50]  }
0x2a: {  	(erf) = vrcp.f32 v2;
	v2 =	vld [tilespmem:$0x60]  }
0x2b: {  	(erf) = vrcp.f32 v3  }
0x2c: {  	(erf) = vrcp.f32 v4  }
0x2d: {  	(erf) = vrcp.f32 v5  }
0x2e: {  	(erf) = vrcp.f32 v1  }
0x2f: {  	(erf) = vrcp.f32 v2;
	_ =	sdelay $0x2  }
0x30: {  	v1 =	vpop (erf)  }
0x31: {  	v2 =	vpop (erf);
	v1 =	vmul.f32 $2.455673740e-02, v1  }
0x32: {  	v3 =	vpop (erf);
	v2 =	vmul.f32 $2.455673740e-02, v2  }
0x33: {  	v4 =	vpop (erf);
	[tilespmem:$0x80] =	vst v1;
	v1 =	vmul.f32 $2.455673740e-02, v3  }
0x34: {  	v3 =	vpop (erf);
	[tilespmem:$0x90] =	vst v2;
	v2 =	vmul.f32 $2.455673740e-02, v4  }
0x35: {  	v63 =	vpop (erf);
	[tilespmem:$0xA0] =	vst v1;
	v1 =	vmul.f32 $2.455673740e-02, v3  }
0x36: {  	[tilespmem:$0xB0] =	vst v2;
	v2 =	vmul.f32 $2.455673740e-02, v63;
	v3 =	vpop (erf)  }
0x37: {  	[tilespmem:$0xC0] =	vst v1;
	v1 =	vmul.f32 $2.455673740e-02, v3  }
0x38: {  	[tilespmem:$0xD0] =	vst v2  }
0x39: {  	s20 =	simm.s32 $0x100;
	s21 =	rddreg [dreg:$0x4];
	[tilespmem:$0xE0] =	vst v1  }
0x3a: {  	[tilespmem:s20], [sflag:$0x1] =	stream.linear.gather [hbm4b:s21+s3], $0x7D0, $0x38;
	[tilespmem:$0x9E00] =	vst v63  }
0x3b: {  	s23 =	simm.s32 $0x8D0;
	s22 =	rddreg [dreg:$0x5]  }
0x3c: {  	[tilespmem:s23], [sflag:$0x2] =	stream.linear.gather [hbm4b:s22+s3], $0x7D0, $0x38;
	[tilespmem:$0x9E00] =	vst v63  }
0x3d: {  	s20 =	rddreg [dreg:$0x6];
	s21 =	simm.s32 $0x10A0  }
0x3e: {  	[tilespmem:s21], [sflag:$0x3] =	stream.linear.gather [hbm4b:s20+s3], $0x7D0, $0x38;
	[tilespmem:$0x9E00] =	vst v63  }
0x3f: {  	s22 =	rddreg [dreg:$0x7];
	s23 =	simm.s32 $0x1870  }
0x40: {  	[tilespmem:s23], [sflag:$0x4] =	stream.linear.gather [hbm4b:s22+s3], $0x7D0, $0x38;
	[tilespmem:$0x9E00] =	vst v63  }
0x41: {  	s20 =	rddreg [dreg:$0x8];
	s21 =	simm.s32 $0x2040  }
0x42: {  	[tilespmem:s21], [sflag:$0x5] =	stream.linear.gather [hbm4b:s20+s3], $0x7D0, $0x38;
	[tilespmem:$0x9E00] =	vst v63  }
0x43: {  	s22 =	rddreg [dreg:$0x9];
	s23 =	simm.s32 $0x2810  }
0x44: {  	[tilespmem:s23], [sflag:$0x6] =	stream.linear.gather [hbm4b:s22+s3], $0x7D0, $0x38;
	[tilespmem:$0x9E00] =	vst v63  }
0x45: {  	s20 =	rddreg [dreg:$0xa];
	s21 =	simm.s32 $0x2FE0  }
0x46: {  	[tilespmem:s21], [sflag:$0x7] =	stream.linear.gather [hbm4b:s20+s3], $0x7D0, $0x38;
	[tilespmem:$0x9E00] =	vst v63  }
0x47: {  	s22 =	rddreg [dreg:$0xb];
	s23 =	simm.s32 $0x37B0  }
0x48: {  	[tilespmem:s23], [sflag:$0x8] =	stream.linear.gather [hbm4b:s22+s3], $0x7D0, $0x38;
	[tilespmem:$0x9E00] =	vst v63  }
0x49: {  	s20 =	rddreg [dreg:$0xc];
	s21 =	simm.s32 $0x3F80  }
0x4a: {  	[tilespmem:s21], [sflag:$0x9] =	stream.linear.gather [hbm4b:s20+s3], $0x7D0, $0x38;
	[tilespmem:$0x9E00] =	vst v63  }
0x4b: {  	s22 =	rddreg [dreg:$0xd];
	s23 =	simm.s32 $0x4750  }
0x4c: {  	[tilespmem:s23], [sflag:$0xA] =	stream.linear.gather [hbm4b:s22+s3], $0x7D0, $0x38;
	[tilespmem:$0x9E00] =	vst v63  }
0x4d: {  	_ =	swait.ge [sflag:s29], $0x7D0  }
0x4e: {  	[sflag:s29] =	ssyncset.done $0x0  }
0x4f: {  	s19 =	simm.s32 $0x0;
	[sflag:s29] =	ssyncadd.s32 $0xFFFFF830  }
0x50: {  	v1 =	vld [tilespmem:s19+$0x100];
	_ =	sdelay $0x6  }
0x51: {  	v2 =	vld [tilespmem:s19+$0x110]  }
0x52: {  	v1 =	vld.idx.msk [tilespmem:v1+s30+$0x0], $0xffff;
	_ =	sdelay $0x4  }
0x53: {  	[tilespmem:s19+$0x4F80] =	vst v1;
	v1 =	vld [tilespmem:s19+$0x120];
	_ =	sdelay $0x1  }
0x54: {  	v2 =	vld.idx.msk [tilespmem:v2+s30+$0x0], $0xffff;
	_ =	sdelay $0x4  }
0x55: {  	[tilespmem:s19+$0x4F90] =	vst v2;
	v2 =	vld [tilespmem:s19+$0x130]  }
0x56: {  	v1 =	vld.idx.msk [tilespmem:v1+s30+$0x0], $0xffff;
	_ =	sdelay $0x4  }
0x57: {  	[tilespmem:s19+$0x4FA0] =	vst v1;
	v1 =	vld [tilespmem:s19+$0x140];
	_ =	sdelay $0x1  }
0x58: {  	v2 =	vld.idx.msk [tilespmem:v2+s30+$0x0], $0xffff;
	_ =	sdelay $0x3  }
0x59: {  	s21 =	simm.s32 $0x50;
	s20 =	simm.s32 $0x280  }
.LBB2_2:
0x5a: {  	p0 =	sne.s32 s20, $0x1E00;
	v3 =	vld [tilespmem:s21+$0x100];
	[tilespmem:s19+$0x4FB0] =	vst v2  }
0x5b: {  	v1 =	vld.idx.msk [tilespmem:v1+s30+$0x0], $0xffff;
	_ =	sdelay $0x5  }
0x5c: {  	v2 =	vld [tilespmem:s21+$0x110];
	[tilespmem:s19+$0x4FC0] =	vst v1;
	s19 =	smov.u32 s21  }
0x5d: {  	v1 =	vld.idx.msk [tilespmem:v3+s30+$0x0], $0xffff;
	_ =	sdelay $0x5  }
0x5e: {  	[tilespmem:s19+$0x4F80] =	vst v1;
	v1 =	vld [tilespmem:s19+$0x120]  }
0x5f: {  	v2 =	vld.idx.msk [tilespmem:v2+s30+$0x0], $0xffff;
	_ =	sdelay $0x5  }
0x60: {  	[tilespmem:s19+$0x4F90] =	vst v2;
	v2 =	vld [tilespmem:s19+$0x130]  }
0x61: {  	v1 =	vld.idx.msk [tilespmem:v1+s30+$0x0], $0xffff;
	_ =	sdelay $0x5  }
0x62: {  	[tilespmem:s19+$0x4FA0] =	vst v1;
	v1 =	vld [tilespmem:s19+$0x140]  }
0x63: {  	v2 =	vld.idx.msk [tilespmem:v2+s30+$0x0], $0xffff  }
.Ltmp0:
0x64: {  	(pc) =	sbr.rel @p0 .LBB2_2-.Ltmp0, $2  }
0x65: {  	_ =	sdelay $0x2  }
0x66: {  	s21 =	sshra.s32 s20, $0x2;
	s20 =	sadd.s32 $0x140, s20  }
0x67: {  	_ =	sdelay $0x1  }
0x68: {  	v3 =	vld [tilespmem:s21+$0x100]  }
0x69: {  	[tilespmem:s19+$0x4FB0] =	vst v2  }
0x6a: {  	v1 =	vld.idx.msk [tilespmem:v1+s30+$0x0], $0xffff;
	_ =	sdelay $0x4  }
0x6b: {  	v2 =	vld [tilespmem:s21+$0x110];
	[tilespmem:s19+$0x4FC0] =	vst v1  }
0x6c: {  	v1 =	vld.idx.msk [tilespmem:v3+s30+$0x0], $0xffff;
	_ =	sdelay $0x4  }
0x6d: {  	[tilespmem:s21+$0x4F80] =	vst v1;
	v1 =	vld [tilespmem:s21+$0x120];
	_ =	sdelay $0x1  }
0x6e: {  	v2 =	vld.idx.msk [tilespmem:v2+s30+$0x0], $0xffff;
	_ =	sdelay $0x4  }
0x6f: {  	[tilespmem:s21+$0x4F90] =	vst v2;
	v2 =	vld [tilespmem:s21+$0x130]  }
0x70: {  	v1 =	vld.idx.msk [tilespmem:v1+s30+$0x0], $0xffff;
	_ =	sdelay $0x4  }
0x71: {  	[tilespmem:s21+$0x4FA0] =	vst v1;
	v1 =	vld [tilespmem:s21+$0x140];
	_ =	sdelay $0x1  }
0x72: {  	v2 =	vld.idx.msk [tilespmem:v2+s30+$0x0], $0xffff;
	_ =	sdelay $0x4  }
0x73: {  	[tilespmem:s21+$0x4FB0] =	vst v2  }
0x74: {  	v1 =	vld.idx.msk [tilespmem:v1+s30+$0x0], $0xffff;
	_ =	sdelay $0x4  }
0x75: {  	s20 =	simm.s32 $0x4F80;
	s19 =	simm.s32 $0x0;
	[tilespmem:s21+$0x4FC0] =	vst v1  }
0x76: {  	[hbm4b:s14+s19] =	stream.linear.scatter [tilespmem:s20], [sflag:$0xB], $0x7D0, $0x38;
	[tilespmem:$0x9E00] =	vst v63  }
0x77: {  	_ =	swait.ge [sflag:s1], $0x7D0  }
0x78: {  	[sflag:s1] =	ssyncset.done $0x0  }
0x79: {  	s21 =	simm.s32 $0x5790;
	s20 =	simm.s32 $0x910;
	[sflag:s1] =	ssyncadd.s32 $0xFFFFF830  }
.LBB2_4:
0x7a: {  	v1 =	vld [tilespmem:s20+$0xFFFFFFC0];
	_ =	sdelay $0x7  }
0x7b: {  	v1 =	vld.idx.msk [tilespmem:v1+s30+$0x0], $0xffff;
	_ =	sdelay $0x4  }
0x7c: {  	[tilespmem:s21+$0xFFFFFFC0] =	vst v1  }
0x7d: {  	v1 =	vld [tilespmem:s20+$0xFFFFFFD0];
	_ =	sdelay $0x7  }
0x7e: {  	v1 =	vld.idx.msk [tilespmem:v1+s30+$0x0], $0xffff;
	_ =	sdelay $0x4  }
0x7f: {  	[tilespmem:s21+$0xFFFFFFD0] =	vst v1  }
0x80: {  	v1 =	vld [tilespmem:s20+$0xFFFFFFE0];
	_ =	sdelay $0x7  }
0x81: {  	v1 =	vld.idx.msk [tilespmem:v1+s30+$0x0], $0xffff;
	_ =	sdelay $0x4  }
0x82: {  	s22 =	sand.u32 $0xFF0, s19;
	[tilespmem:s21+$0xFFFFFFE0] =	vst v1  }
0x83: {  	v1 =	vld [tilespmem:s22+$0x900];
	_ =	sdelay $0x7  }
0x84: {  	v1 =	vld.idx.msk [tilespmem:v1+s30+$0x0], $0xffff;
	_ =	sdelay $0x4  }
0x85: {  	[tilespmem:s22+$0x5780] =	vst v1  }
0x86: {  	v1 =	vld [tilespmem:s20+$0x0];
	_ =	sdelay $0x7  }
0x87: {  	p0 =	sne.s32 s19, $0x780;
	v1 =	vld.idx.msk [tilespmem:v1+s30+$0x0], $0xffff  }
.Ltmp1:
0x88: {  	_ = 	snop;
	(pc) =	sbr.rel @p0 .LBB2_4-.Ltmp1, $2  }
0x89: {  	_ =	sdelay $0x2  }
0x8a: {  	s19 =	sadd.s32 $0x50, s19;
	s20 =	sadd.s32 $0x50, s20;
	[tilespmem:s21+$0x0] =	vst v1;
	s21 =	sadd.s32 $0x50, s21  }
0x8b: {  	s19 =	simm.s32 $0x0;
	s20 =	rddreg [dreg:$0xe];
	s21 =	simm.s32 $0x5750  }
0x8c: {  	[hbm4b:s20+s19] =	stream.linear.scatter [tilespmem:s21], [sflag:$0xC], $0x7D0, $0x38;
	[tilespmem:$0x9E00] =	vst v63  }
0x8d: {  	_ =	swait.ge [sflag:s2], $0x7D0  }
0x8e: {  	[sflag:s2] =	ssyncset.done $0x0  }
0x8f: {  	s19 =	simm.s32 $0x0;
	[sflag:s2] =	ssyncadd.s32 $0xFFFFF830  }
0x90: {  	v1 =	vld [tilespmem:s19+$0x10A0];
	_ =	sdelay $0x6  }
0x91: {  	v2 =	vld [tilespmem:s19+$0x10B0]  }
0x92: {  	v1 =	vld.idx.msk [tilespmem:v1+s30+$0x0], $0xffff;
	_ =	sdelay $0x4  }
0x93: {  	[tilespmem:s19+$0x5F20] =	vst v1;
	v1 =	vld [tilespmem:s19+$0x10C0];
	_ =	sdelay $0x1  }
0x94: {  	v2 =	vld.idx.msk [tilespmem:v2+s30+$0x0], $0xffff;
	_ =	sdelay $0x4  }
0x95: {  	[tilespmem:s19+$0x5F30] =	vst v2;
	v2 =	vld [tilespmem:s19+$0x10D0]  }
0x96: {  	v1 =	vld.idx.msk [tilespmem:v1+s30+$0x0], $0xffff;
	_ =	sdelay $0x4  }
0x97: {  	[tilespmem:s19+$0x5F40] =	vst v1;
	v1 =	vld [tilespmem:s19+$0x10E0];
	_ =	sdelay $0x1  }
0x98: {  	v2 =	vld.idx.msk [tilespmem:v2+s30+$0x0], $0xffff;
	_ =	sdelay $0x3  }
0x99: {  	s21 =	simm.s32 $0x50;
	s20 =	simm.s32 $0x280  }
.LBB2_6:
0x9a: {  	p0 =	sne.s32 s20, $0x1E00;
	v3 =	vld [tilespmem:s21+$0x10A0];
	[tilespmem:s19+$0x5F50] =	vst v2  }
0x9b: {  	v1 =	vld.idx.msk [tilespmem:v1+s30+$0x0], $0xffff;
	_ =	sdelay $0x5  }
0x9c: {  	v2 =	vld [tilespmem:s21+$0x10B0];
	[tilespmem:s19+$0x5F60] =	vst v1;
	s19 =	smov.u32 s21  }
0x9d: {  	v1 =	vld.idx.msk [tilespmem:v3+s30+$0x0], $0xffff;
	_ =	sdelay $0x5  }
0x9e: {  	[tilespmem:s19+$0x5F20] =	vst v1;
	v1 =	vld [tilespmem:s19+$0x10C0]  }
0x9f: {  	v2 =	vld.idx.msk [tilespmem:v2+s30+$0x0], $0xffff;
	_ =	sdelay $0x5  }
0xa0: {  	[tilespmem:s19+$0x5F30] =	vst v2;
	v2 =	vld [tilespmem:s19+$0x10D0]  }
0xa1: {  	v1 =	vld.idx.msk [tilespmem:v1+s30+$0x0], $0xffff;
	_ =	sdelay $0x5  }
0xa2: {  	[tilespmem:s19+$0x5F40] =	vst v1;
	v1 =	vld [tilespmem:s19+$0x10E0]  }
0xa3: {  	v2 =	vld.idx.msk [tilespmem:v2+s30+$0x0], $0xffff  }
.Ltmp2:
0xa4: {  	(pc) =	sbr.rel @p0 .LBB2_6-.Ltmp2, $2  }
0xa5: {  	_ =	sdelay $0x2  }
0xa6: {  	s21 =	sshra.s32 s20, $0x2;
	s20 =	sadd.s32 $0x140, s20  }
0xa7: {  	_ =	sdelay $0x1  }
0xa8: {  	v3 =	vld [tilespmem:s21+$0x10A0]  }
0xa9: {  	[tilespmem:s19+$0x5F50] =	vst v2  }
0xaa: {  	v1 =	vld.idx.msk [tilespmem:v1+s30+$0x0], $0xffff;
	_ =	sdelay $0x4  }
0xab: {  	v2 =	vld [tilespmem:s21+$0x10B0];
	[tilespmem:s19+$0x5F60] =	vst v1  }
0xac: {  	v1 =	vld.idx.msk [tilespmem:v3+s30+$0x0], $0xffff;
	_ =	sdelay $0x4  }
0xad: {  	[tilespmem:s21+$0x5F20] =	vst v1;
	v1 =	vld [tilespmem:s21+$0x10C0];
	_ =	sdelay $0x1  }
0xae: {  	v2 =	vld.idx.msk [tilespmem:v2+s30+$0x0], $0xffff;
	_ =	sdelay $0x4  }
0xaf: {  	[tilespmem:s21+$0x5F30] =	vst v2;
	v2 =	vld [tilespmem:s21+$0x10D0]  }
0xb0: {  	v1 =	vld.idx.msk [tilespmem:v1+s30+$0x0], $0xffff;
	_ =	sdelay $0x4  }
0xb1: {  	[tilespmem:s21+$0x5F40] =	vst v1;
	v1 =	vld [tilespmem:s21+$0x10E0];
	_ =	sdelay $0x1  }
0xb2: {  	v2 =	vld.idx.msk [tilespmem:v2+s30+$0x0], $0xffff;
	_ =	sdelay $0x4  }
0xb3: {  	[tilespmem:s21+$0x5F50] =	vst v2  }
0xb4: {  	v1 =	vld.idx.msk [tilespmem:v1+s30+$0x0], $0xffff;
	_ =	sdelay $0x4  }
0xb5: {  	s20 =	rddreg [dreg:$0xf];
	s23 =	simm.s32 $0x5F20;
	s19 =	simm.s32 $0x0;
	[tilespmem:s21+$0x5F60] =	vst v1  }
0xb6: {  	[hbm4b:s20+s19] =	stream.linear.scatter [tilespmem:s23], [sflag:$0xD], $0x7D0, $0x38;
	[tilespmem:$0x9E00] =	vst v63  }
0xb7: {  	_ =	swait.ge [sflag:s28], $0x7D0  }
0xb8: {  	[sflag:s28] =	ssyncset.done $0x0  }
0xb9: {  	s21 =	simm.s32 $0x6730;
	s20 =	simm.s32 $0x18B0;
	[sflag:s28] =	ssyncadd.s32 $0xFFFFF830  }
.LBB2_8:
0xba: {  	v1 =	vld [tilespmem:s20+$0xFFFFFFC0];
	_ =	sdelay $0x7  }
0xbb: {  	v1 =	vld.idx.msk [tilespmem:v1+s30+$0x0], $0xffff;
	_ =	sdelay $0x4  }
0xbc: {  	s22 =	sand.u32 $0xFF0, s19;
	[tilespmem:s21+$0xFFFFFFC0] =	vst v1  }
0xbd: {  	v1 =	vld [tilespmem:s22+$0x1880];
	_ =	sdelay $0x7  }
0xbe: {  	v1 =	vld.idx.msk [tilespmem:v1+s30+$0x0], $0xffff;
	_ =	sdelay $0x4  }
0xbf: {  	[tilespmem:s22+$0x6700] =	vst v1  }
0xc0: {  	v1 =	vld [tilespmem:s20+$0xFFFFFFE0];
	_ =	sdelay $0x7  }
0xc1: {  	v1 =	vld.idx.msk [tilespmem:v1+s30+$0x0], $0xffff;
	_ =	sdelay $0x4  }
0xc2: {  	[tilespmem:s21+$0xFFFFFFE0] =	vst v1  }
0xc3: {  	v1 =	vld [tilespmem:s20+$0xFFFFFFF0];
	_ =	sdelay $0x7  }
0xc4: {  	v1 =	vld.idx.msk [tilespmem:v1+s30+$0x0], $0xffff;
	_ =	sdelay $0x4  }
0xc5: {  	[tilespmem:s21+$0xFFFFFFF0] =	vst v1  }
0xc6: {  	v1 =	vld [tilespmem:s20+$0x0];
	_ =	sdelay $0x7  }
0xc7: {  	p0 =	sne.s32 s19, $0x780;
	v1 =	vld.idx.msk [tilespmem:v1+s30+$0x0], $0xffff  }
.Ltmp3:
0xc8: {  	_ = 	snop;
	(pc) =	sbr.rel @p0 .LBB2_8-.Ltmp3, $2  }
0xc9: {  	_ =	sdelay $0x2  }
0xca: {  	s19 =	sadd.s32 $0x50, s19;
	s20 =	sadd.s32 $0x50, s20;
	[tilespmem:s21+$0x0] =	vst v1;
	s21 =	sadd.s32 $0x50, s21  }
0xcb: {  	s19 =	simm.s32 $0x0;
	s20 =	rddreg [dreg:$0x10];
	s21 =	simm.s32 $0x66F0  }
0xcc: {  	[hbm4b:s20+s19] =	stream.linear.scatter [tilespmem:s21], [sflag:$0xE], $0x7D0, $0x38;
	[tilespmem:$0x9E00] =	vst v63  }
0xcd: {  	_ =	swait.ge [sflag:s0], $0x7D0  }
0xce: {  	[sflag:s0] =	ssyncset.done $0x0  }
0xcf: {  	s20 =	simm.s32 $0x2070;
	s21 =	simm.s32 $0x6EF0;
	[sflag:s0] =	ssyncadd.s32 $0xFFFFF830  }
.LBB2_10:
0xd0: {  	v1 =	vld [tilespmem:s20+$0xFFFFFFD0];
	_ =	sdelay $0x7  }
0xd1: {  	v1 =	vld.idx.msk [tilespmem:v1+s30+$0x0], $0xffff;
	_ =	sdelay $0x4  }
0xd2: {  	[tilespmem:s21+$0xFFFFFFD0] =	vst v1  }
0xd3: {  	v1 =	vld [tilespmem:s20+$0xFFFFFFE0];
	_ =	sdelay $0x7  }
0xd4: {  	v1 =	vld.idx.msk [tilespmem:v1+s30+$0x0], $0xffff;
	_ =	sdelay $0x4  }
0xd5: {  	[tilespmem:s21+$0xFFFFFFE0] =	vst v1  }
0xd6: {  	v1 =	vld [tilespmem:s20+$0xFFFFFFF0];
	_ =	sdelay $0x7  }
0xd7: {  	v1 =	vld.idx.msk [tilespmem:v1+s30+$0x0], $0xffff;
	_ =	sdelay $0x4  }
0xd8: {  	[tilespmem:s21+$0xFFFFFFF0] =	vst v1  }
0xd9: {  	v1 =	vld [tilespmem:s20+$0x0];
	_ =	sdelay $0x7  }
0xda: {  	v1 =	vld.idx.msk [tilespmem:v1+s30+$0x0], $0xffff;
	_ =	sdelay $0x4  }
0xdb: {  	s22 =	sand.u32 $0xFF0, s19;
	[tilespmem:s21+$0x0] =	vst v1  }
0xdc: {  	v1 =	vld [tilespmem:s22+$0x2080];
	_ =	sdelay $0x7  }
0xdd: {  	p0 =	sne.s32 s19, $0x780;
	v1 =	vld.idx.msk [tilespmem:v1+s30+$0x0], $0xffff  }
.Ltmp4:
0xde: {  	_ = 	snop;
	(pc) =	sbr.rel @p0 .LBB2_10-.Ltmp4, $2  }
0xdf: {  	_ =	sdelay $0x2  }
0xe0: {  	s19 =	sadd.s32 $0x50, s19;
	s20 =	sadd.s32 $0x50, s20;
	s21 =	sadd.s32 $0x50, s21;
	[tilespmem:s22+$0x6F00] =	vst v1  }
0xe1: {  	s19 =	simm.s32 $0x0;
	s20 =	rddreg [dreg:$0x11];
	s21 =	simm.s32 $0x6EC0  }
0xe2: {  	[hbm4b:s20+s19] =	stream.linear.scatter [tilespmem:s21], [sflag:$0xF], $0x7D0, $0x38;
	[tilespmem:$0x9E00] =	vst v63  }
0xe3: {  	_ =	swait.ge [sflag:s31], $0x7D0  }
0xe4: {  	[sflag:s31] =	ssyncset.done $0x0  }
0xe5: {  	s19 =	simm.s32 $0x0;
	[sflag:s31] =	ssyncadd.s32 $0xFFFFF830  }
0xe6: {  	v1 =	vld [tilespmem:s19+$0x2810];
	_ =	sdelay $0x6  }
0xe7: {  	v2 =	vld [tilespmem:s19+$0x2820]  }
0xe8: {  	v1 =	vld.idx.msk [tilespmem:v1+s30+$0x0], $0xffff;
	_ =	sdelay $0x4  }
0xe9: {  	[tilespmem:s19+$0x7690] =	vst v1;
	v1 =	vld [tilespmem:s19+$0x2830];
	_ =	sdelay $0x1  }
0xea: {  	v2 =	vld.idx.msk [tilespmem:v2+s30+$0x0], $0xffff;
	_ =	sdelay $0x4  }
0xeb: {  	[tilespmem:s19+$0x76A0] =	vst v2;
	v2 =	vld [tilespmem:s19+$0x2840]  }
0xec: {  	v1 =	vld.idx.msk [tilespmem:v1+s30+$0x0], $0xffff;
	_ =	sdelay $0x4  }
0xed: {  	[tilespmem:s19+$0x76B0] =	vst v1;
	v1 =	vld [tilespmem:s19+$0x2850];
	_ =	sdelay $0x1  }
0xee: {  	v2 =	vld.idx.msk [tilespmem:v2+s30+$0x0], $0xffff;
	_ =	sdelay $0x3  }
0xef: {  	s21 =	simm.s32 $0x50;
	s20 =	simm.s32 $0x280  }
.LBB2_12:
0xf0: {  	p0 =	sne.s32 s20, $0x1E00;
	v3 =	vld [tilespmem:s21+$0x2810];
	[tilespmem:s19+$0x76C0] =	vst v2  }
0xf1: {  	v1 =	vld.idx.msk [tilespmem:v1+s30+$0x0], $0xffff;
	_ =	sdelay $0x5  }
0xf2: {  	v2 =	vld [tilespmem:s21+$0x2820];
	[tilespmem:s19+$0x76D0] =	vst v1;
	s19 =	smov.u32 s21  }
0xf3: {  	v1 =	vld.idx.msk [tilespmem:v3+s30+$0x0], $0xffff;
	_ =	sdelay $0x5  }
0xf4: {  	[tilespmem:s19+$0x7690] =	vst v1;
	v1 =	vld [tilespmem:s19+$0x2830]  }
0xf5: {  	v2 =	vld.idx.msk [tilespmem:v2+s30+$0x0], $0xffff;
	_ =	sdelay $0x5  }
0xf6: {  	[tilespmem:s19+$0x76A0] =	vst v2;
	v2 =	vld [tilespmem:s19+$0x2840]  }
0xf7: {  	v1 =	vld.idx.msk [tilespmem:v1+s30+$0x0], $0xffff;
	_ =	sdelay $0x5  }
0xf8: {  	[tilespmem:s19+$0x76B0] =	vst v1;
	v1 =	vld [tilespmem:s19+$0x2850]  }
0xf9: {  	v2 =	vld.idx.msk [tilespmem:v2+s30+$0x0], $0xffff  }
.Ltmp5:
0xfa: {  	(pc) =	sbr.rel @p0 .LBB2_12-.Ltmp5, $2  }
0xfb: {  	_ =	sdelay $0x2  }
0xfc: {  	s21 =	sshra.s32 s20, $0x2;
	s20 =	sadd.s32 $0x140, s20  }
0xfd: {  	_ =	sdelay $0x1  }
0xfe: {  	v3 =	vld [tilespmem:s21+$0x2810]  }
0xff: {  	[tilespmem:s19+$0x76C0] =	vst v2  }
0x100: {  	v1 =	vld.idx.msk [tilespmem:v1+s30+$0x0], $0xffff;
	_ =	sdelay $0x4  }
0x101: {  	v2 =	vld [tilespmem:s21+$0x2820];
	[tilespmem:s19+$0x76D0] =	vst v1  }
0x102: {  	v1 =	vld.idx.msk [tilespmem:v3+s30+$0x0], $0xffff;
	_ =	sdelay $0x4  }
0x103: {  	[tilespmem:s21+$0x7690] =	vst v1;
	v1 =	vld [tilespmem:s21+$0x2830];
	_ =	sdelay $0x1  }
0x104: {  	v2 =	vld.idx.msk [tilespmem:v2+s30+$0x0], $0xffff;
	_ =	sdelay $0x4  }
0x105: {  	[tilespmem:s21+$0x76A0] =	vst v2;
	v2 =	vld [tilespmem:s21+$0x2840]  }
0x106: {  	v1 =	vld.idx.msk [tilespmem:v1+s30+$0x0], $0xffff;
	_ =	sdelay $0x4  }
0x107: {  	[tilespmem:s21+$0x76B0] =	vst v1;
	v1 =	vld [tilespmem:s21+$0x2850];
	_ =	sdelay $0x1  }
0x108: {  	v2 =	vld.idx.msk [tilespmem:v2+s30+$0x0], $0xffff;
	_ =	sdelay $0x4  }
0x109: {  	[tilespmem:s21+$0x76C0] =	vst v2  }
0x10a: {  	v1 =	vld.idx.msk [tilespmem:v1+s30+$0x0], $0xffff;
	_ =	sdelay $0x4  }
0x10b: {  	s20 =	rddreg [dreg:$0x12];
	s23 =	simm.s32 $0x7690;
	s19 =	simm.s32 $0x0;
	[tilespmem:s21+$0x76D0] =	vst v1  }
0x10c: {  	[hbm4b:s20+s19] =	stream.linear.scatter [tilespmem:s23], [sflag:$0x10], $0x7D0, $0x38;
	[tilespmem:$0x9E00] =	vst v63  }
0x10d: {  	_ =	swait.ge [sflag:s26], $0x7D0  }
0x10e: {  	[sflag:s26] =	ssyncset.done $0x0  }
0x10f: {  	s21 =	simm.s32 $0x7EA0;
	s20 =	simm.s32 $0x3020;
	[sflag:s26] =	ssyncadd.s32 $0xFFFFF830  }
.LBB2_14:
0x110: {  	v1 =	vld [tilespmem:s20+$0xFFFFFFC0];
	_ =	sdelay $0x7  }
0x111: {  	v1 =	vld.idx.msk [tilespmem:v1+s30+$0x0], $0xffff;
	_ =	sdelay $0x4  }
0x112: {  	[tilespmem:s21+$0xFFFFFFC0] =	vst v1  }
0x113: {  	v1 =	vld [tilespmem:s20+$0xFFFFFFD0];
	_ =	sdelay $0x7  }
0x114: {  	v1 =	vld.idx.msk [tilespmem:v1+s30+$0x0], $0xffff;
	_ =	sdelay $0x4  }
0x115: {  	s22 =	sand.u32 $0xFF0, s19;
	[tilespmem:s21+$0xFFFFFFD0] =	vst v1  }
0x116: {  	v1 =	vld [tilespmem:s22+$0x3000];
	_ =	sdelay $0x7  }
0x117: {  	v1 =	vld.idx.msk [tilespmem:v1+s30+$0x0], $0xffff;
	_ =	sdelay $0x4  }
0x118: {  	[tilespmem:s22+$0x7E80] =	vst v1  }
0x119: {  	v1 =	vld [tilespmem:s20+$0xFFFFFFF0];
	_ =	sdelay $0x7  }
0x11a: {  	v1 =	vld.idx.msk [tilespmem:v1+s30+$0x0], $0xffff;
	_ =	sdelay $0x4  }
0x11b: {  	[tilespmem:s21+$0xFFFFFFF0] =	vst v1  }
0x11c: {  	v1 =	vld [tilespmem:s20+$0x0];
	_ =	sdelay $0x7  }
0x11d: {  	p0 =	sne.s32 s19, $0x780;
	v1 =	vld.idx.msk [tilespmem:v1+s30+$0x0], $0xffff  }
.Ltmp6:
0x11e: {  	_ = 	snop;
	(pc) =	sbr.rel @p0 .LBB2_14-.Ltmp6, $2  }
0x11f: {  	_ =	sdelay $0x2  }
0x120: {  	s19 =	sadd.s32 $0x50, s19;
	s20 =	sadd.s32 $0x50, s20;
	[tilespmem:s21+$0x0] =	vst v1;
	s21 =	sadd.s32 $0x50, s21  }
0x121: {  	s19 =	simm.s32 $0x0;
	s20 =	rddreg [dreg:$0x13];
	s21 =	simm.s32 $0x7E60  }
0x122: {  	[hbm4b:s20+s19] =	stream.linear.scatter [tilespmem:s21], [sflag:$0x11], $0x7D0, $0x38;
	[tilespmem:$0x9E00] =	vst v63  }
0x123: {  	_ =	swait.ge [sflag:s4], $0x7D0  }
0x124: {  	[sflag:s4] =	ssyncset.done $0x0  }
0x125: {  	s19 =	simm.s32 $0x0;
	[sflag:s4] =	ssyncadd.s32 $0xFFFFF830  }
0x126: {  	v1 =	vld [tilespmem:s19+$0x37B0];
	_ =	sdelay $0x6  }
0x127: {  	v2 =	vld [tilespmem:s19+$0x37C0]  }
0x128: {  	v1 =	vld.idx.msk [tilespmem:v1+s30+$0x0], $0xffff;
	_ =	sdelay $0x4  }
0x129: {  	[tilespmem:s19+$0x8630] =	vst v1;
	v1 =	vld [tilespmem:s19+$0x37D0];
	_ =	sdelay $0x1  }
0x12a: {  	v2 =	vld.idx.msk [tilespmem:v2+s30+$0x0], $0xffff;
	_ =	sdelay $0x4  }
0x12b: {  	[tilespmem:s19+$0x8640] =	vst v2;
	v2 =	vld [tilespmem:s19+$0x37E0]  }
0x12c: {  	v1 =	vld.idx.msk [tilespmem:v1+s30+$0x0], $0xffff;
	_ =	sdelay $0x4  }
0x12d: {  	[tilespmem:s19+$0x8650] =	vst v1;
	v1 =	vld [tilespmem:s19+$0x37F0];
	_ =	sdelay $0x1  }
0x12e: {  	v2 =	vld.idx.msk [tilespmem:v2+s30+$0x0], $0xffff;
	_ =	sdelay $0x3  }
0x12f: {  	s21 =	simm.s32 $0x50;
	s20 =	simm.s32 $0x280  }
.LBB2_16:
0x130: {  	p0 =	sne.s32 s20, $0x1E00;
	v3 =	vld [tilespmem:s21+$0x37B0];
	[tilespmem:s19+$0x8660] =	vst v2  }
0x131: {  	v1 =	vld.idx.msk [tilespmem:v1+s30+$0x0], $0xffff;
	_ =	sdelay $0x5  }
0x132: {  	v2 =	vld [tilespmem:s21+$0x37C0];
	[tilespmem:s19+$0x8670] =	vst v1;
	s19 =	smov.u32 s21  }
0x133: {  	v1 =	vld.idx.msk [tilespmem:v3+s30+$0x0], $0xffff;
	_ =	sdelay $0x5  }
0x134: {  	[tilespmem:s19+$0x8630] =	vst v1;
	v1 =	vld [tilespmem:s19+$0x37D0]  }
0x135: {  	v2 =	vld.idx.msk [tilespmem:v2+s30+$0x0], $0xffff;
	_ =	sdelay $0x5  }
0x136: {  	[tilespmem:s19+$0x8640] =	vst v2;
	v2 =	vld [tilespmem:s19+$0x37E0]  }
0x137: {  	v1 =	vld.idx.msk [tilespmem:v1+s30+$0x0], $0xffff;
	_ =	sdelay $0x5  }
0x138: {  	[tilespmem:s19+$0x8650] =	vst v1;
	v1 =	vld [tilespmem:s19+$0x37F0]  }
0x139: {  	v2 =	vld.idx.msk [tilespmem:v2+s30+$0x0], $0xffff  }
.Ltmp7:
0x13a: {  	(pc) =	sbr.rel @p0 .LBB2_16-.Ltmp7, $2  }
0x13b: {  	_ =	sdelay $0x2  }
0x13c: {  	s21 =	sshra.s32 s20, $0x2;
	s20 =	sadd.s32 $0x140, s20  }
0x13d: {  	_ =	sdelay $0x1  }
0x13e: {  	v3 =	vld [tilespmem:s21+$0x37B0]  }
0x13f: {  	[tilespmem:s19+$0x8660] =	vst v2  }
0x140: {  	v1 =	vld.idx.msk [tilespmem:v1+s30+$0x0], $0xffff;
	_ =	sdelay $0x4  }
0x141: {  	v2 =	vld [tilespmem:s21+$0x37C0];
	[tilespmem:s19+$0x8670] =	vst v1  }
0x142: {  	v1 =	vld.idx.msk [tilespmem:v3+s30+$0x0], $0xffff;
	_ =	sdelay $0x4  }
0x143: {  	[tilespmem:s21+$0x8630] =	vst v1;
	v1 =	vld [tilespmem:s21+$0x37D0];
	_ =	sdelay $0x1  }
0x144: {  	v2 =	vld.idx.msk [tilespmem:v2+s30+$0x0], $0xffff;
	_ =	sdelay $0x4  }
0x145: {  	[tilespmem:s21+$0x8640] =	vst v2;
	v2 =	vld [tilespmem:s21+$0x37E0]  }
0x146: {  	v1 =	vld.idx.msk [tilespmem:v1+s30+$0x0], $0xffff;
	_ =	sdelay $0x4  }
0x147: {  	[tilespmem:s21+$0x8650] =	vst v1;
	v1 =	vld [tilespmem:s21+$0x37F0];
	_ =	sdelay $0x1  }
0x148: {  	v2 =	vld.idx.msk [tilespmem:v2+s30+$0x0], $0xffff;
	_ =	sdelay $0x4  }
0x149: {  	[tilespmem:s21+$0x8660] =	vst v2  }
0x14a: {  	v1 =	vld.idx.msk [tilespmem:v1+s30+$0x0], $0xffff;
	_ =	sdelay $0x4  }
0x14b: {  	s20 =	rddreg [dreg:$0x14];
	s23 =	simm.s32 $0x8630;
	s19 =	simm.s32 $0x0;
	[tilespmem:s21+$0x8670] =	vst v1  }
0x14c: {  	[hbm4b:s20+s19] =	stream.linear.scatter [tilespmem:s23], [sflag:$0x12], $0x7D0, $0x38;
	[tilespmem:$0x9E00] =	vst v63  }
0x14d: {  	_ =	swait.ge [sflag:s5], $0x7D0  }
0x14e: {  	[sflag:s5] =	ssyncset.done $0x0  }
0x14f: {  	s21 =	simm.s32 $0x8E40;
	s20 =	simm.s32 $0x3FC0;
	[sflag:s5] =	ssyncadd.s32 $0xFFFFF830  }
.LBB2_18:
0x150: {  	s22 =	sand.u32 $0xFF0, s19  }
0x151: {  	v1 =	vld [tilespmem:s22+$0x3F80];
	_ =	sdelay $0x7  }
0x152: {  	v1 =	vld.idx.msk [tilespmem:v1+s30+$0x0], $0xffff;
	_ =	sdelay $0x4  }
0x153: {  	[tilespmem:s22+$0x8E00] =	vst v1  }
0x154: {  	v1 =	vld [tilespmem:s20+$0xFFFFFFD0];
	_ =	sdelay $0x7  }
0x155: {  	v1 =	vld.idx.msk [tilespmem:v1+s30+$0x0], $0xffff;
	_ =	sdelay $0x4  }
0x156: {  	[tilespmem:s21+$0xFFFFFFD0] =	vst v1  }
0x157: {  	v1 =	vld [tilespmem:s20+$0xFFFFFFE0];
	_ =	sdelay $0x7  }
0x158: {  	v1 =	vld.idx.msk [tilespmem:v1+s30+$0x0], $0xffff;
	_ =	sdelay $0x4  }
0x159: {  	[tilespmem:s21+$0xFFFFFFE0] =	vst v1  }
0x15a: {  	v1 =	vld [tilespmem:s20+$0xFFFFFFF0];
	_ =	sdelay $0x7  }
0x15b: {  	v1 =	vld.idx.msk [tilespmem:v1+s30+$0x0], $0xffff;
	_ =	sdelay $0x4  }
0x15c: {  	[tilespmem:s21+$0xFFFFFFF0] =	vst v1  }
0x15d: {  	v1 =	vld [tilespmem:s20+$0x0];
	_ =	sdelay $0x7  }
0x15e: {  	p0 =	sne.s32 s19, $0x780;
	v1 =	vld.idx.msk [tilespmem:v1+s30+$0x0], $0xffff  }
.Ltmp8:
0x15f: {  	_ = 	snop;
	(pc) =	sbr.rel @p0 .LBB2_18-.Ltmp8, $2  }
0x160: {  	_ =	sdelay $0x2  }
0x161: {  	s19 =	sadd.s32 $0x50, s19;
	s20 =	sadd.s32 $0x50, s20;
	[tilespmem:s21+$0x0] =	vst v1;
	s21 =	sadd.s32 $0x50, s21  }
0x162: {  	s19 =	simm.s32 $0x0;
	s20 =	rddreg [dreg:$0x15];
	s21 =	simm.s32 $0x8E00  }
0x163: {  	[hbm4b:s20+s19] =	stream.linear.scatter [tilespmem:s21], [sflag:$0x13], $0x7D0, $0x38;
	[tilespmem:$0x9E00] =	vst v63  }
0x164: {  	_ =	swait.ge [sflag:s6], $0x7D0  }
0x165: {  	[sflag:s6] =	ssyncset.done $0x0  }
0x166: {  	s20 =	simm.s32 $0x0;
	[sflag:s6] =	ssyncadd.s32 $0xFFFFF830  }
0x167: {  	v1 =	vld [tilespmem:s20+$0x4750];
	_ =	sdelay $0x6  }
0x168: {  	v2 =	vld [tilespmem:s20+$0x4760]  }
0x169: {  	v1 =	vld.idx.msk [tilespmem:v1+s30+$0x0], $0xffff;
	_ =	sdelay $0x4  }
0x16a: {  	[tilespmem:s20+$0x95D0] =	vst v1;
	v1 =	vld [tilespmem:s20+$0x4770];
	_ =	sdelay $0x1  }
0x16b: {  	v2 =	vld.idx.msk [tilespmem:v2+s30+$0x0], $0xffff;
	_ =	sdelay $0x4  }
0x16c: {  	[tilespmem:s20+$0x95E0] =	vst v2  }
0x16d: {  	v1 =	vld.idx.msk [tilespmem:v1+s30+$0x0], $0xffff;
	_ =	sdelay $0x4  }
0x16e: {  	s23 =	sand.u32 $0xFF0, s19;
	[tilespmem:s20+$0x95F0] =	vst v1  }
0x16f: {  	v1 =	vld [tilespmem:s23+$0x4780];
	_ =	sdelay $0x7  }
0x170: {  	v1 =	vld.idx.msk [tilespmem:v1+s30+$0x0], $0xffff;
	_ =	sdelay $0x4  }
0x171: {  	[tilespmem:s23+$0x9600] =	vst v1  }
0x172: {  	v1 =	vld [tilespmem:s20+$0x4790];
	_ =	sdelay $0x5  }
0x173: {  	s22 =	simm.s32 $0x50  }
0x174: {  	v2 =	vld [tilespmem:s22+$0x4750]  }
0x175: {  	v3 =	vld.idx.msk [tilespmem:v1+s30+$0x0], $0xffff  }
0x176: {  	s21 =	simm.s32 $0x280;
	v1 =	vld [tilespmem:s22+$0x4760]  }
.LBB2_20:
0x177: {  	_ =	sdelay $0x2  }
0x178: {  	p0 =	sne.s32 s21, $0x1E00;
	s19 =	sadd.s32 $0x50, s19  }
0x179: {  	s23 =	smov.u32 s21;
	s21 =	sadd.s32 $0x140, s21;
	[tilespmem:s20+$0x9610] =	vst v3;
	s20 =	smov.u32 s22  }
0x17a: {  	v2 =	vld.idx.msk [tilespmem:v2+s30+$0x0], $0xffff;
	_ =	sdelay $0x5  }
0x17b: {  	[tilespmem:s20+$0x95D0] =	vst v2;
	v2 =	vld [tilespmem:s20+$0x4770]  }
0x17c: {  	v1 =	vld.idx.msk [tilespmem:v1+s30+$0x0], $0xffff;
	_ =	sdelay $0x5  }
0x17d: {  	[tilespmem:s20+$0x95E0] =	vst v1  }
0x17e: {  	v1 =	vld.idx.msk [tilespmem:v2+s30+$0x0], $0xffff;
	_ =	sdelay $0x5  }
0x17f: {  	s22 =	sand.u32 $0xFF0, s19;
	[tilespmem:s20+$0x95F0] =	vst v1  }
0x180: {  	v1 =	vld [tilespmem:s22+$0x4780];
	_ =	sdelay $0x7  }
0x181: {  	v1 =	vld.idx.msk [tilespmem:v1+s30+$0x0], $0xffff;
	_ =	sdelay $0x5  }
0x182: {  	[tilespmem:s22+$0x9600] =	vst v1  }
0x183: {  	v1 =	vld [tilespmem:s20+$0x4790];
	_ =	sdelay $0x4  }
.Ltmp9:
0x184: {  	(pc) =	sbr.rel @p0 .LBB2_20-.Ltmp9, $4  }
0x185: {  	s22 =	sshra.s32 s23, $0x2  }
0x186: {  	v2 =	vld [tilespmem:s22+$0x4750]  }
0x187: {  	v3 =	vld.idx.msk [tilespmem:v1+s30+$0x0], $0xffff  }
0x188: {  	v1 =	vld [tilespmem:s22+$0x4760]  }
0x189: {  	_ =	sdelay $0x4  }
0x18a: {  	[tilespmem:s20+$0x9610] =	vst v3  }
0x18b: {  	v2 =	vld.idx.msk [tilespmem:v2+s30+$0x0], $0xffff;
	_ =	sdelay $0x4  }
0x18c: {  	[tilespmem:s22+$0x95D0] =	vst v2;
	v2 =	vld [tilespmem:s22+$0x4770];
	_ =	sdelay $0x1  }
0x18d: {  	v1 =	vld.idx.msk [tilespmem:v1+s30+$0x0], $0xffff;
	_ =	sdelay $0x4  }
0x18e: {  	[tilespmem:s22+$0x95E0] =	vst v1  }
0x18f: {  	v1 =	vld.idx.msk [tilespmem:v2+s30+$0x0], $0xffff;
	_ =	sdelay $0x3  }
0x190: {  	s19 =	sadd.s32 $0x50, s19  }
0x191: {  	s19 =	sand.u32 $0xFF0, s19;
	[tilespmem:s22+$0x95F0] =	vst v1  }
0x192: {  	v1 =	vld [tilespmem:s19+$0x4780];
	_ =	sdelay $0x7  }
0x193: {  	v1 =	vld.idx.msk [tilespmem:v1+s30+$0x0], $0xffff;
	_ =	sdelay $0x4  }
0x194: {  	[tilespmem:s19+$0x9600] =	vst v1  }
0x195: {  	v1 =	vld [tilespmem:s22+$0x4790];
	_ =	sdelay $0x7  }
0x196: {  	v1 =	vld.idx.msk [tilespmem:v1+s30+$0x0], $0xffff;
	_ =	sdelay $0x4  }
0x197: {  	s23 =	simm.s32 $0x95D0;
	[tilespmem:s22+$0x9610] =	vst v1;
	s22 =	rddreg [dreg:$0x16]  }
0x198: {  	[hbm4b:s22+s3] =	stream.linear.scatter [tilespmem:s23], [sflag:$0x14], $0x7D0, $0x38;
	[tilespmem:$0x9E00] =	vst v63  }
0x199: {  	_ =	swait.ge [sflag:s7], $0x7D0  }
0x19a: {  	[sflag:s7] =	ssyncset.done $0x0  }
0x19b: {  	[sflag:s7] =	ssyncadd.s32 $0xFFFFF830  }
0x19c: {  	_ =	swait.ge [sflag:s8], $0x7D0  }
0x19d: {  	[sflag:s8] =	ssyncset.done $0x0  }
0x19e: {  	[sflag:s8] =	ssyncadd.s32 $0xFFFFF830  }
0x19f: {  	_ =	swait.ge [sflag:s9], $0x7D0  }
0x1a0: {  	[sflag:s9] =	ssyncset.done $0x0  }
0x1a1: {  	[sflag:s9] =	ssyncadd.s32 $0xFFFFF830  }
0x1a2: {  	_ =	swait.ge [sflag:s10], $0x7D0  }
0x1a3: {  	[sflag:s10] =	ssyncset.done $0x0  }
0x1a4: {  	[sflag:s10] =	ssyncadd.s32 $0xFFFFF830  }
0x1a5: {  	_ =	swait.ge [sflag:s11], $0x7D0  }
0x1a6: {  	[sflag:s11] =	ssyncset.done $0x0  }
0x1a7: {  	[sflag:s11] =	ssyncadd.s32 $0xFFFFF830  }
0x1a8: {  	_ =	swait.ge [sflag:s12], $0x7D0  }
0x1a9: {  	[sflag:s12] =	ssyncset.done $0x0  }
0x1aa: {  	[sflag:s12] =	ssyncadd.s32 $0xFFFFF830  }
0x1ab: {  	_ =	swait.ge [sflag:s13], $0x7D0  }
0x1ac: {  	[sflag:s13] =	ssyncset.done $0x0  }
0x1ad: {  	[sflag:s13] =	ssyncadd.s32 $0xFFFFF830  }
0x1ae: {  	_ =	swait.ge [sflag:s15], $0x7D0  }
0x1af: {  	[sflag:s15] =	ssyncset.done $0x0  }
0x1b0: {  	s18 =	sadd.s32 $0x1, s18;
	[sflag:s15] =	ssyncadd.s32 $0xFFFFF830  }
0x1b1: {  	p0 =	sne.s32 s18, s24;
	_ =	swait.ge [sflag:s16], $0x7D0  }
.Ltmp10:
0x1b2: {  	[sflag:s16] =	ssyncset.done $0x0;
	(pc) =	sbr.rel @p0 .LBB2_1-.Ltmp10, $4  }
0x1b3: {  	[sflag:s16] =	ssyncadd.s32 $0xFFFFF830  }
0x1b4: {  	_ =	swait.ge [sflag:s17], $0x7D0  }
0x1b5: {  	[sflag:s17] =	ssyncset.done $0x0  }
0x1b6: {  	[sflag:s17] =	ssyncadd.s32 $0xFFFFF830  }
0x1b7: {  	_ =	sfence.sel $0x180000  }
0x1b8: {  	[bflag:$0x0] =	sbarrier.arrive $0xFFFF  }
0x1b9: {  	_ =	strace $0x9000004A  }
0x1ba: {  	s0 =	stileid.u32;
	[bflag:$0x2] =	sbarrier.arrive $0xFFFF  }
0x1bb: {  	p0 =	sne.s32 s0, $0x0;
	s0 =	rddreg [dreg:$0x3]  }
0x1bc: {  	s0 =	sadd.s32 @!p0 $0x100000, s0  }
0x1bd: {  	[sflag:s0] =	ssyncadd.tile.s32 @!p0 $0x1;
	_ =	shalt  }
.Lfunc_end2:
_tile_overlayer_lowered:
.L_overlay_start_2:
0x1be: {  	(tag) =	ssettag $0x2  }
0x1bf: {  	s0 =	rddreg [dreg:$0x0];
	s2 =	stileid.u32  }
0x1c0: {  	s1 =	rddreg [dreg:$0x1];
	p0 =	sne.s32 s2, $0x0  }
0x1c1: {  	s3 =	rddreg [dreg:$0x2];
	[bflag:$0x3] =	sbarrier.arrive $0xFFFF;
	s2 =	simm.s32 @!p0 $0x1C15  }
0x1c2: {  	[timem:s3], [sflag:s2] =	dma.local @!p0 [hbm:s0], s1  }
0x1c3: {  	s0 =	simm.s32 @!p0 $0x15  }
0x1c4: {  	_ =	swait.ge @!p0 [sflag:s0], s1  }
0x1c5: {  	s1 =	ssub.s32 @!p0 $0x0, s1;
	[sflag:s0] =	ssyncset.done @!p0 $0x0  }
0x1c6: {  	[sflag:s0] =	ssyncadd.s32 @!p0 s1  }
0x1c7: {  	[bflag:$0x3] =	sbarrier.arrive $0xFFFF  }
0x1c8: {  	_ =	shalt  }

// kernel: kernel.7.cloned.1.call-start
scs
__scs_entry_jumppad:
0x0: {  	(pc) =	sbr.rel $0x88, $3  }
0x1: {  	(tag) =	ssettag $0x0;
	lr =	simm.s32 $0x1  }
0x2: {  	[smem:$0x3F9E] =	sst lr;
	_ =	strace $0xD0000000  }
0x3: {  	_ = 	snop  }
0x4: {  	_ = 	snop  }
0x5: {  	_ = 	snop  }
0x6: {  	_ = 	snop  }
0x7: {  	_ = 	snop  }
__scs_overlays_trampoline_lowered:
0x8: {  	[smem:$0x3FAD] =	sst s0  }
0x9: {  	[smem:$0x3FAE] =	sst s1  }
0xa: {  	[smem:$0x3FAF] =	sst s2  }
0xb: {  	[smem:$0x3FB0] =	sst s3  }
0xc: {  	[smem:$0x3FB1] =	sst s4  }
0xd: {  	[smem:$0x3FB2] =	sst s5  }
0xe: {  	[smem:$0x3FB3] =	sst s6  }
0xf: {  	[smem:$0x3FB4] =	sst s7  }
0x10: {  	[smem:$0x3FB5] =	sst s8  }
0x11: {  	[smem:$0x3FB6] =	sst s9;
	s0 =	simm.s32 @!p0 $0x0  }
0x12: {  	s1 =	sld [smem:$0x3F9C];
	s0 =	simm.s32 @p0 $0x1  }
0x13: {  	[smem:$0x3FB7] =	sst s0;
	s0 =	simm.s32 @!p1 $0x0  }
0x14: {  	s2 =	sld [smem:$0x3F9B];
	s0 =	simm.s32 @p1 $0x1  }
0x15: {  	[smem:$0x3FB8] =	sst s0;
	s0 =	simm.s32 @!p2 $0x0  }
0x16: {  	s3 =	sld [smem:$0x3FDB];
	s0 =	simm.s32 @p2 $0x1  }
0x17: {  	s4 =	simm.s32 $0x1BF5;
	[smem:$0x3FBA] =	sst s0  }
0x18: {  	s0 =	sld [smem:$0x3F9D];
	_ =	swait.ge [sflag:s4], $0x0  }
0x19: {  	s7 =	sld [smem:$0x3F9E]  }
0x1a: {  	s8 =	sadd.s32 $0xFFFFE003, lr  }
0x1b: {  	s9 =	sadd.s32 $0xFFFFFEF7, lr;
	s5 =	simm.s32 $0xFFFFFFFF;
	p2 =	slt.u32 s8, $0xFFFFF086  }
0x1c: {  	p1 =	slt.u32 s9, $0xF7A;
	s5 =	simm.s32 @!p2 $0x0  }
0x1d: {  	s5 =	simm.s32 @p1 $0x1;
	p0 =	seq.s32 s7, s2  }
0x1e: {  	s7 =	smul.u32 @!p0 $0xF7A, s2;
	p2 =	seq.s32 @!p0 s5, $0x0  }
0x1f: {  	s9 =	smul.u32 $0xF7A, s1;
	s8 =	simm.s32 @!p0 $0x1BF5;
	p2 =	por !p2, p0  }
0x20: {  	[sflag:s8] =	ssyncset.s32 @!p0 $0xFFFFF086;
	s6 =	sadd.s32 @!p0 s3, s7;
	s7 =	simm.s32 @!p0 $0x108  }
0x21: {  	s3 =	sadd.s32 s3, s9;
	s6 =	sadd.s32 @!p0 $0x88, s6;
	s7 =	simm.s32 @p2 $0x1082  }
0x22: {  	[simem:s7], [sflag:s8] =	dma.local @!p0 [hbm:s6], $0xF7A  }
0x23: {  	s9 =	sor.u32 $0xD0000000, s2;
	s6 =	simm.s32 $0x108;
	_ =	swait.ge @!p0 [sflag:s8], $0x0  }
0x24: {  	s3 =	sadd.s32 $0x88, s3;
	s6 =	simm.s32 @!p1 $0x1082;
	[sflag:s4] =	ssyncset.s32 $0xFFFFF086  }
0x25: {  	[simem:s6], [sflag:s4] =	dma.local [hbm:s3], $0xF7A  }
0x26: {  	[smem:$0x3F9E] =	sst s1;
	(tag) =	ssettag s2;
	_ =	strace s9  }
0x27: {  	s1 =	sld [smem:$0x3FAE]  }
0x28: {  	s2 =	sld [smem:$0x3FAF]  }
0x29: {  	s4 =	sld [smem:$0x3FB1]  }
0x2a: {  	p0 =	seq.s32 s5, $0x0;
	s5 =	sld [smem:$0x3FB2]  }
0x2b: {  	s6 =	sld [smem:$0x3FB3]  }
0x2c: {  	s7 =	sld [smem:$0x3FB4]  }
0x2d: {  	s3 =	simm.s32 $0x108;
	s8 =	sld [smem:$0x3FB5]  }
0x2e: {  	s3 =	simm.s32 @!p0 $0x1082;
	s9 =	sld [smem:$0x3FB6]  }
0x2f: {  	lr =	sadd.s32 s0, s3;
	s0 =	sld [smem:$0x3FAD]  }
0x30: {  	s3 =	sld [smem:$0x3FB0]  }
0x31: {  	[smem:$0x3FB9] =	sst s10  }
0x32: {  	s10 =	sld [smem:$0x3FB7];
	_ =	sdelay $0x3  }
0x33: {  	p0 =	seq.s32 s10, $0x1;
	s10 =	sld [smem:$0x3FB9];
	_ =	sdelay $0x3  }
0x34: {  	[smem:$0x3FB9] =	sst s10  }
0x35: {  	s10 =	sld [smem:$0x3FB8];
	_ =	sdelay $0x3  }
0x36: {  	p1 =	seq.s32 s10, $0x1;
	s10 =	sld [smem:$0x3FB9];
	_ =	sdelay $0x3  }
0x37: {  	[smem:$0x3FB9] =	sst s10  }
0x38: {  	s10 =	sld [smem:$0x3FBA]  }
0x39: {  	_ = 	snop;
	(pc) =	sbr.ind lr, $3  }
0x3a: {  	_ = 	snop  }
0x3b: {  	_ = 	snop  }
0x3c: {  	p2 =	seq.s32 s10, $0x1;
	s10 =	sld [smem:$0x3FB9]  }
0x3d: {  	_ =	shalt  }
0x3e: {  	_ =	shalt  }
0x3f: {  	_ =	shalt  }
0x40: {  	_ =	shalt  }
0x41: {  	_ =	shalt  }
0x42: {  	_ =	shalt  }
0x43: {  	_ =	shalt  }
0x44: {  	_ =	shalt  }
0x45: {  	_ =	shalt  }
0x46: {  	_ =	shalt  }
0x47: {  	_ =	shalt  }
0x48: {  	_ =	shalt  }
0x49: {  	_ =	shalt  }
0x4a: {  	_ =	shalt  }
0x4b: {  	_ =	shalt  }
0x4c: {  	_ =	shalt  }
0x4d: {  	_ =	shalt  }
0x4e: {  	_ =	shalt  }
0x4f: {  	_ =	shalt  }
0x50: {  	_ =	shalt  }
0x51: {  	_ =	shalt  }
0x52: {  	_ =	shalt  }
0x53: {  	_ =	shalt  }
0x54: {  	_ =	shalt  }
0x55: {  	_ =	shalt  }
0x56: {  	_ =	shalt  }
0x57: {  	_ =	shalt  }
0x58: {  	_ =	shalt  }
0x59: {  	_ =	shalt  }
0x5a: {  	_ =	shalt  }
0x5b: {  	_ =	shalt  }
0x5c: {  	_ =	shalt  }
0x5d: {  	_ =	shalt  }
0x5e: {  	_ =	shalt  }
0x5f: {  	_ =	shalt  }
0x60: {  	_ =	shalt  }
0x61: {  	_ =	shalt  }
0x62: {  	_ =	shalt  }
0x63: {  	_ =	shalt  }
0x64: {  	_ =	shalt  }
0x65: {  	_ =	shalt  }
0x66: {  	_ =	shalt  }
0x67: {  	_ =	shalt  }
0x68: {  	_ =	shalt  }
0x69: {  	_ =	shalt  }
0x6a: {  	_ =	shalt  }
0x6b: {  	_ =	shalt  }
0x6c: {  	_ =	shalt  }
0x6d: {  	_ =	shalt  }
0x6e: {  	_ =	shalt  }
0x6f: {  	_ =	shalt  }
0x70: {  	_ =	shalt  }
0x71: {  	_ =	shalt  }
0x72: {  	_ =	shalt  }
0x73: {  	_ =	shalt  }
0x74: {  	_ =	shalt  }
0x75: {  	_ =	shalt  }
0x76: {  	_ =	shalt  }
0x77: {  	_ =	shalt  }
0x78: {  	_ =	shalt  }
0x79: {  	_ =	shalt  }
0x7a: {  	_ =	shalt  }
0x7b: {  	_ =	shalt  }
0x7c: {  	_ =	shalt  }
0x7d: {  	_ =	shalt  }
0x7e: {  	_ =	shalt  }
0x7f: {  	_ =	shalt  }
0x80: {  	_ =	shalt  }
0x81: {  	_ =	shalt  }
0x82: {  	_ =	shalt  }
0x83: {  	_ =	shalt  }
0x84: {  	_ =	shalt  }
0x85: {  	_ =	shalt  }
0x86: {  	_ =	shalt  }
0x87: {  	_ =	shalt  }
.Lfunc_end0:
.L_simem_size_0:
called_computation_lowered:
.L_overlay_start_0:
0x88: {  	s2 =	sld [smem:$0x3FD9]  }
0x89: {  	s3 =	sld [smem:$0x3FFE];
	_ =	sdelay $0x1  }
0x8a: {  	s1 =	srdreg.scid  }
0x8b: {  	s0 =	sand.u32 $0x1, s1  }
0x8c: {  	s15 =	sshll.u32 s0, $0xA;
	s2 =	sadd.s32 s3, s2  }
0x8d: {  	s2 =	sadd.s32 s2, s15  }
0x8e: {  	[smem:$0x3FC5] =	sst s2  }
0x8f: {  	_ = 	snop  }
0x90: {  	s2 =	sld [smem:$0x3FD0];
	_ =	sdelay $0x1  }
0x91: {  	s16 =	sld [smem:$0x3FC8]  }
0x92: {  	s5 =	simm.s32 $0xB;
	s6 =	simm.s32 $0x10;
	s4 =	sld [smem:$0x3FC7]  }
0x93: {  	[smem:s6], [sflag:s5] =	dma.local [hbm:s2], $0x1  }
0x94: {  	_ =	swait.eq [sflag:s5], $0x1  }
0x95: {  	[sflag:s5] =	ssyncset.done $0x0  }
0x96: {  	[sflag:s5] =	ssyncadd.s32 $0xFFFFFFFF  }
0x97: {  	s17 =	sld [smem:$0x11];
	(tm) =	ssettm $0x1  }
0x98: {  	s18 =	sld [smem:$0x3FFB];
	_ =	sdelay $0x3  }
0x99: {  	_ =	strace s18  }
0x9a: {  	s5 =	sld [smem:$0x3FFC];
	_ =	sdelay $0x3  }
0x9b: {  	_ =	strace s5  }
0x9c: {  	s5 =	sld [smem:$0x3FFD];
	_ =	sdelay $0x3  }
0x9d: {  	_ =	strace s5  }
0x9e: {  	_ =	strace $0x8FFFFFFF  }
0x9f: {  	s19 =	sld [smem:$0x3FDB];
	_ =	sdelay $0x1  }
0xa0: {  	s20 =	simm.s32 $_scs_section_size  }
0xa1: {  	s7 =	simm.s32 $_size__tile_overlayer_lowered;
	s8 =	simm.s32 $_tile_overlayer_lowered  }
0xa2: {  	s23 =	simm.s32 $0x1BFF;
	s22 =	sshll.u32 s8, $0x1;
	s5 =	sadd.s32 s20, s19  }
0xa3: {  	s9 =	simm.s32 $0x0;
	s21 =	sshll.u32 s7, $0x1;
	s7 =	sadd.s32 s22, s5  }
0xa4: {  	[timem:s9], [sflag:s23] =	dma.local [hbm:s7], s21  }
0xa5: {  	_ =	swait.ge [sflag:s23], s21  }
0xa6: {  	s6 =	ssub.s32 $0x0, s21;
	[sflag:s23] =	ssyncset.done $0x0  }
0xa7: {  	[sflag:s23] =	ssyncadd.s32 s6;
	_ =	sdelay $0x1  }
0xa8: {  	s24 =	simm.s32 $0x1B8B  }
0xa9: {  	_ =	swait.ge [sflag:s24], $0x1  }
0xaa: {  	[sflag:s24] =	ssyncset.done $0x0  }
0xab: {  	s25 =	simm.s32 $0x1B8E;
	[sflag:s24] =	ssyncadd.s32 $0xFFFFFFFF  }
0xac: {  	s26 =	simm.s32 $execute0_lowered;
	[smem:$0x3FD2] =	sst s25  }
0xad: {  	s6 =	sshll.u32 s26, $0x1;
	_ =	strace $0x80000046;
	[dreg:$0x1] =	wrdreg $0xFFFFFFFF  }
0xae: {  	s28 =	simm.s32 $_size_execute0_lowered;
	s5 =	sadd.s32 s5, s6;
	[dreg:$0x0] =	wrdreg $0x0  }
0xaf: {  	s6 =	sshll.u32 s28, $0x1;
	[dreg:$0x2] =	wrdreg s5  }
0xb0: {  	[dreg:$0x3] =	wrdreg s6  }
0xb1: {  	[dreg:$0x4] =	wrdreg $0xC0  }
0xb2: {  	_ =	task [dreg:s9], $0x5FFFF  }
0xb3: {  	[dreg:$0x1] =	wrdreg $0xFFFFFFFF  }
0xb4: {  	[dreg:$0x0] =	wrdreg $0x60  }
0xb5: {  	[dreg:$0x2] =	wrdreg s16  }
0xb6: {  	[dreg:$0x3] =	wrdreg s4  }
0xb7: {  	[dreg:$0x4] =	wrdreg s17  }
0xb8: {  	[dreg:$0x5] =	wrdreg $0x9  }
0xb9: {  	_ =	task.clear_ibuf [dreg:s9], $0x6FFFF;
	_ =	strace $0x90000046  }
0xba: {  	s29 =	simm.s32 $0x9;
	_ =	strace $0x80000048  }
0xbb: {  	_ =	swait.ge [sflag:s29], $0x1  }
0xbc: {  	[sflag:s29] =	ssyncadd.s32 $0xFFFFFFFF  }
0xbd: {  	_ =	strace $0x90000048  }
0xbe: {  	_ =	sfence  }
0xbf: {  	s30 =	sld [smem:$0x0];
	_ =	sdelay $0x2  }
0xc0: {  	s31 =	sshll.u32 s1, $0xD;
	s1 =	sshrl.u32 s1, $0x2  }
0xc1: {  	s3 =	sand.u32 $0x4000, s31;
	s1 =	sadd.s32 s1, s30  }
0xc2: {  	s0 =	sor.u32 s3, s0;
	s1 =	sshll.u32 s1, $0x11  }
0xc3: {  	s0 =	sor.u32 s1, s0  }
0xc4: {  	s0 =	sadd.s32 $0x8F2B, s0  }
0xc5: {  	[sflag:s0] =	ssyncadd.remote.s32 $0x1  }
0xc6: {  	_ =	sfence.sel $0xFFFF  }
0xc7: {  	[dreg:$0x0] =	wrdreg $0xFFFFFFFF;
	(pc) =	sbr.abs _section_cstart, $3  }
0xc8: {  	[dreg:$0x1] =	wrdreg $0xFFFFFFFF  }
0xc9: {  	_ =	task.clear_ibuf [dreg:s9], $0x2FFFF;
	_ =	strace $0x9FFFFFFF  }
0xca: {  	(tm) =	ssettm $0x7FFFFFFF  }
0xcb: {  	_ =	shalt  }
tec
execute0_lowered:
.L_overlay_start_1:
0x0: {  	(tag) =	ssettag $0x1  }
0x1: {  	s0 =	rddreg [dreg:$0x0]  }
0x2: {  	s1 =	srdreg.scid;
	s3 =	stileid.u32  }
0x3: {  	s2 =	rddreg [dreg:$0x2];
	s17 =	simm.s32 $0xD;
	s24 =	simm.s32 $0x1  }
0x4: {  	s28 =	simm.s32 $0x2;
	s30 =	simm.s32 $0x3;
	s19 =	simm.s32 $0x6  }
0x5: {  	s21 =	simm.s32 $0x7;
	s1 =	sand.u32 $0x1, s1;
	s3 =	sshll.u32 s3, $0x1  }
0x6: {  	s22 =	simm.s32 $0x8;
	s23 =	simm.s32 $0x9;
	s4 =	sor.u32 s1, s3  }
0x7: {  	s29 =	simm.s32 $0xB;
	s3 =	simm.s32 $0x0;
	s5 =	smul.u32 $0x7D0, s4  }
0x8: {  	s1 =	ssub.s32 $0x2, s1;
	[smem:$0x7FF] =	sst s3;
	s4 =	smul.u32 $0xFA, s4  }
0x9: {  	s31 =	simm.s32 $0xC;
	s6 =	sshrl.u32 s1, $0x1;
	_ =	strace $0x80000047  }
0xa: {  	s1 =	ssub.s32 s1, s6;
	s8 =	sshrl.u32 s5, $0x3;
	s25 =	sadd.s32 s0, s4  }
0xb: {  	s10 =	sadd.s32 s2, s4;
	s16 =	smax.u32 s1, $0x1;
	s1 =	simm.s32 $0x4  }
0xc: {  	[dreg:$0x4] =	wrdreg s25;
	s11 =	sadd.s32 $0x1F40, s8;
	s12 =	sadd.s32 $0x3E80, s8  }
0xd: {  	s13 =	sadd.s32 $0x5DC0, s8;
	s14 =	sadd.s32 $0x7D00, s8;
	s15 =	sadd.s32 $0x9C40, s8  }
0xe: {  	s25 =	simm.s32 $0x80;
	s26 =	sadd.s32 s0, s11;
	s6 =	sadd.s32 s0, s12  }
0xf: {  	s7 =	sadd.s32 s0, s13;
	s8 =	sadd.s32 s0, s14;
	s9 =	sadd.s32 s0, s15  }
0x10: {  	s11 =	sadd.s32 s2, s11;
	s12 =	sadd.s32 s2, s12;
	s13 =	sadd.s32 s2, s13  }
0x11: {  	s14 =	sadd.s32 s2, s14;
	s15 =	sadd.s32 s2, s15;
	s2 =	simm.s32 $0x5  }
0x12: {  	v0 =	vimm.f32 $1.000000000e+00;
	s0 =	simm.s32 $0x0;
	[dreg:$0x5] =	wrdreg s26;
	s26 =	simm.s32 $0xA  }
.LBB2_1:
0x13: {  	[tilespmem:$0x60] =	vst v0;
	s4 =	rddreg [dreg:$0x1]  }
0x14: {  	[tilespmem:s3], [sflag:$0xD] =	stream.linear.gather [hbm4b:s4+s3], $0x64, $0x38;
	[tilespmem:$0x5F00] =	vst v63  }
0x15: {  	_ =	swait.ge [sflag:s17], $0x64  }
0x16: {  	[sflag:s17] =	ssyncset.done $0x0  }
0x17: {  	[sflag:s17] =	ssyncadd.s32 $0xFFFFFF9C  }
0x18: {  	v1 =	vld [tilespmem:$0x0]  }
0x19: {  	v2 =	vld [tilespmem:$0x10]  }
0x1a: {  	v3 =	vld [tilespmem:$0x20]  }
0x1b: {  	v4 =	vld [tilespmem:$0x30]  }
0x1c: {  	v5 =	vld [tilespmem:$0x40]  }
0x1d: {  	(erf) = vrcp.f32 v1;
	v1 =	vld [tilespmem:$0x50]  }
0x1e: {  	(erf) = vrcp.f32 v2;
	v2 =	vld [tilespmem:$0x60]  }
0x1f: {  	(erf) = vrcp.f32 v3  }
0x20: {  	(erf) = vrcp.f32 v4  }
0x21: {  	(erf) = vrcp.f32 v5  }
0x22: {  	(erf) = vrcp.f32 v1  }
0x23: {  	(erf) = vrcp.f32 v2;
	_ =	sdelay $0x2  }
0x24: {  	v1 =	vpop (erf)  }
0x25: {  	v2 =	vpop (erf);
	v1 =	vmul.f32 $2.455673740e-02, v1  }
0x26: {  	v3 =	vpop (erf);
	v2 =	vmul.f32 $2.455673740e-02, v2  }
0x27: {  	v4 =	vpop (erf);
	[tilespmem:$0x80] =	vst v1;
	v1 =	vmul.f32 $2.455673740e-02, v3  }
0x28: {  	v3 =	vpop (erf);
	[tilespmem:$0x90] =	vst v2;
	v2 =	vmul.f32 $2.455673740e-02, v4  }
0x29: {  	v63 =	vpop (erf);
	[tilespmem:$0xA0] =	vst v1;
	v1 =	vmul.f32 $2.455673740e-02, v3  }
0x2a: {  	[tilespmem:$0xB0] =	vst v2;
	v2 =	vmul.f32 $2.455673740e-02, v63;
	v3 =	vpop (erf)  }
0x2b: {  	[tilespmem:$0xC0] =	vst v1;
	v1 =	vmul.f32 $2.455673740e-02, v3  }
0x2c: {  	[tilespmem:$0xD0] =	vst v2  }
0x2d: {  	s5 =	simm.s32 $0x100;
	s20 =	rddreg [dreg:$0x4];
	[tilespmem:$0xE0] =	vst v1  }
0x2e: {  	[tilespmem:s5], [sflag:$0x1] =	stream.linear.gather [hbm4b:s20+s3], $0x7D0, $0x38;
	[tilespmem:$0x5F00] =	vst v63  }
0x2f: {  	s18 =	simm.s32 $0x8D0;
	s5 =	rddreg [dreg:$0x5]  }
0x30: {  	[tilespmem:s18], [sflag:$0x2] =	stream.linear.gather [hbm4b:s5+s3], $0x7D0, $0x38;
	[tilespmem:$0x5F00] =	vst v63  }
0x31: {  	s20 =	simm.s32 $0x10A0  }
0x32: {  	[tilespmem:s20], [sflag:$0x3] =	stream.linear.gather [hbm4b:s6+s3], $0x7D0, $0x38;
	[tilespmem:$0x5F00] =	vst v63  }
0x33: {  	s5 =	simm.s32 $0x1870  }
0x34: {  	[tilespmem:s5], [sflag:$0x4] =	stream.linear.gather [hbm4b:s7+s3], $0x7D0, $0x38;
	[tilespmem:$0x5F00] =	vst v63  }
0x35: {  	s18 =	simm.s32 $0x2040  }
0x36: {  	[tilespmem:s18], [sflag:$0x5] =	stream.linear.gather [hbm4b:s8+s3], $0x7D0, $0x38;
	[tilespmem:$0x5F00] =	vst v63  }
0x37: {  	s20 =	simm.s32 $0x2810  }
0x38: {  	[tilespmem:s20], [sflag:$0x6] =	stream.linear.gather [hbm4b:s9+s3], $0x7D0, $0x38;
	[tilespmem:$0x5F00] =	vst v63  }
0x39: {  	_ =	swait.ge [sflag:s24], $0x7D0  }
0x3a: {  	[sflag:s24] =	ssyncset.done $0x0  }
0x3b: {  	s18 =	simm.s32 $0x0;
	[sflag:s24] =	ssyncadd.s32 $0xFFFFF830  }
0x3c: {  	v1 =	vld [tilespmem:s18+$0x100];
	_ =	sdelay $0x6  }
0x3d: {  	v2 =	vld [tilespmem:s18+$0x110]  }
0x3e: {  	v1 =	vld.idx.msk [tilespmem:v1+s25+$0x0], $0xffff;
	_ =	sdelay $0x4  }
0x3f: {  	[tilespmem:s18+$0x3000] =	vst v1;
	v1 =	vld [tilespmem:s18+$0x120];
	_ =	sdelay $0x1  }
0x40: {  	v2 =	vld.idx.msk [tilespmem:v2+s25+$0x0], $0xffff;
	_ =	sdelay $0x4  }
0x41: {  	[tilespmem:s18+$0x3010] =	vst v2;
	v2 =	vld [tilespmem:s18+$0x130]  }
0x42: {  	v1 =	vld.idx.msk [tilespmem:v1+s25+$0x0], $0xffff;
	_ =	sdelay $0x4  }
0x43: {  	[tilespmem:s18+$0x3020] =	vst v1;
	v1 =	vld [tilespmem:s18+$0x140];
	_ =	sdelay $0x1  }
0x44: {  	v2 =	vld.idx.msk [tilespmem:v2+s25+$0x0], $0xffff;
	_ =	sdelay $0x3  }
0x45: {  	s4 =	simm.s32 $0x50;
	s20 =	simm.s32 $0x280  }
.LBB2_2:
0x46: {  	p0 =	sne.s32 s20, $0x1E00;
	v3 =	vld [tilespmem:s4+$0x100];
	[tilespmem:s18+$0x3030] =	vst v2  }
0x47: {  	v1 =	vld.idx.msk [tilespmem:v1+s25+$0x0], $0xffff;
	_ =	sdelay $0x5  }
0x48: {  	v2 =	vld [tilespmem:s4+$0x110];
	[tilespmem:s18+$0x3040] =	vst v1;
	s18 =	smov.u32 s4  }
0x49: {  	v1 =	vld.idx.msk [tilespmem:v3+s25+$0x0], $0xffff;
	_ =	sdelay $0x5  }
0x4a: {  	[tilespmem:s18+$0x3000] =	vst v1;
	v1 =	vld [tilespmem:s18+$0x120]  }
0x4b: {  	v2 =	vld.idx.msk [tilespmem:v2+s25+$0x0], $0xffff;
	_ =	sdelay $0x5  }
0x4c: {  	[tilespmem:s18+$0x3010] =	vst v2;
	v2 =	vld [tilespmem:s18+$0x130]  }
0x4d: {  	v1 =	vld.idx.msk [tilespmem:v1+s25+$0x0], $0xffff;
	_ =	sdelay $0x5  }
0x4e: {  	[tilespmem:s18+$0x3020] =	vst v1;
	v1 =	vld [tilespmem:s18+$0x140]  }
0x4f: {  	v2 =	vld.idx.msk [tilespmem:v2+s25+$0x0], $0xffff  }
.Ltmp0:
0x50: {  	(pc) =	sbr.rel @p0 .LBB2_2-.Ltmp0, $2  }
0x51: {  	_ =	sdelay $0x2  }
0x52: {  	s4 =	sshra.s32 s20, $0x2;
	s20 =	sadd.s32 $0x140, s20  }
0x53: {  	_ =	sdelay $0x1  }
0x54: {  	v3 =	vld [tilespmem:s4+$0x100]  }
0x55: {  	[tilespmem:s18+$0x3030] =	vst v2  }
0x56: {  	v1 =	vld.idx.msk [tilespmem:v1+s25+$0x0], $0xffff;
	_ =	sdelay $0x4  }
0x57: {  	v2 =	vld [tilespmem:s4+$0x110];
	[tilespmem:s18+$0x3040] =	vst v1  }
0x58: {  	v1 =	vld.idx.msk [tilespmem:v3+s25+$0x0], $0xffff;
	_ =	sdelay $0x4  }
0x59: {  	[tilespmem:s4+$0x3000] =	vst v1;
	v1 =	vld [tilespmem:s4+$0x120];
	_ =	sdelay $0x1  }
0x5a: {  	v2 =	vld.idx.msk [tilespmem:v2+s25+$0x0], $0xffff;
	_ =	sdelay $0x4  }
0x5b: {  	[tilespmem:s4+$0x3010] =	vst v2;
	v2 =	vld [tilespmem:s4+$0x130]  }
0x5c: {  	v1 =	vld.idx.msk [tilespmem:v1+s25+$0x0], $0xffff;
	_ =	sdelay $0x4  }
0x5d: {  	[tilespmem:s4+$0x3020] =	vst v1;
	v1 =	vld [tilespmem:s4+$0x140];
	_ =	sdelay $0x1  }
0x5e: {  	v2 =	vld.idx.msk [tilespmem:v2+s25+$0x0], $0xffff;
	_ =	sdelay $0x4  }
0x5f: {  	[tilespmem:s4+$0x3030] =	vst v2  }
0x60: {  	v1 =	vld.idx.msk [tilespmem:v1+s25+$0x0], $0xffff;
	_ =	sdelay $0x4  }
0x61: {  	s5 =	simm.s32 $0x3000;
	[tilespmem:s4+$0x3040] =	vst v1;
	s4 =	simm.s32 $0x0  }
0x62: {  	[hbm4b:s10+s4] =	stream.linear.scatter [tilespmem:s5], [sflag:$0x7], $0x7D0, $0x38;
	[tilespmem:$0x5F00] =	vst v63  }
0x63: {  	_ =	swait.ge [sflag:s28], $0x7D0  }
0x64: {  	[sflag:s28] =	ssyncset.done $0x0  }
0x65: {  	s20 =	simm.s32 $0x3810;
	s18 =	simm.s32 $0x910;
	[sflag:s28] =	ssyncadd.s32 $0xFFFFF830  }
.LBB2_4:
0x66: {  	v1 =	vld [tilespmem:s18+$0xFFFFFFC0];
	_ =	sdelay $0x7  }
0x67: {  	v1 =	vld.idx.msk [tilespmem:v1+s25+$0x0], $0xffff;
	_ =	sdelay $0x4  }
0x68: {  	[tilespmem:s20+$0xFFFFFFC0] =	vst v1  }
0x69: {  	v1 =	vld [tilespmem:s18+$0xFFFFFFD0];
	_ =	sdelay $0x7  }
0x6a: {  	v1 =	vld.idx.msk [tilespmem:v1+s25+$0x0], $0xffff;
	_ =	sdelay $0x4  }
0x6b: {  	[tilespmem:s20+$0xFFFFFFD0] =	vst v1  }
0x6c: {  	v1 =	vld [tilespmem:s18+$0xFFFFFFE0];
	_ =	sdelay $0x7  }
0x6d: {  	v1 =	vld.idx.msk [tilespmem:v1+s25+$0x0], $0xffff;
	_ =	sdelay $0x4  }
0x6e: {  	s5 =	sand.u32 $0xFF0, s4;
	[tilespmem:s20+$0xFFFFFFE0] =	vst v1  }
0x6f: {  	v1 =	vld [tilespmem:s5+$0x900];
	_ =	sdelay $0x7  }
0x70: {  	v1 =	vld.idx.msk [tilespmem:v1+s25+$0x0], $0xffff;
	_ =	sdelay $0x4  }
0x71: {  	[tilespmem:s5+$0x3800] =	vst v1  }
0x72: {  	v1 =	vld [tilespmem:s18+$0x0];
	_ =	sdelay $0x7  }
0x73: {  	p0 =	sne.s32 s4, $0x780;
	v1 =	vld.idx.msk [tilespmem:v1+s25+$0x0], $0xffff  }
.Ltmp1:
0x74: {  	_ = 	snop;
	(pc) =	sbr.rel @p0 .LBB2_4-.Ltmp1, $2  }
0x75: {  	_ =	sdelay $0x2  }
0x76: {  	s4 =	sadd.s32 $0x50, s4;
	s18 =	sadd.s32 $0x50, s18;
	[tilespmem:s20+$0x0] =	vst v1;
	s20 =	sadd.s32 $0x50, s20  }
0x77: {  	s4 =	simm.s32 $0x0;
	s5 =	simm.s32 $0x37D0  }
0x78: {  	[hbm4b:s11+s4] =	stream.linear.scatter [tilespmem:s5], [sflag:$0x8], $0x7D0, $0x38;
	[tilespmem:$0x5F00] =	vst v63  }
0x79: {  	_ =	swait.ge [sflag:s30], $0x7D0  }
0x7a: {  	[sflag:s30] =	ssyncset.done $0x0  }
0x7b: {  	s18 =	simm.s32 $0x0;
	[sflag:s30] =	ssyncadd.s32 $0xFFFFF830  }
0x7c: {  	v1 =	vld [tilespmem:s18+$0x10A0];
	_ =	sdelay $0x6  }
0x7d: {  	v2 =	vld [tilespmem:s18+$0x10B0]  }
0x7e: {  	v1 =	vld.idx.msk [tilespmem:v1+s25+$0x0], $0xffff;
	_ =	sdelay $0x4  }
0x7f: {  	[tilespmem:s18+$0x3FA0] =	vst v1;
	v1 =	vld [tilespmem:s18+$0x10C0];
	_ =	sdelay $0x1  }
0x80: {  	v2 =	vld.idx.msk [tilespmem:v2+s25+$0x0], $0xffff;
	_ =	sdelay $0x4  }
0x81: {  	[tilespmem:s18+$0x3FB0] =	vst v2;
	v2 =	vld [tilespmem:s18+$0x10D0]  }
0x82: {  	v1 =	vld.idx.msk [tilespmem:v1+s25+$0x0], $0xffff;
	_ =	sdelay $0x4  }
0x83: {  	[tilespmem:s18+$0x3FC0] =	vst v1;
	v1 =	vld [tilespmem:s18+$0x10E0];
	_ =	sdelay $0x1  }
0x84: {  	v2 =	vld.idx.msk [tilespmem:v2+s25+$0x0], $0xffff;
	_ =	sdelay $0x3  }
0x85: {  	s20 =	simm.s32 $0x280;
	s4 =	simm.s32 $0x50  }
.LBB2_6:
0x86: {  	p0 =	sne.s32 s20, $0x1E00;
	v3 =	vld [tilespmem:s4+$0x10A0];
	[tilespmem:s18+$0x3FD0] =	vst v2  }
0x87: {  	v1 =	vld.idx.msk [tilespmem:v1+s25+$0x0], $0xffff;
	_ =	sdelay $0x5  }
0x88: {  	v2 =	vld [tilespmem:s4+$0x10B0];
	[tilespmem:s18+$0x3FE0] =	vst v1;
	s18 =	smov.u32 s4  }
0x89: {  	v1 =	vld.idx.msk [tilespmem:v3+s25+$0x0], $0xffff;
	_ =	sdelay $0x5  }
0x8a: {  	[tilespmem:s18+$0x3FA0] =	vst v1;
	v1 =	vld [tilespmem:s18+$0x10C0]  }
0x8b: {  	v2 =	vld.idx.msk [tilespmem:v2+s25+$0x0], $0xffff;
	_ =	sdelay $0x5  }
0x8c: {  	[tilespmem:s18+$0x3FB0] =	vst v2;
	v2 =	vld [tilespmem:s18+$0x10D0]  }
0x8d: {  	v1 =	vld.idx.msk [tilespmem:v1+s25+$0x0], $0xffff;
	_ =	sdelay $0x5  }
0x8e: {  	[tilespmem:s18+$0x3FC0] =	vst v1;
	v1 =	vld [tilespmem:s18+$0x10E0]  }
0x8f: {  	v2 =	vld.idx.msk [tilespmem:v2+s25+$0x0], $0xffff  }
.Ltmp2:
0x90: {  	(pc) =	sbr.rel @p0 .LBB2_6-.Ltmp2, $2  }
0x91: {  	_ =	sdelay $0x2  }
0x92: {  	s4 =	sshra.s32 s20, $0x2;
	s20 =	sadd.s32 $0x140, s20  }
0x93: {  	_ =	sdelay $0x1  }
0x94: {  	v3 =	vld [tilespmem:s4+$0x10A0]  }
0x95: {  	[tilespmem:s18+$0x3FD0] =	vst v2  }
0x96: {  	v1 =	vld.idx.msk [tilespmem:v1+s25+$0x0], $0xffff;
	_ =	sdelay $0x4  }
0x97: {  	v2 =	vld [tilespmem:s4+$0x10B0];
	[tilespmem:s18+$0x3FE0] =	vst v1  }
0x98: {  	v1 =	vld.idx.msk [tilespmem:v3+s25+$0x0], $0xffff;
	_ =	sdelay $0x4  }
0x99: {  	[tilespmem:s4+$0x3FA0] =	vst v1;
	v1 =	vld [tilespmem:s4+$0x10C0];
	_ =	sdelay $0x1  }
0x9a: {  	v2 =	vld.idx.msk [tilespmem:v2+s25+$0x0], $0xffff;
	_ =	sdelay $0x4  }
0x9b: {  	[tilespmem:s4+$0x3FB0] =	vst v2;
	v2 =	vld [tilespmem:s4+$0x10D0]  }
0x9c: {  	v1 =	vld.idx.msk [tilespmem:v1+s25+$0x0], $0xffff;
	_ =	sdelay $0x4  }
0x9d: {  	[tilespmem:s4+$0x3FC0] =	vst v1;
	v1 =	vld [tilespmem:s4+$0x10E0];
	_ =	sdelay $0x1  }
0x9e: {  	v2 =	vld.idx.msk [tilespmem:v2+s25+$0x0], $0xffff;
	_ =	sdelay $0x4  }
0x9f: {  	[tilespmem:s4+$0x3FD0] =	vst v2  }
0xa0: {  	v1 =	vld.idx.msk [tilespmem:v1+s25+$0x0], $0xffff;
	_ =	sdelay $0x4  }
0xa1: {  	s5 =	simm.s32 $0x3FA0;
	[tilespmem:s4+$0x3FE0] =	vst v1;
	s4 =	simm.s32 $0x0  }
0xa2: {  	[hbm4b:s12+s4] =	stream.linear.scatter [tilespmem:s5], [sflag:$0x9], $0x7D0, $0x38;
	[tilespmem:$0x5F00] =	vst v63  }
0xa3: {  	_ =	swait.ge [sflag:s1], $0x7D0  }
0xa4: {  	[sflag:s1] =	ssyncset.done $0x0  }
0xa5: {  	s20 =	simm.s32 $0x47B0;
	s18 =	simm.s32 $0x18B0;
	[sflag:s1] =	ssyncadd.s32 $0xFFFFF830  }
.LBB2_8:
0xa6: {  	v1 =	vld [tilespmem:s18+$0xFFFFFFC0];
	_ =	sdelay $0x7  }
0xa7: {  	v1 =	vld.idx.msk [tilespmem:v1+s25+$0x0], $0xffff;
	_ =	sdelay $0x4  }
0xa8: {  	s5 =	sand.u32 $0xFF0, s4;
	[tilespmem:s20+$0xFFFFFFC0] =	vst v1  }
0xa9: {  	v1 =	vld [tilespmem:s5+$0x1880];
	_ =	sdelay $0x7  }
0xaa: {  	v1 =	vld.idx.msk [tilespmem:v1+s25+$0x0], $0xffff;
	_ =	sdelay $0x4  }
0xab: {  	[tilespmem:s5+$0x4780] =	vst v1  }
0xac: {  	v1 =	vld [tilespmem:s18+$0xFFFFFFE0];
	_ =	sdelay $0x7  }
0xad: {  	v1 =	vld.idx.msk [tilespmem:v1+s25+$0x0], $0xffff;
	_ =	sdelay $0x4  }
0xae: {  	[tilespmem:s20+$0xFFFFFFE0] =	vst v1  }
0xaf: {  	v1 =	vld [tilespmem:s18+$0xFFFFFFF0];
	_ =	sdelay $0x7  }
0xb0: {  	v1 =	vld.idx.msk [tilespmem:v1+s25+$0x0], $0xffff;
	_ =	sdelay $0x4  }
0xb1: {  	[tilespmem:s20+$0xFFFFFFF0] =	vst v1  }
0xb2: {  	v1 =	vld [tilespmem:s18+$0x0];
	_ =	sdelay $0x7  }
0xb3: {  	p0 =	sne.s32 s4, $0x780;
	v1 =	vld.idx.msk [tilespmem:v1+s25+$0x0], $0xffff  }
.Ltmp3:
0xb4: {  	_ = 	snop;
	(pc) =	sbr.rel @p0 .LBB2_8-.Ltmp3, $2  }
0xb5: {  	_ =	sdelay $0x2  }
0xb6: {  	s4 =	sadd.s32 $0x50, s4;
	s18 =	sadd.s32 $0x50, s18;
	[tilespmem:s20+$0x0] =	vst v1;
	s20 =	sadd.s32 $0x50, s20  }
0xb7: {  	s4 =	simm.s32 $0x0;
	s5 =	simm.s32 $0x4770  }
0xb8: {  	[hbm4b:s13+s4] =	stream.linear.scatter [tilespmem:s5], [sflag:$0xA], $0x7D0, $0x38;
	[tilespmem:$0x5F00] =	vst v63  }
0xb9: {  	_ =	swait.ge [sflag:s2], $0x7D0  }
0xba: {  	[sflag:s2] =	ssyncset.done $0x0  }
0xbb: {  	s18 =	simm.s32 $0x2070;
	s20 =	simm.s32 $0x4F70;
	[sflag:s2] =	ssyncadd.s32 $0xFFFFF830  }
.LBB2_10:
0xbc: {  	v1 =	vld [tilespmem:s18+$0xFFFFFFD0];
	_ =	sdelay $0x7  }
0xbd: {  	v1 =	vld.idx.msk [tilespmem:v1+s25+$0x0], $0xffff;
	_ =	sdelay $0x4  }
0xbe: {  	[tilespmem:s20+$0xFFFFFFD0] =	vst v1  }
0xbf: {  	v1 =	vld [tilespmem:s18+$0xFFFFFFE0];
	_ =	sdelay $0x7  }
0xc0: {  	v1 =	vld.idx.msk [tilespmem:v1+s25+$0x0], $0xffff;
	_ =	sdelay $0x4  }
0xc1: {  	[tilespmem:s20+$0xFFFFFFE0] =	vst v1  }
0xc2: {  	v1 =	vld [tilespmem:s18+$0xFFFFFFF0];
	_ =	sdelay $0x7  }
0xc3: {  	v1 =	vld.idx.msk [tilespmem:v1+s25+$0x0], $0xffff;
	_ =	sdelay $0x4  }
0xc4: {  	[tilespmem:s20+$0xFFFFFFF0] =	vst v1  }
0xc5: {  	v1 =	vld [tilespmem:s18+$0x0];
	_ =	sdelay $0x7  }
0xc6: {  	v1 =	vld.idx.msk [tilespmem:v1+s25+$0x0], $0xffff;
	_ =	sdelay $0x4  }
0xc7: {  	s5 =	sand.u32 $0xFF0, s4;
	[tilespmem:s20+$0x0] =	vst v1  }
0xc8: {  	v1 =	vld [tilespmem:s5+$0x2080];
	_ =	sdelay $0x7  }
0xc9: {  	p0 =	sne.s32 s4, $0x780;
	v1 =	vld.idx.msk [tilespmem:v1+s25+$0x0], $0xffff  }
.Ltmp4:
0xca: {  	_ = 	snop;
	(pc) =	sbr.rel @p0 .LBB2_10-.Ltmp4, $2  }
0xcb: {  	_ =	sdelay $0x2  }
0xcc: {  	s4 =	sadd.s32 $0x50, s4;
	s18 =	sadd.s32 $0x50, s18;
	s20 =	sadd.s32 $0x50, s20;
	[tilespmem:s5+$0x4F80] =	vst v1  }
0xcd: {  	s4 =	simm.s32 $0x0;
	s5 =	simm.s32 $0x4F40  }
0xce: {  	[hbm4b:s14+s4] =	stream.linear.scatter [tilespmem:s5], [sflag:$0xB], $0x7D0, $0x38;
	[tilespmem:$0x5F00] =	vst v63  }
0xcf: {  	_ =	swait.ge [sflag:s19], $0x7D0  }
0xd0: {  	[sflag:s19] =	ssyncset.done $0x0  }
0xd1: {  	s18 =	simm.s32 $0x0;
	[sflag:s19] =	ssyncadd.s32 $0xFFFFF830  }
0xd2: {  	v1 =	vld [tilespmem:s18+$0x2810];
	_ =	sdelay $0x6  }
0xd3: {  	v2 =	vld [tilespmem:s18+$0x2820]  }
0xd4: {  	v1 =	vld.idx.msk [tilespmem:v1+s25+$0x0], $0xffff;
	_ =	sdelay $0x4  }
0xd5: {  	[tilespmem:s18+$0x5710] =	vst v1;
	v1 =	vld [tilespmem:s18+$0x2830];
	_ =	sdelay $0x1  }
0xd6: {  	v2 =	vld.idx.msk [tilespmem:v2+s25+$0x0], $0xffff;
	_ =	sdelay $0x4  }
0xd7: {  	[tilespmem:s18+$0x5720] =	vst v2;
	v2 =	vld [tilespmem:s18+$0x2840]  }
0xd8: {  	v1 =	vld.idx.msk [tilespmem:v1+s25+$0x0], $0xffff;
	_ =	sdelay $0x4  }
0xd9: {  	[tilespmem:s18+$0x5730] =	vst v1;
	v1 =	vld [tilespmem:s18+$0x2850];
	_ =	sdelay $0x1  }
0xda: {  	v2 =	vld.idx.msk [tilespmem:v2+s25+$0x0], $0xffff;
	_ =	sdelay $0x3  }
0xdb: {  	s20 =	simm.s32 $0x280;
	s4 =	simm.s32 $0x50  }
.LBB2_12:
0xdc: {  	p0 =	sne.s32 s20, $0x1E00;
	v3 =	vld [tilespmem:s4+$0x2810];
	[tilespmem:s18+$0x5740] =	vst v2  }
0xdd: {  	v1 =	vld.idx.msk [tilespmem:v1+s25+$0x0], $0xffff;
	_ =	sdelay $0x5  }
0xde: {  	v2 =	vld [tilespmem:s4+$0x2820];
	[tilespmem:s18+$0x5750] =	vst v1;
	s18 =	smov.u32 s4  }
0xdf: {  	v1 =	vld.idx.msk [tilespmem:v3+s25+$0x0], $0xffff;
	_ =	sdelay $0x5  }
0xe0: {  	[tilespmem:s18+$0x5710] =	vst v1;
	v1 =	vld [tilespmem:s18+$0x2830]  }
0xe1: {  	v2 =	vld.idx.msk [tilespmem:v2+s25+$0x0], $0xffff;
	_ =	sdelay $0x5  }
0xe2: {  	[tilespmem:s18+$0x5720] =	vst v2;
	v2 =	vld [tilespmem:s18+$0x2840]  }
0xe3: {  	v1 =	vld.idx.msk [tilespmem:v1+s25+$0x0], $0xffff;
	_ =	sdelay $0x5  }
0xe4: {  	[tilespmem:s18+$0x5730] =	vst v1;
	v1 =	vld [tilespmem:s18+$0x2850]  }
0xe5: {  	v2 =	vld.idx.msk [tilespmem:v2+s25+$0x0], $0xffff  }
.Ltmp5:
0xe6: {  	(pc) =	sbr.rel @p0 .LBB2_12-.Ltmp5, $2  }
0xe7: {  	_ =	sdelay $0x2  }
0xe8: {  	s4 =	sshra.s32 s20, $0x2;
	s20 =	sadd.s32 $0x140, s20  }
0xe9: {  	_ =	sdelay $0x1  }
0xea: {  	v3 =	vld [tilespmem:s4+$0x2810]  }
0xeb: {  	[tilespmem:s18+$0x5740] =	vst v2  }
0xec: {  	v1 =	vld.idx.msk [tilespmem:v1+s25+$0x0], $0xffff;
	_ =	sdelay $0x4  }
0xed: {  	v2 =	vld [tilespmem:s4+$0x2820];
	[tilespmem:s18+$0x5750] =	vst v1  }
0xee: {  	v1 =	vld.idx.msk [tilespmem:v3+s25+$0x0], $0xffff;
	_ =	sdelay $0x4  }
0xef: {  	[tilespmem:s4+$0x5710] =	vst v1;
	v1 =	vld [tilespmem:s4+$0x2830];
	_ =	sdelay $0x1  }
0xf0: {  	v2 =	vld.idx.msk [tilespmem:v2+s25+$0x0], $0xffff;
	_ =	sdelay $0x4  }
0xf1: {  	[tilespmem:s4+$0x5720] =	vst v2;
	v2 =	vld [tilespmem:s4+$0x2840]  }
0xf2: {  	v1 =	vld.idx.msk [tilespmem:v1+s25+$0x0], $0xffff;
	_ =	sdelay $0x4  }
0xf3: {  	[tilespmem:s4+$0x5730] =	vst v1;
	v1 =	vld [tilespmem:s4+$0x2850];
	_ =	sdelay $0x1  }
0xf4: {  	v2 =	vld.idx.msk [tilespmem:v2+s25+$0x0], $0xffff;
	_ =	sdelay $0x4  }
0xf5: {  	[tilespmem:s4+$0x5740] =	vst v2  }
0xf6: {  	v1 =	vld.idx.msk [tilespmem:v1+s25+$0x0], $0xffff;
	_ =	sdelay $0x4  }
0xf7: {  	s20 =	simm.s32 $0x5710;
	[tilespmem:s4+$0x5750] =	vst v1  }
0xf8: {  	[hbm4b:s15+s3] =	stream.linear.scatter [tilespmem:s20], [sflag:$0xC], $0x7D0, $0x38;
	[tilespmem:$0x5F00] =	vst v63  }
0xf9: {  	_ =	swait.ge [sflag:s21], $0x7D0  }
0xfa: {  	[sflag:s21] =	ssyncset.done $0x0  }
0xfb: {  	[sflag:s21] =	ssyncadd.s32 $0xFFFFF830  }
0xfc: {  	_ =	swait.ge [sflag:s22], $0x7D0  }
0xfd: {  	[sflag:s22] =	ssyncset.done $0x0  }
0xfe: {  	[sflag:s22] =	ssyncadd.s32 $0xFFFFF830  }
0xff: {  	_ =	swait.ge [sflag:s23], $0x7D0  }
0x100: {  	[sflag:s23] =	ssyncset.done $0x0  }
0x101: {  	[sflag:s23] =	ssyncadd.s32 $0xFFFFF830  }
0x102: {  	_ =	swait.ge [sflag:s26], $0x7D0  }
0x103: {  	[sflag:s26] =	ssyncset.done $0x0  }
0x104: {  	s0 =	sadd.s32 $0x1, s0;
	[sflag:s26] =	ssyncadd.s32 $0xFFFFF830  }
0x105: {  	p0 =	sne.s32 s0, s16;
	_ =	swait.ge [sflag:s29], $0x7D0  }
.Ltmp6:
0x106: {  	[sflag:s29] =	ssyncset.done $0x0;
	(pc) =	sbr.rel @p0 .LBB2_1-.Ltmp6, $4  }
0x107: {  	[sflag:s29] =	ssyncadd.s32 $0xFFFFF830  }
0x108: {  	_ =	swait.ge [sflag:s31], $0x7D0  }
0x109: {  	[sflag:s31] =	ssyncset.done $0x0  }
0x10a: {  	[sflag:s31] =	ssyncadd.s32 $0xFFFFF830  }
0x10b: {  	_ =	sfence.sel $0x180000  }
0x10c: {  	[bflag:$0x0] =	sbarrier.arrive $0xFFFF  }
0x10d: {  	_ =	strace $0x90000047  }
0x10e: {  	s0 =	stileid.u32;
	[bflag:$0x2] =	sbarrier.arrive $0xFFFF  }
0x10f: {  	p0 =	sne.s32 s0, $0x0;
	s0 =	rddreg [dreg:$0x3]  }
0x110: {  	s0 =	sadd.s32 @!p0 $0x100000, s0  }
0x111: {  	[sflag:s0] =	ssyncadd.tile.s32 @!p0 $0x1;
	_ =	shalt  }
.Lfunc_end2:
_tile_overlayer_lowered:
.L_overlay_start_2:
0x112: {  	(tag) =	ssettag $0x2  }
0x113: {  	s0 =	rddreg [dreg:$0x0];
	s2 =	stileid.u32  }
0x114: {  	s1 =	rddreg [dreg:$0x1];
	p0 =	sne.s32 s2, $0x0  }
0x115: {  	s3 =	rddreg [dreg:$0x2];
	[bflag:$0x3] =	sbarrier.arrive $0xFFFF;
	s2 =	simm.s32 @!p0 $0x1C0D  }
0x116: {  	[timem:s3], [sflag:s2] =	dma.local @!p0 [hbm:s0], s1  }
0x117: {  	s0 =	simm.s32 @!p0 $0xD  }
0x118: {  	_ =	swait.ge @!p0 [sflag:s0], s1  }
0x119: {  	s1 =	ssub.s32 @!p0 $0x0, s1;
	[sflag:s0] =	ssyncset.done @!p0 $0x0  }
0x11a: {  	[sflag:s0] =	ssyncadd.s32 @!p0 s1  }
0x11b: {  	[bflag:$0x3] =	sbarrier.arrive $0xFFFF  }
0x11c: {  	_ =	shalt  }

</sc_bundles>
